<compile_context>
chip_gen: v7x
topology: tpu7x:2x2x1
jax: 0.10.2.dev20260603
libtpu: 0.0.44.dev20260713+nightly
codegen_flags: <defaults>
</compile_context>

<pallas_src>
import functools

import jax
import jax.numpy as jnp
from jax import lax
from jax.experimental import pallas as pl
from jax.experimental.pallas import tpu as pltpu
from jax.experimental.pallas import tpu_sc as plsc

N = 10000
E = 320000
T = 8
A = 16
H = 128
I = 64

NTILES = 32
LANES = 16
CHUNK = 80
GCH = 16
NG = 8
CH = NG * GCH
RPT_E = E // NTILES
EPT = CH * CHUNK
TPAD = EPT - RPT_E
NP = 10240
RPT = 625
NAGG = 16 * RPT
NB = 640
GRIDA = NP // NB
NB2 = 1024
GRID2 = NP // NB2

_mesh = plsc.VectorSubcoreMesh(core_axis_name="c", subcore_axis_name="s")
_sc_params = pltpu.CompilerParams(needs_layout_passes=False,
                                  use_tc_tiling_on_sc=False)


@functools.partial(
    pl.kernel,
    out_type=(jax.ShapeDtypeStruct((NTILES, NP), jnp.float32),
              jax.ShapeDtypeStruct((NTILES, NP), jnp.float32)),
    mesh=_mesh,
    scratch_types=[
        pltpu.VMEM((RPT_E,), jnp.int32),
        pltpu.VMEM((RPT_E,), jnp.int32),
        pltpu.VMEM((NP,), jnp.float32),
        pltpu.VMEM((NP,), jnp.float32),
    ],
    compiler_params=_sc_params,
)
def _sc_degrees(edge_hbm, dego_hbm, degi_hbm, src_v, dst_v, ho_v, hi_v):
    c = lax.axis_index("c")
    s = lax.axis_index("s")
    wid = c * 16 + s
    pltpu.sync_copy(edge_hbm.at[0, pl.ds(wid * RPT_E, RPT_E)], src_v)
    pltpu.sync_copy(edge_hbm.at[1, pl.ds(wid * RPT_E, RPT_E)], dst_v)
    zeros = jnp.zeros((LANES,), jnp.float32)
    ones = jnp.ones((LANES,), jnp.float32)

    def zero_body(v, _):
        ho_v[pl.ds(v * LANES, LANES)] = zeros
        hi_v[pl.ds(v * LANES, LANES)] = zeros
        return _

    lax.fori_loop(0, NP // LANES, zero_body, 0)

    def hist_body(v, _):
        si = src_v[pl.ds(v * LANES, LANES)]
        di = dst_v[pl.ds(v * LANES, LANES)]
        plsc.addupdate_scatter(ho_v, [si], ones)
        plsc.addupdate_scatter(hi_v, [di], ones)
        return _

    lax.fori_loop(0, RPT_E // LANES, hist_body, 0)
    pltpu.sync_copy(ho_v, dego_hbm.at[wid])
    pltpu.sync_copy(hi_v, degi_hbm.at[wid])


def _tc_gru_body(a_ref, h0_ref, wih_ref, whh_ref, bih_ref, bhh_ref,
                 lng_ref, lnb_ref, degp_ref, hfin_ref, xsc_ref):
    blk = pl.program_id(0)
    wih = wih_ref[...]
    whh = whh_ref[...]
    bih = bih_ref[...]
    bhh = bhh_ref[...]
    a = a_ref[...]
    h = h0_ref[0]
    for t in range(T):
        x_t = a[:, t * A:(t + 1) * A]
        gi = jnp.dot(x_t, wih, preferred_element_type=jnp.float32) + bih
        gh = jnp.dot(h, whh, preferred_element_type=jnp.float32) + bhh
        i_r = gi[:, :H]
        i_z = gi[:, H:2 * H]
        i_n = gi[:, 2 * H:]
        h_r = gh[:, :H]
        h_z = gh[:, H:2 * H]
        h_n = gh[:, 2 * H:]
        r = jax.nn.sigmoid(i_r + h_r)
        z = jax.nn.sigmoid(i_z + h_z)
        n = jnp.tanh(i_n + r * h_n)
        h = (1.0 - z) * n + z * h
    hfin_ref[...] = h

    mu = jnp.mean(h, axis=1, keepdims=True)
    d = h - mu
    var = jnp.mean(d * d, axis=1, keepdims=True)
    x = d * lax.rsqrt(var + 1e-5) * lng_ref[...] + lnb_ref[...]

    deg = jnp.sum(degp_ref[...], axis=0).reshape(NB, 1)
    norm_src = lax.rsqrt(jnp.maximum(deg, 1.0))
    row = jax.lax.broadcasted_iota(jnp.int32, (NB, 1), 0) + blk * NB
    xsc_ref[...] = jnp.where(row < N, x * norm_src, 0.0)


def _tc_gru(acts, hidden, wihT, whhT, bih, bhh, lng, lnb, deg_out_parts):
    return pl.pallas_call(
        _tc_gru_body,
        grid=(GRIDA,),
        in_specs=[
            pl.BlockSpec((NB, T * A), lambda i: (i, 0)),
            pl.BlockSpec((1, NB, H), lambda i: (0, i, 0)),
            pl.BlockSpec((A, 3 * H), lambda i: (0, 0)),
            pl.BlockSpec((H, 3 * H), lambda i: (0, 0)),
            pl.BlockSpec((1, 3 * H), lambda i: (0, 0)),
            pl.BlockSpec((1, 3 * H), lambda i: (0, 0)),
            pl.BlockSpec((1, H), lambda i: (0, 0)),
            pl.BlockSpec((1, H), lambda i: (0, 0)),
            pl.BlockSpec((NTILES, NB), lambda i: (0, i)),
        ],
        out_specs=[
            pl.BlockSpec((NB, H), lambda i: (i, 0)),
            pl.BlockSpec((NB, H), lambda i: (i, 0)),
        ],
        out_shape=[
            jax.ShapeDtypeStruct((N, H), jnp.float32),
            jax.ShapeDtypeStruct((NP, H), jnp.float32),
        ],
    )(acts, hidden, wihT, whhT, bih, bhh, lng, lnb, deg_out_parts)


@functools.partial(
    pl.kernel,
    out_type=jax.ShapeDtypeStruct((2, NAGG, H), jnp.float32),
    mesh=_mesh,
    scratch_types=[
        pltpu.VMEM((2, GCH, CHUNK), jnp.int32),
        pltpu.VMEM((2, GCH, CHUNK), jnp.int32),
        pltpu.VMEM((4, CHUNK, H), jnp.float32),
        pltpu.VMEM_SHARED((NAGG, H), jnp.float32),
        pltpu.SemaphoreType.DMA,
        pltpu.SemaphoreType.DMA,
        pltpu.SemaphoreType.DMA,
        pltpu.SemaphoreType.DMA,
    ],
    compiler_params=_sc_params,
)
def _sc_gather_scatter(x_hbm, src_hbm, dst_hbm, zeros_hbm, out_hbm,
                       src_v, dst_v, bufs, agg_sh, g0, g1, s0, s1):
    c = lax.axis_index("c")
    s = lax.axis_index("s")
    wid = c * 16 + s
    gsems = (g0, g1)
    ssems = (s0, s1)

    def srow(ci):
        return src_v.at[(ci // GCH) % 2, ci % GCH]

    def drow(ci):
        return dst_v.at[(ci // GCH) % 2, ci % GCH]

    pltpu.sync_copy(zeros_hbm, agg_sh.at[pl.ds(s * RPT, RPT)])
    pltpu.sync_copy(src_hbm.at[wid, 0], src_v.at[0])
    pltpu.sync_copy(dst_hbm.at[wid, 0], dst_v.at[0])
    plsc.subcore_barrier()

    pltpu.async_copy(x_hbm.at[srow(0)], bufs.at[0], g0)
    pltpu.async_copy(x_hbm.at[srow(1)], bufs.at[1], g1)

    def group(g, _):
        slot = g % 2
        nslot = (g + 1) % 2
        for j in range(GCH):
            if j == 2:
                @pl.when(g < NG - 1)
                def _prefetch():
                    pltpu.sync_copy(src_hbm.at[wid, g + 1], src_v.at[nslot])
                    pltpu.sync_copy(dst_hbm.at[wid, g + 1], dst_v.at[nslot])
            pltpu.make_async_copy(x_hbm.at[src_v.at[slot, j]],
                                  bufs.at[j % 4], gsems[j % 2]).wait()
            if j >= 2:
                pltpu.make_async_copy(bufs.at[(j - 2) % 4],
                                      agg_sh.at[dst_v.at[slot, j - 2]],
                                      ssems[j % 2]).wait()
            else:
                @pl.when(g > 0)
                def _wait_prev():
                    pltpu.make_async_copy(bufs.at[(j - 2) % 4],
                                          agg_sh.at[dst_v.at[nslot,
                                                             GCH + j - 2]],
                                          ssems[j % 2]).wait()
            pltpu.async_copy(bufs.at[j % 4], agg_sh.at[dst_v.at[slot, j]],
                             ssems[j % 2], add=True)
            if j < GCH - 2:
                pltpu.async_copy(x_hbm.at[src_v.at[slot, j + 2]],
                                 bufs.at[(j + 2) % 4], gsems[j % 2])
            else:
                @pl.when(g < NG - 1)
                def _fire_next():
                    pltpu.async_copy(x_hbm.at[src_v.at[nslot, j + 2 - GCH]],
                                     bufs.at[(j + 2) % 4], gsems[j % 2])
        return _

    lax.fori_loop(0, NG, group, 0)

    pltpu.make_async_copy(bufs.at[(CH - 2) % 4], agg_sh.at[drow(CH - 2)],
                          ssems[(CH - 2) % 2]).wait()
    pltpu.make_async_copy(bufs.at[(CH - 1) % 4], agg_sh.at[drow(CH - 1)],
                          ssems[(CH - 1) % 2]).wait()

    plsc.subcore_barrier()
    pltpu.sync_copy(agg_sh.at[pl.ds(s * RPT, RPT)],
                    out_hbm.at[c, pl.ds(s * RPT, RPT)])


def _tc_heads_body(agg2_ref, degp_ref, gw_ref, gb_ref,
                   wam_ref, bam_ref, was_ref, bas_ref,
                   wgm_ref, bgm_ref, wgs_ref, bgs_ref,
                   am_ref, as_ref, gm_ref, gs_ref):
    agg = agg2_ref[0] + agg2_ref[1]
    deg = jnp.sum(degp_ref[...], axis=0).reshape(NB2, 1)
    norm_dst = lax.rsqrt(jnp.maximum(deg, 1.0))
    hg = jnp.dot(agg * norm_dst, gw_ref[...],
                 preferred_element_type=jnp.float32) + gb_ref[...]
    am_ref[...] = jnp.dot(hg, wam_ref[...],
                          preferred_element_type=jnp.float32) + bam_ref[...]
    as_ref[...] = jax.nn.softplus(
        jnp.dot(hg, was_ref[...], preferred_element_type=jnp.float32)
        + bas_ref[...])
    gm_ref[...] = jnp.dot(hg, wgm_ref[...],
                          preferred_element_type=jnp.float32) + bgm_ref[...]
    gs_ref[...] = jax.nn.softplus(
        jnp.dot(hg, wgs_ref[...], preferred_element_type=jnp.float32)
        + bgs_ref[...])


def _tc_heads(agg2, deg_in_parts, gcn_W, gcn_b,
              wamT, bam, wasT, bas, wgmT, bgm, wgsT, bgs):
    return pl.pallas_call(
        _tc_heads_body,
        grid=(GRID2,),
        in_specs=[
            pl.BlockSpec((2, NB2, H), lambda i: (0, i, 0)),
            pl.BlockSpec((NTILES, NB2), lambda i: (0, i)),
            pl.BlockSpec((H, H), lambda i: (0, 0)),
            pl.BlockSpec((1, H), lambda i: (0, 0)),
            pl.BlockSpec((H, I), lambda i: (0, 0)),
            pl.BlockSpec((1, I), lambda i: (0, 0)),
            pl.BlockSpec((H, I), lambda i: (0, 0)),
            pl.BlockSpec((1, I), lambda i: (0, 0)),
            pl.BlockSpec((H, I), lambda i: (0, 0)),
            pl.BlockSpec((1, I), lambda i: (0, 0)),
            pl.BlockSpec((H, I), lambda i: (0, 0)),
            pl.BlockSpec((1, I), lambda i: (0, 0)),
        ],
        out_specs=[pl.BlockSpec((NB2, I), lambda i: (i, 0))] * 4,
        out_shape=[jax.ShapeDtypeStruct((N, I), jnp.float32)] * 4,
    )(agg2, deg_in_parts, gcn_W, gcn_b, wamT, bam, wasT, bas, wgmT, bgm, wgsT, bgs)


def kernel(actions, hidden, edge_index, W_ih, W_hh, b_ih, b_hh, ln_g, ln_b,
           gcn_W, gcn_b, zIA_mu_W, zIA_mu_b, zIA_std_W, zIA_std_b,
           zIG_mu_W, zIG_mu_b, zIG_std_W, zIG_std_b):
    f32 = jnp.float32
    src = edge_index[0].reshape(NTILES, RPT_E)
    dst = edge_index[1].reshape(NTILES, RPT_E)
    ar = jnp.arange(TPAD, dtype=jnp.int32)
    pad_src = jnp.broadcast_to(N + ar[None, :], (NTILES, TPAD))
    ks = jnp.arange(NTILES, dtype=jnp.int32)
    pad_dst = (ks[:, None] * 997 + ar[None, :] * 131) % N
    src_t = jnp.concatenate([src, pad_src], axis=1)
    dst_gat = jnp.concatenate([dst, pad_dst], axis=1)

    dego_parts, degi_parts = _sc_degrees(edge_index)

    h_final, x_scaled = _tc_gru(
        actions.reshape(N, T * A), hidden, W_ih.T, W_hh.T,
        b_ih.reshape(1, 3 * H), b_hh.reshape(1, 3 * H),
        ln_g.reshape(1, H), ln_b.reshape(1, H), dego_parts)

    zeros = jnp.zeros((RPT, H), f32)
    agg2 = _sc_gather_scatter(x_scaled,
                              src_t.reshape(NTILES, NG, GCH, CHUNK),
                              dst_gat.reshape(NTILES, NG, GCH, CHUNK),
                              zeros)

    zIA_mu, zIA_std, zIG_mu, zIG_std = _tc_heads(
        agg2, degi_parts, gcn_W, gcn_b.reshape(1, H),
        zIA_mu_W.T, zIA_mu_b.reshape(1, I),
        zIA_std_W.T, zIA_std_b.reshape(1, I),
        zIG_mu_W.T, zIG_mu_b.reshape(1, I),
        zIG_std_W.T, zIG_std_b.reshape(1, I))

    return zIG_mu, zIG_std, zIA_mu, zIA_std, h_final[None]

# --- scband reference (transcript-rebuilt; emitter-appended) ---
"""Pipeline reference for scband-prior-23416161697849 (READ-ONLY COPY).

The authoritative reference and input builder live on the scoring server;
editing this copy changes nothing except your own understanding.
"""

import jax, jax.numpy as jnp
import numpy as np

N = 10000
E = 320000
T = 8
A = 16
H = 128
I = 64


def setup_inputs(seed: int = 0):
    key = jax.random.key(seed)
    ks = jax.random.split(key, 16)
    s = 0.05
    inp = {}
    inp["actions"] = jax.random.normal(ks[0], (N, T, A), dtype=jnp.float32)
    inp["hidden"] = jnp.zeros((1, N, H), dtype=jnp.float32)
    inp["edge_index"] = jax.random.randint(ks[1], (2, E), 0, N, dtype=jnp.int32)
    inp["W_ih"] = jax.random.normal(ks[2], (3 * H, A), dtype=jnp.float32) * s
    inp["W_hh"] = jax.random.normal(ks[3], (3 * H, H), dtype=jnp.float32) * s
    inp["b_ih"] = jnp.zeros((3 * H,), dtype=jnp.float32)
    inp["b_hh"] = jnp.zeros((3 * H,), dtype=jnp.float32)
    inp["ln_g"] = jnp.ones((H,), dtype=jnp.float32)
    inp["ln_b"] = jnp.zeros((H,), dtype=jnp.float32)
    inp["gcn_W"] = jax.random.normal(ks[4], (H, H), dtype=jnp.float32) * s
    inp["gcn_b"] = jnp.full((H,), 0.1, dtype=jnp.float32)
    inp["zIA_mu_W"] = jax.random.normal(ks[5], (I, H), dtype=jnp.float32) * s
    inp["zIA_mu_b"] = jnp.full((I,), 0.1, dtype=jnp.float32)
    inp["zIA_std_W"] = jax.random.normal(ks[6], (I, H), dtype=jnp.float32) * s
    inp["zIA_std_b"] = jnp.full((I,), 0.1, dtype=jnp.float32)
    inp["zIG_mu_W"] = jax.random.normal(ks[7], (I, H), dtype=jnp.float32) * s
    inp["zIG_mu_b"] = jnp.full((I,), 0.1, dtype=jnp.float32)
    inp["zIG_std_W"] = jax.random.normal(ks[8], (I, H), dtype=jnp.float32) * s
    inp["zIG_std_b"] = jnp.full((I,), 0.1, dtype=jnp.float32)
    return inp


def _forward(actions, hidden, W_ih, W_hh, b_ih, b_hh, ln_g, ln_b, gcn_W, gcn_b,
             zIA_mu_W, zIA_mu_b, zIA_std_W, zIA_std_b,
             zIG_mu_W, zIG_mu_b, zIG_std_W, zIG_std_b, edge_index):
    # actions: [N, T, A] -> transpose(1, 0) -> [T, N, A] (seq-major for GRU)
    a = jnp.transpose(actions, (1, 0, 2))

    def gru_step(h, x_t):
        gi = x_t @ W_ih.T + b_ih
        gh = h @ W_hh.T + b_hh
        i_r, i_z, i_n = jnp.split(gi, 3, axis=-1)
        h_r, h_z, h_n = jnp.split(gh, 3, axis=-1)
        r = jax.nn.sigmoid(i_r + h_r)
        z = jax.nn.sigmoid(i_z + h_z)
        n = jnp.tanh(i_n + r * h_n)
        h_new = (1.0 - z) * n + z * h
        return h_new, None

    h_final, _ = jax.lax.scan(gru_step, hidden[0], a)  # [N, H]

    # feature_norm (LayerNorm)
    mu = jnp.mean(h_final, axis=-1, keepdims=True)
    var = jnp.var(h_final, axis=-1, keepdims=True)
    x = (h_final - mu) / jnp.sqrt(var + 1e-5) * ln_g + ln_b

    # GraphConv with symmetric ('both') normalization
    src = edge_index[0]
    dst = edge_index[1]
    ones = jnp.ones((E,), dtype=jnp.float32)
    deg_out = jnp.clip(jax.ops.segment_sum(ones, src, num_segments=N), 1.0)
    deg_in = jnp.clip(jax.ops.segment_sum(ones, dst, num_segments=N), 1.0)
    norm_src = deg_out ** -0.5
    norm_dst = deg_in ** -0.5
    msg = (x * norm_src[:, None])[src]              # gather over edges
    agg = jax.ops.segment_sum(msg, dst, num_segments=N)  # scatter-add
    h_gcn = (agg * norm_dst[:, None]) @ gcn_W + gcn_b

    zIA_mu = h_gcn @ zIA_mu_W.T + zIA_mu_b
    zIA_std = jax.nn.softplus(h_gcn @ zIA_std_W.T + zIA_std_b)
    zIG_mu = h_gcn @ zIG_mu_W.T + zIG_mu_b
    zIG_std = jax.nn.softplus(h_gcn @ zIG_std_W.T + zIG_std_b)
    return zIG_mu, zIG_std, zIA_mu, zIA_std, h_final[None]


def reference(actions, hidden, edge_index, W_ih, W_hh, b_ih, b_hh, ln_g, ln_b,
              gcn_W, gcn_b, zIA_mu_W, zIA_mu_b, zIA_std_W, zIA_std_b,
              zIG_mu_W, zIG_mu_b, zIG_std_W, zIG_std_b):
    return _forward(actions, hidden, W_ih, W_hh, b_ih, b_hh, ln_g, ln_b,
                    gcn_W, gcn_b, zIA_mu_W, zIA_mu_b, zIA_std_W, zIA_std_b,
                    zIG_mu_W, zIG_mu_b, zIG_std_W, zIG_std_b, edge_index)

if __name__ == "__main__":
    import jax
    _d = setup_inputs()
    print(jax.jit(kernel)(*tuple(_d.values())))

</pallas_src>

<mosaic_0001>
#map = affine_map<(d0, d1) -> (0, 0)>
#map1 = affine_map<(d0, d1) -> (0, 0, 0, 0)>
#map2 = affine_map<(d0, d1) -> (0, 0, 0)>
module attributes {stable_mosaic.version = 14 : i64} {
  func.func @_sc_gather_scatter(%arg0: i32, %arg1: i32, %arg2: memref<10240x128xf32, #tpu.memory_space<hbm>>, %arg3: memref<32x8x16x80xi32, #tpu.memory_space<hbm>>, %arg4: memref<32x8x16x80xi32, #tpu.memory_space<hbm>>, %arg5: memref<625x128xf32, #tpu.memory_space<hbm>>, %arg6: memref<2x10000x128xf32, #tpu.memory_space<hbm>>, %arg7: memref<2x16x80xi32, #tpu.memory_space<vmem>>, %arg8: memref<2x16x80xi32, #tpu.memory_space<vmem>>, %arg9: memref<4x80x128xf32, #tpu.memory_space<vmem>>, %arg10: memref<10000x128xf32, #tpu.memory_space<vmem_shared>>, %arg11: memref<!tpu.dma_semaphore, #tpu.memory_space<semaphore_mem>>, %arg12: memref<!tpu.dma_semaphore, #tpu.memory_space<semaphore_mem>>, %arg13: memref<!tpu.dma_semaphore, #tpu.memory_space<semaphore_mem>>, %arg14: memref<!tpu.dma_semaphore, #tpu.memory_space<semaphore_mem>>) attributes {dimension_semantics = [#tpu.dimension_semantics<core_parallel>, #tpu.dimension_semantics<subcore_parallel>], iteration_bounds = array<i64: 2, 16>, scalar_prefetch = 0 : i64, scratch_operands = 8 : i64, tpu.core_type = #tpu.core_type<sc_vector_subcore>, window_params = [{transform_indices = #map}, {transform_indices = #map1}, {transform_indices = #map1}, {transform_indices = #map}, {transform_indices = #map2}]} {
    %mul3A = arith.constant 16 : i32
    %mul3A_0 = arith.muli %arg0, %mul3A : i32
    %add3A = arith.addi %mul3A_0, %arg1 : i32
    %mul3A_1 = arith.constant 625 : i32
    %mul3A_2 = arith.muli %arg1, %mul3A_1 : i32
    "tpu.region"() ({
      %run_scoped3A_66 = tpu.sem_alloc : memref<!tpu.dma_semaphore, #tpu.memory_space<semaphore_mem>>
      %dma_start3A_67 = arith.constant 0 : i32
      %dma_start3A_68 = tpu.memref_slice %arg10[%mul3A_2, %dma_start3A_67] : memref<10000x128xf32, #tpu.memory_space<vmem_shared>> -> memref<625x128xf32, #tpu.memory_space<vmem_shared>>
      tpu.enqueue_dma source(%arg5 : memref<625x128xf32, #tpu.memory_space<hbm>>) target(%dma_start3A_68 : memref<625x128xf32, #tpu.memory_space<vmem_shared>>) target_semaphore(%run_scoped3A_66 : memref<!tpu.dma_semaphore, #tpu.memory_space<semaphore_mem>>)
      %dma_wait3A_69 = arith.constant 0 : i32
      %dma_wait3A_70 = tpu.memref_slice %arg10[%mul3A_2, %dma_wait3A_69] : memref<10000x128xf32, #tpu.memory_space<vmem_shared>> -> memref<625x128xf32, #tpu.memory_space<vmem_shared>>
      tpu.wait_dma2 semaphore(%run_scoped3A_66 : memref<!tpu.dma_semaphore, #tpu.memory_space<semaphore_mem>>) src(%arg5 : memref<625x128xf32, #tpu.memory_space<hbm>>) dst(%dma_wait3A_70 : memref<625x128xf32, #tpu.memory_space<vmem_shared>>)
      tpu.yield
    }) : () -> ()
    %run_scoped3A = arith.constant 0 : i32
    %run_scoped3A_3 = arith.constant 0 : i32
    "tpu.region"() ({
      %run_scoped3A_66 = tpu.sem_alloc : memref<!tpu.dma_semaphore, #tpu.memory_space<semaphore_mem>>
      %dma_start3A_67 = arith.constant 0 : i32
      %dma_start3A_68 = arith.constant 0 : i32
      %dma_start3A_69 = tpu.memref_slice %arg7[%run_scoped3A_3, %dma_start3A_67, %dma_start3A_68] : memref<2x16x80xi32, #tpu.memory_space<vmem>> -> memref<1x16x80xi32, #tpu.memory_space<vmem>>
      %dma_start3A_70 = tpu.memref_squeeze %dma_start3A_69 : memref<1x16x80xi32, #tpu.memory_space<vmem>> -> memref<16x80xi32, #tpu.memory_space<vmem>>
      %dma_start3A_71 = arith.constant 0 : i32
      %dma_start3A_72 = arith.constant 0 : i32
      %dma_start3A_73 = tpu.memref_slice %arg3[%add3A, %run_scoped3A, %dma_start3A_71, %dma_start3A_72] : memref<32x8x16x80xi32, #tpu.memory_space<hbm>> -> memref<1x1x16x80xi32, #tpu.memory_space<hbm>>
      %dma_start3A_74 = tpu.memref_squeeze %dma_start3A_73 : memref<1x1x16x80xi32, #tpu.memory_space<hbm>> -> memref<16x80xi32, #tpu.memory_space<hbm>>
      %dma_start3A_75 = arith.constant 0 : i32
      %dma_start3A_76 = arith.constant 0 : i32
      %dma_start3A_77 = tpu.memref_slice %arg7[%run_scoped3A_3, %dma_start3A_75, %dma_start3A_76] : memref<2x16x80xi32, #tpu.memory_space<vmem>> -> memref<1x16x80xi32, #tpu.memory_space<vmem>>
      %dma_start3A_78 = tpu.memref_squeeze %dma_start3A_77 : memref<1x16x80xi32, #tpu.memory_space<vmem>> -> memref<16x80xi32, #tpu.memory_space<vmem>>
      %dma_start3A_79 = arith.constant 0 : i32
      %dma_start3A_80 = arith.constant 0 : i32
      %dma_start3A_81 = tpu.memref_slice %arg3[%add3A, %run_scoped3A, %dma_start3A_79, %dma_start3A_80] : memref<32x8x16x80xi32, #tpu.memory_space<hbm>> -> memref<1x1x16x80xi32, #tpu.memory_space<hbm>>
      %dma_start3A_82 = tpu.memref_squeeze %dma_start3A_81 : memref<1x1x16x80xi32, #tpu.memory_space<hbm>> -> memref<16x80xi32, #tpu.memory_space<hbm>>
      tpu.enqueue_dma source(%dma_start3A_82 : memref<16x80xi32, #tpu.memory_space<hbm>>) target(%dma_start3A_78 : memref<16x80xi32, #tpu.memory_space<vmem>>) target_semaphore(%run_scoped3A_66 : memref<!tpu.dma_semaphore, #tpu.memory_space<semaphore_mem>>)
      %dma_wait3A_83 = arith.constant 0 : i32
      %dma_wait3A_84 = arith.constant 0 : i32
      %dma_wait3A_85 = tpu.memref_slice %arg7[%run_scoped3A_3, %dma_wait3A_83, %dma_wait3A_84] : memref<2x16x80xi32, #tpu.memory_space<vmem>> -> memref<1x16x80xi32, #tpu.memory_space<vmem>>
      %dma_wait3A_86 = tpu.memref_squeeze %dma_wait3A_85 : memref<1x16x80xi32, #tpu.memory_space<vmem>> -> memref<16x80xi32, #tpu.memory_space<vmem>>
      %dma_wait3A_87 = arith.constant 0 : i32
      %dma_wait3A_88 = arith.constant 0 : i32
      %dma_wait3A_89 = tpu.memref_slice %arg3[%add3A, %run_scoped3A, %dma_wait3A_87, %dma_wait3A_88] : memref<32x8x16x80xi32, #tpu.memory_space<hbm>> -> memref<1x1x16x80xi32, #tpu.memory_space<hbm>>
      %dma_wait3A_90 = tpu.memref_squeeze %dma_wait3A_89 : memref<1x1x16x80xi32, #tpu.memory_space<hbm>> -> memref<16x80xi32, #tpu.memory_space<hbm>>
      %dma_wait3A_91 = arith.constant 0 : i32
      %dma_wait3A_92 = arith.constant 0 : i32
      %dma_wait3A_93 = tpu.memref_slice %arg7[%run_scoped3A_3, %dma_wait3A_91, %dma_wait3A_92] : memref<2x16x80xi32, #tpu.memory_space<vmem>> -> memref<1x16x80xi32, #tpu.memory_space<vmem>>
      %dma_wait3A_94 = tpu.memref_squeeze %dma_wait3A_93 : memref<1x16x80xi32, #tpu.memory_space<vmem>> -> memref<16x80xi32, #tpu.memory_space<vmem>>
      %dma_wait3A_95 = arith.constant 0 : i32
      %dma_wait3A_96 = arith.constant 0 : i32
      %dma_wait3A_97 = tpu.memref_slice %arg3[%add3A, %run_scoped3A, %dma_wait3A_95, %dma_wait3A_96] : memref<32x8x16x80xi32, #tpu.memory_space<hbm>> -> memref<1x1x16x80xi32, #tpu.memory_space<hbm>>
      %dma_wait3A_98 = tpu.memref_squeeze %dma_wait3A_97 : memref<1x1x16x80xi32, #tpu.memory_space<hbm>> -> memref<16x80xi32, #tpu.memory_space<hbm>>
      tpu.wait_dma2 semaphore(%run_scoped3A_66 : memref<!tpu.dma_semaphore, #tpu.memory_space<semaphore_mem>>) src(%dma_wait3A_98 : memref<16x80xi32, #tpu.memory_space<hbm>>) dst(%dma_wait3A_94 : memref<16x80xi32, #tpu.memory_space<vmem>>)
      tpu.yield
    }) : () -> ()
    %run_scoped3A_4 = arith.constant 0 : i32
    %run_scoped3A_5 = arith.constant 0 : i32
    "tpu.region"() ({
      %run_scoped3A_66 = tpu.sem_alloc : memref<!tpu.dma_semaphore, #tpu.memory_space<semaphore_mem>>
      %dma_start3A_67 = arith.constant 0 : i32
      %dma_start3A_68 = arith.constant 0 : i32
      %dma_start3A_69 = tpu.memref_slice %arg8[%run_scoped3A_5, %dma_start3A_67, %dma_start3A_68] : memref<2x16x80xi32, #tpu.memory_space<vmem>> -> memref<1x16x80xi32, #tpu.memory_space<vmem>>
      %dma_start3A_70 = tpu.memref_squeeze %dma_start3A_69 : memref<1x16x80xi32, #tpu.memory_space<vmem>> -> memref<16x80xi32, #tpu.memory_space<vmem>>
      %dma_start3A_71 = arith.constant 0 : i32
      %dma_start3A_72 = arith.constant 0 : i32
      %dma_start3A_73 = tpu.memref_slice %arg4[%add3A, %run_scoped3A_4, %dma_start3A_71, %dma_start3A_72] : memref<32x8x16x80xi32, #tpu.memory_space<hbm>> -> memref<1x1x16x80xi32, #tpu.memory_space<hbm>>
      %dma_start3A_74 = tpu.memref_squeeze %dma_start3A_73 : memref<1x1x16x80xi32, #tpu.memory_space<hbm>> -> memref<16x80xi32, #tpu.memory_space<hbm>>
      %dma_start3A_75 = arith.constant 0 : i32
      %dma_start3A_76 = arith.constant 0 : i32
      %dma_start3A_77 = tpu.memref_slice %arg8[%run_scoped3A_5, %dma_start3A_75, %dma_start3A_76] : memref<2x16x80xi32, #tpu.memory_space<vmem>> -> memref<1x16x80xi32, #tpu.memory_space<vmem>>
      %dma_start3A_78 = tpu.memref_squeeze %dma_start3A_77 : memref<1x16x80xi32, #tpu.memory_space<vmem>> -> memref<16x80xi32, #tpu.memory_space<vmem>>
      %dma_start3A_79 = arith.constant 0 : i32
      %dma_start3A_80 = arith.constant 0 : i32
      %dma_start3A_81 = tpu.memref_slice %arg4[%add3A, %run_scoped3A_4, %dma_start3A_79, %dma_start3A_80] : memref<32x8x16x80xi32, #tpu.memory_space<hbm>> -> memref<1x1x16x80xi32, #tpu.memory_space<hbm>>
      %dma_start3A_82 = tpu.memref_squeeze %dma_start3A_81 : memref<1x1x16x80xi32, #tpu.memory_space<hbm>> -> memref<16x80xi32, #tpu.memory_space<hbm>>
      tpu.enqueue_dma source(%dma_start3A_82 : memref<16x80xi32, #tpu.memory_space<hbm>>) target(%dma_start3A_78 : memref<16x80xi32, #tpu.memory_space<vmem>>) target_semaphore(%run_scoped3A_66 : memref<!tpu.dma_semaphore, #tpu.memory_space<semaphore_mem>>)
      %dma_wait3A_83 = arith.constant 0 : i32
      %dma_wait3A_84 = arith.constant 0 : i32
      %dma_wait3A_85 = tpu.memref_slice %arg8[%run_scoped3A_5, %dma_wait3A_83, %dma_wait3A_84] : memref<2x16x80xi32, #tpu.memory_space<vmem>> -> memref<1x16x80xi32, #tpu.memory_space<vmem>>
      %dma_wait3A_86 = tpu.memref_squeeze %dma_wait3A_85 : memref<1x16x80xi32, #tpu.memory_space<vmem>> -> memref<16x80xi32, #tpu.memory_space<vmem>>
      %dma_wait3A_87 = arith.constant 0 : i32
      %dma_wait3A_88 = arith.constant 0 : i32
      %dma_wait3A_89 = tpu.memref_slice %arg4[%add3A, %run_scoped3A_4, %dma_wait3A_87, %dma_wait3A_88] : memref<32x8x16x80xi32, #tpu.memory_space<hbm>> -> memref<1x1x16x80xi32, #tpu.memory_space<hbm>>
      %dma_wait3A_90 = tpu.memref_squeeze %dma_wait3A_89 : memref<1x1x16x80xi32, #tpu.memory_space<hbm>> -> memref<16x80xi32, #tpu.memory_space<hbm>>
      %dma_wait3A_91 = arith.constant 0 : i32
      %dma_wait3A_92 = arith.constant 0 : i32
      %dma_wait3A_93 = tpu.memref_slice %arg8[%run_scoped3A_5, %dma_wait3A_91, %dma_wait3A_92] : memref<2x16x80xi32, #tpu.memory_space<vmem>> -> memref<1x16x80xi32, #tpu.memory_space<vmem>>
      %dma_wait3A_94 = tpu.memref_squeeze %dma_wait3A_93 : memref<1x16x80xi32, #tpu.memory_space<vmem>> -> memref<16x80xi32, #tpu.memory_space<vmem>>
      %dma_wait3A_95 = arith.constant 0 : i32
      %dma_wait3A_96 = arith.constant 0 : i32
      %dma_wait3A_97 = tpu.memref_slice %arg4[%add3A, %run_scoped3A_4, %dma_wait3A_95, %dma_wait3A_96] : memref<32x8x16x80xi32, #tpu.memory_space<hbm>> -> memref<1x1x16x80xi32, #tpu.memory_space<hbm>>
      %dma_wait3A_98 = tpu.memref_squeeze %dma_wait3A_97 : memref<1x1x16x80xi32, #tpu.memory_space<hbm>> -> memref<16x80xi32, #tpu.memory_space<hbm>>
      tpu.wait_dma2 semaphore(%run_scoped3A_66 : memref<!tpu.dma_semaphore, #tpu.memory_space<semaphore_mem>>) src(%dma_wait3A_98 : memref<16x80xi32, #tpu.memory_space<hbm>>) dst(%dma_wait3A_94 : memref<16x80xi32, #tpu.memory_space<vmem>>)
      tpu.yield
    }) : () -> ()
    %barrier3A = arith.constant 0 : index
    tpu.barrier barrier_id(%barrier3A)
    %dma_start3A = arith.constant 0 : i32
    %dma_start3A_6 = arith.constant 0 : i32
    %dma_start3A_7 = arith.constant 0 : i32
    %dma_start3A_8 = arith.constant 0 : i32
    %dma_start3A_9 = arith.constant 0 : i32
    %dma_start3A_10 = tpu.memref_slice %arg9[%dma_start3A_7, %dma_start3A_8, %dma_start3A_9] : memref<4x80x128xf32, #tpu.memory_space<vmem>> -> memref<1x80x128xf32, #tpu.memory_space<vmem>>
    %dma_start3A_11 = tpu.memref_squeeze %dma_start3A_10 : memref<1x80x128xf32, #tpu.memory_space<vmem>> -> memref<80x128xf32, #tpu.memory_space<vmem>>
    %dma_start3A_12 = arith.constant 0 : i32
    %dma_start3A_13 = tpu.memref_slice %arg7[%dma_start3A, %dma_start3A_6, %dma_start3A_12] : memref<2x16x80xi32, #tpu.memory_space<vmem>> -> memref<1x1x80xi32, #tpu.memory_space<vmem>>
    %dma_start3A_14 = tpu.memref_squeeze %dma_start3A_13 : memref<1x1x80xi32, #tpu.memory_space<vmem>> -> memref<80xi32, #tpu.memory_space<vmem>>
    %dma_start3A_15 = arith.constant 0 : i32
    %dma_start3A_16 = arith.constant 0 : i32
    %dma_start3A_17 = tpu.memref_slice %arg2[%dma_start3A_15, %dma_start3A_16] : memref<10240x128xf32, #tpu.memory_space<hbm>> -> memref<10240x128xf32, #tpu.memory_space<hbm>>
    tpu.enqueue_indirect_dma source(%dma_start3A_17 : memref<10240x128xf32, #tpu.memory_space<hbm>>) target(%dma_start3A_11 : memref<80x128xf32, #tpu.memory_space<vmem>>) offsets(%dma_start3A_14 : memref<80xi32, #tpu.memory_space<vmem>>) semaphore(%arg11 : memref<!tpu.dma_semaphore, #tpu.memory_space<semaphore_mem>>)
    %dma_start3A_18 = arith.constant 0 : i32
    %dma_start3A_19 = arith.constant 1 : i32
    %dma_start3A_20 = arith.constant 1 : i32
    %dma_start3A_21 = arith.constant 0 : i32
    %dma_start3A_22 = arith.constant 0 : i32
    %dma_start3A_23 = tpu.memref_slice %arg9[%dma_start3A_20, %dma_start3A_21, %dma_start3A_22] : memref<4x80x128xf32, #tpu.memory_space<vmem>> -> memref<1x80x128xf32, #tpu.memory_space<vmem>>
    %dma_start3A_24 = tpu.memref_squeeze %dma_start3A_23 : memref<1x80x128xf32, #tpu.memory_space<vmem>> -> memref<80x128xf32, #tpu.memory_space<vmem>>
    %dma_start3A_25 = arith.constant 0 : i32
    %dma_start3A_26 = tpu.memref_slice %arg7[%dma_start3A_18, %dma_start3A_19, %dma_start3A_25] : memref<2x16x80xi32, #tpu.memory_space<vmem>> -> memref<1x1x80xi32, #tpu.memory_space<vmem>>
    %dma_start3A_27 = tpu.memref_squeeze %dma_start3A_26 : memref<1x1x80xi32, #tpu.memory_space<vmem>> -> memref<80xi32, #tpu.memory_space<vmem>>
    %dma_start3A_28 = arith.constant 0 : i32
    %dma_start3A_29 = arith.constant 0 : i32
    %dma_start3A_30 = tpu.memref_slice %arg2[%dma_start3A_28, %dma_start3A_29] : memref<10240x128xf32, #tpu.memory_space<hbm>> -> memref<10240x128xf32, #tpu.memory_space<hbm>>
    tpu.enqueue_indirect_dma source(%dma_start3A_30 : memref<10240x128xf32, #tpu.memory_space<hbm>>) target(%dma_start3A_24 : memref<80x128xf32, #tpu.memory_space<vmem>>) offsets(%dma_start3A_27 : memref<80xi32, #tpu.memory_space<vmem>>) semaphore(%arg12 : memref<!tpu.dma_semaphore, #tpu.memory_space<semaphore_mem>>)
    %scan3A = arith.constant 0 : i32
    %scan3A_31 = arith.constant 0 : i32
    %scan3A_32 = arith.constant 8 : i32
    %scan3A_33 = arith.addi %scan3A_31, %scan3A_32 : i32
    %scan3A_34 = arith.constant 1 : i32
    scf.for %scan3A_66 = %scan3A_31 to %scan3A_33 step %scan3A_34  : i32 {
      %jit3A = arith.constant 2 : i32
      %eq3A = arith.constant 0 : i32
      %eq3A_67 = arith.cmpi eq, %jit3A, %eq3A : i32
      %jit3A_68 = arith.constant 1 : i32
      %select_n3A = arith.select %eq3A_67, %jit3A_68, %jit3A : i32
      %rem3A = arith.remsi %scan3A_66, %select_n3A : i32
      %ne3A = arith.constant 0 : i32
      %ne3A_69 = arith.cmpi ne, %rem3A, %ne3A : i32
      %lt3A = arith.constant 0 : i32
      %lt3A_70 = arith.cmpi slt, %rem3A, %lt3A : i32
      %lt3A_71 = arith.constant 0 : i32
      %lt3A_72 = arith.cmpi slt, %select_n3A, %lt3A_71 : i32
      %ne3A_73 = arith.xori %lt3A_70, %lt3A_72 : i1
      %and3A = arith.andi %ne3A_73, %ne3A_69 : i1
      %add3A_74 = arith.addi %rem3A, %select_n3A : i32
      %select_n3A_75 = arith.select %and3A, %add3A_74, %rem3A : i32
      %add3A_76 = arith.constant 1 : i32
      %add3A_77 = arith.addi %scan3A_66, %add3A_76 : i32
      %jit3A_78 = arith.constant 2 : i32
      %eq3A_79 = arith.constant 0 : i32
      %eq3A_80 = arith.cmpi eq, %jit3A_78, %eq3A_79 : i32
      %jit3A_81 = arith.constant 1 : i32
      %select_n3A_82 = arith.select %eq3A_80, %jit3A_81, %jit3A_78 : i32
      %rem3A_83 = arith.remsi %add3A_77, %select_n3A_82 : i32
      %ne3A_84 = arith.constant 0 : i32
      %ne3A_85 = arith.cmpi ne, %rem3A_83, %ne3A_84 : i32
      %lt3A_86 = arith.constant 0 : i32
      %lt3A_87 = arith.cmpi slt, %rem3A_83, %lt3A_86 : i32
      %lt3A_88 = arith.constant 0 : i32
      %lt3A_89 = arith.cmpi slt, %select_n3A_82, %lt3A_88 : i32
      %ne3A_90 = arith.xori %lt3A_87, %lt3A_89 : i1
      %and3A_91 = arith.andi %ne3A_90, %ne3A_85 : i1
      %add3A_92 = arith.addi %rem3A_83, %select_n3A_82 : i32
      %select_n3A_93 = arith.select %and3A_91, %add3A_92, %rem3A_83 : i32
      %dma_wait3A_94 = arith.constant 0 : i32
      %dma_wait3A_95 = arith.constant 0 : i32
      %dma_wait3A_96 = arith.constant 0 : i32
      %dma_wait3A_97 = arith.constant 0 : i32
      %dma_wait3A_98 = tpu.memref_slice %arg9[%dma_wait3A_95, %dma_wait3A_96, %dma_wait3A_97] : memref<4x80x128xf32, #tpu.memory_space<vmem>> -> memref<1x80x128xf32, #tpu.memory_space<vmem>>
      %dma_wait3A_99 = tpu.memref_squeeze %dma_wait3A_98 : memref<1x80x128xf32, #tpu.memory_space<vmem>> -> memref<80x128xf32, #tpu.memory_space<vmem>>
      %dma_wait3A_100 = arith.constant 0 : i32
      %dma_wait3A_101 = tpu.memref_slice %arg7[%select_n3A_75, %dma_wait3A_94, %dma_wait3A_100] : memref<2x16x80xi32, #tpu.memory_space<vmem>> -> memref<1x1x80xi32, #tpu.memory_space<vmem>>
      %dma_wait3A_102 = tpu.memref_squeeze %dma_wait3A_101 : memref<1x1x80xi32, #tpu.memory_space<vmem>> -> memref<80xi32, #tpu.memory_space<vmem>>
      %dma_wait3A_103 = arith.constant 0 : i32
      %dma_wait3A_104 = arith.constant 0 : i32
      %dma_wait3A_105 = tpu.memref_slice %arg2[%dma_wait3A_103, %dma_wait3A_104] : memref<10240x128xf32, #tpu.memory_space<hbm>> -> memref<10240x128xf32, #tpu.memory_space<hbm>>
      tpu.wait_indirect_dma semaphore(%arg11 : memref<!tpu.dma_semaphore, #tpu.memory_space<semaphore_mem>>) src(%dma_wait3A_105 : memref<10240x128xf32, #tpu.memory_space<hbm>>) dst(%dma_wait3A_99 : memref<80x128xf32, #tpu.memory_space<vmem>>)
      %gt3A = arith.constant 0 : i32
      %gt3A_106 = arith.cmpi sgt, %scan3A_66, %gt3A : i32
      %convert_element_type3A = arith.extui %gt3A_106 : i1 to i32
      %cond3A = arith.constant 0 : i32
      %cond3A_107 = arith.cmpi ne, %convert_element_type3A, %cond3A : i32
      scf.if %cond3A_107 {
        %dma_wait3A_836 = arith.constant 2 : i32
        %dma_wait3A_837 = arith.constant 14 : i32
        %dma_wait3A_838 = arith.constant 0 : i32
        %dma_wait3A_839 = arith.constant 0 : i32
        %dma_wait3A_840 = tpu.memref_slice %arg9[%dma_wait3A_836, %dma_wait3A_838, %dma_wait3A_839] : memref<4x80x128xf32, #tpu.memory_space<vmem>> -> memref<1x80x128xf32, #tpu.memory_space<vmem>>
        %dma_wait3A_841 = tpu.memref_squeeze %dma_wait3A_840 : memref<1x80x128xf32, #tpu.memory_space<vmem>> -> memref<80x128xf32, #tpu.memory_space<vmem>>
        %dma_wait3A_842 = arith.constant 0 : i32
        %dma_wait3A_843 = tpu.memref_slice %arg8[%select_n3A_93, %dma_wait3A_837, %dma_wait3A_842] : memref<2x16x80xi32, #tpu.memory_space<vmem>> -> memref<1x1x80xi32, #tpu.memory_space<vmem>>
        %dma_wait3A_844 = tpu.memref_squeeze %dma_wait3A_843 : memref<1x1x80xi32, #tpu.memory_space<vmem>> -> memref<80xi32, #tpu.memory_space<vmem>>
        %dma_wait3A_845 = arith.constant 0 : i32
        %dma_wait3A_846 = arith.constant 0 : i32
        %dma_wait3A_847 = tpu.memref_slice %arg10[%dma_wait3A_845, %dma_wait3A_846] : memref<10000x128xf32, #tpu.memory_space<vmem_shared>> -> memref<10000x128xf32, #tpu.memory_space<vmem_shared>>
        tpu.wait_indirect_dma semaphore(%arg13 : memref<!tpu.dma_semaphore, #tpu.memory_space<semaphore_mem>>) src(%dma_wait3A_841 : memref<80x128xf32, #tpu.memory_space<vmem>>) dst(%dma_wait3A_847 : memref<10000x128xf32, #tpu.memory_space<vmem_shared>>)
      } else {
      }
      %dma_start3A_108 = arith.constant 0 : i32
      %dma_start3A_109 = arith.constant 0 : i32
      %dma_start3A_110 = arith.constant 0 : i32
      %dma_start3A_111 = arith.constant 0 : i32
      %dma_start3A_112 = tpu.memref_slice %arg9[%dma_start3A_108, %dma_start3A_110, %dma_start3A_111] : memref<4x80x128xf32, #tpu.memory_space<vmem>> -> memref<1x80x128xf32, #tpu.memory_space<vmem>>
      %dma_start3A_113 = tpu.memref_squeeze %dma_start3A_112 : memref<1x80x128xf32, #tpu.memory_space<vmem>> -> memref<80x128xf32, #tpu.memory_space<vmem>>
      %dma_start3A_114 = arith.constant 0 : i32
      %dma_start3A_115 = tpu.memref_slice %arg8[%select_n3A_75, %dma_start3A_109, %dma_start3A_114] : memref<2x16x80xi32, #tpu.memory_space<vmem>> -> memref<1x1x80xi32, #tpu.memory_space<vmem>>
      %dma_start3A_116 = tpu.memref_squeeze %dma_start3A_115 : memref<1x1x80xi32, #tpu.memory_space<vmem>> -> memref<80xi32, #tpu.memory_space<vmem>>
      %dma_start3A_117 = arith.constant 0 : i32
      %dma_start3A_118 = arith.constant 0 : i32
      %dma_start3A_119 = tpu.memref_slice %arg10[%dma_start3A_117, %dma_start3A_118] : memref<10000x128xf32, #tpu.memory_space<vmem_shared>> -> memref<10000x128xf32, #tpu.memory_space<vmem_shared>>
      tpu.enqueue_indirect_dma source(%dma_start3A_113 : memref<80x128xf32, #tpu.memory_space<vmem>>) target(%dma_start3A_119 : memref<10000x128xf32, #tpu.memory_space<vmem_shared>>) offsets(%dma_start3A_116 : memref<80xi32, #tpu.memory_space<vmem>>) semaphore(%arg13 : memref<!tpu.dma_semaphore, #tpu.memory_space<semaphore_mem>>) {add = true}
      %dma_start3A_120 = arith.constant 2 : i32
      %dma_start3A_121 = arith.constant 2 : i32
      %dma_start3A_122 = arith.constant 0 : i32
      %dma_start3A_123 = arith.constant 0 : i32
      %dma_start3A_124 = tpu.memref_slice %arg9[%dma_start3A_121, %dma_start3A_122, %dma_start3A_123] : memref<4x80x128xf32, #tpu.memory_space<vmem>> -> memref<1x80x128xf32, #tpu.memory_space<vmem>>
      %dma_start3A_125 = tpu.memref_squeeze %dma_start3A_124 : memref<1x80x128xf32, #tpu.memory_space<vmem>> -> memref<80x128xf32, #tpu.memory_space<vmem>>
      %dma_start3A_126 = arith.constant 0 : i32
      %dma_start3A_127 = tpu.memref_slice %arg7[%select_n3A_75, %dma_start3A_120, %dma_start3A_126] : memref<2x16x80xi32, #tpu.memory_space<vmem>> -> memref<1x1x80xi32, #tpu.memory_space<vmem>>
      %dma_start3A_128 = tpu.memref_squeeze %dma_start3A_127 : memref<1x1x80xi32, #tpu.memory_space<vmem>> -> memref<80xi32, #tpu.memory_space<vmem>>
      %dma_start3A_129 = arith.constant 0 : i32
      %dma_start3A_130 = arith.constant 0 : i32
      %dma_start3A_131 = tpu.memref_slice %arg2[%dma_start3A_129, %dma_start3A_130] : memref<10240x128xf32, #tpu.memory_space<hbm>> -> memref<10240x128xf32, #tpu.memory_space<hbm>>
      tpu.enqueue_indirect_dma source(%dma_start3A_131 : memref<10240x128xf32, #tpu.memory_space<hbm>>) target(%dma_start3A_125 : memref<80x128xf32, #tpu.memory_space<vmem>>) offsets(%dma_start3A_128 : memref<80xi32, #tpu.memory_space<vmem>>) semaphore(%arg11 : memref<!tpu.dma_semaphore, #tpu.memory_space<semaphore_mem>>)
      %dma_wait3A_132 = arith.constant 1 : i32
      %dma_wait3A_133 = arith.constant 1 : i32
      %dma_wait3A_134 = arith.constant 0 : i32
      %dma_wait3A_135 = arith.constant 0 : i32
      %dma_wait3A_136 = tpu.memref_slice %arg9[%dma_wait3A_133, %dma_wait3A_134, %dma_wait3A_135] : memref<4x80x128xf32, #tpu.memory_space<vmem>> -> memref<1x80x128xf32, #tpu.memory_space<vmem>>
      %dma_wait3A_137 = tpu.memref_squeeze %dma_wait3A_136 : memref<1x80x128xf32, #tpu.memory_space<vmem>> -> memref<80x128xf32, #tpu.memory_space<vmem>>
      %dma_wait3A_138 = arith.constant 0 : i32
      %dma_wait3A_139 = tpu.memref_slice %arg7[%select_n3A_75, %dma_wait3A_132, %dma_wait3A_138] : memref<2x16x80xi32, #tpu.memory_space<vmem>> -> memref<1x1x80xi32, #tpu.memory_space<vmem>>
      %dma_wait3A_140 = tpu.memref_squeeze %dma_wait3A_139 : memref<1x1x80xi32, #tpu.memory_space<vmem>> -> memref<80xi32, #tpu.memory_space<vmem>>
      %dma_wait3A_141 = arith.constant 0 : i32
      %dma_wait3A_142 = arith.constant 0 : i32
      %dma_wait3A_143 = tpu.memref_slice %arg2[%dma_wait3A_141, %dma_wait3A_142] : memref<10240x128xf32, #tpu.memory_space<hbm>> -> memref<10240x128xf32, #tpu.memory_space<hbm>>
      tpu.wait_indirect_dma semaphore(%arg12 : memref<!tpu.dma_semaphore, #tpu.memory_space<semaphore_mem>>) src(%dma_wait3A_143 : memref<10240x128xf32, #tpu.memory_space<hbm>>) dst(%dma_wait3A_137 : memref<80x128xf32, #tpu.memory_space<vmem>>)
      %gt3A_144 = arith.constant 0 : i32
      %gt3A_145 = arith.cmpi sgt, %scan3A_66, %gt3A_144 : i32
      %convert_element_type3A_146 = arith.extui %gt3A_145 : i1 to i32
      %cond3A_147 = arith.constant 0 : i32
      %cond3A_148 = arith.cmpi ne, %convert_element_type3A_146, %cond3A_147 : i32
      scf.if %cond3A_148 {
        %dma_wait3A_836 = arith.constant 3 : i32
        %dma_wait3A_837 = arith.constant 15 : i32
        %dma_wait3A_838 = arith.constant 0 : i32
        %dma_wait3A_839 = arith.constant 0 : i32
        %dma_wait3A_840 = tpu.memref_slice %arg9[%dma_wait3A_836, %dma_wait3A_838, %dma_wait3A_839] : memref<4x80x128xf32, #tpu.memory_space<vmem>> -> memref<1x80x128xf32, #tpu.memory_space<vmem>>
        %dma_wait3A_841 = tpu.memref_squeeze %dma_wait3A_840 : memref<1x80x128xf32, #tpu.memory_space<vmem>> -> memref<80x128xf32, #tpu.memory_space<vmem>>
        %dma_wait3A_842 = arith.constant 0 : i32
        %dma_wait3A_843 = tpu.memref_slice %arg8[%select_n3A_93, %dma_wait3A_837, %dma_wait3A_842] : memref<2x16x80xi32, #tpu.memory_space<vmem>> -> memref<1x1x80xi32, #tpu.memory_space<vmem>>
        %dma_wait3A_844 = tpu.memref_squeeze %dma_wait3A_843 : memref<1x1x80xi32, #tpu.memory_space<vmem>> -> memref<80xi32, #tpu.memory_space<vmem>>
        %dma_wait3A_845 = arith.constant 0 : i32
        %dma_wait3A_846 = arith.constant 0 : i32
        %dma_wait3A_847 = tpu.memref_slice %arg10[%dma_wait3A_845, %dma_wait3A_846] : memref<10000x128xf32, #tpu.memory_space<vmem_shared>> -> memref<10000x128xf32, #tpu.memory_space<vmem_shared>>
        tpu.wait_indirect_dma semaphore(%arg14 : memref<!tpu.dma_semaphore, #tpu.memory_space<semaphore_mem>>) src(%dma_wait3A_841 : memref<80x128xf32, #tpu.memory_space<vmem>>) dst(%dma_wait3A_847 : memref<10000x128xf32, #tpu.memory_space<vmem_shared>>)
      } else {
      }
      %dma_start3A_149 = arith.constant 1 : i32
      %dma_start3A_150 = arith.constant 1 : i32
      %dma_start3A_151 = arith.constant 0 : i32
      %dma_start3A_152 = arith.constant 0 : i32
      %dma_start3A_153 = tpu.memref_slice %arg9[%dma_start3A_149, %dma_start3A_151, %dma_start3A_152] : memref<4x80x128xf32, #tpu.memory_space<vmem>> -> memref<1x80x128xf32, #tpu.memory_space<vmem>>
      %dma_start3A_154 = tpu.memref_squeeze %dma_start3A_153 : memref<1x80x128xf32, #tpu.memory_space<vmem>> -> memref<80x128xf32, #tpu.memory_space<vmem>>
      %dma_start3A_155 = arith.constant 0 : i32
      %dma_start3A_156 = tpu.memref_slice %arg8[%select_n3A_75, %dma_start3A_150, %dma_start3A_155] : memref<2x16x80xi32, #tpu.memory_space<vmem>> -> memref<1x1x80xi32, #tpu.memory_space<vmem>>
      %dma_start3A_157 = tpu.memref_squeeze %dma_start3A_156 : memref<1x1x80xi32, #tpu.memory_space<vmem>> -> memref<80xi32, #tpu.memory_space<vmem>>
      %dma_start3A_158 = arith.constant 0 : i32
      %dma_start3A_159 = arith.constant 0 : i32
      %dma_start3A_160 = tpu.memref_slice %arg10[%dma_start3A_158, %dma_start3A_159] : memref<10000x128xf32, #tpu.memory_space<vmem_shared>> -> memref<10000x128xf32, #tpu.memory_space<vmem_shared>>
      tpu.enqueue_indirect_dma source(%dma_start3A_154 : memref<80x128xf32, #tpu.memory_space<vmem>>) target(%dma_start3A_160 : memref<10000x128xf32, #tpu.memory_space<vmem_shared>>) offsets(%dma_start3A_157 : memref<80xi32, #tpu.memory_space<vmem>>) semaphore(%arg14 : memref<!tpu.dma_semaphore, #tpu.memory_space<semaphore_mem>>) {add = true}
      %dma_start3A_161 = arith.constant 3 : i32
      %dma_start3A_162 = arith.constant 3 : i32
      %dma_start3A_163 = arith.constant 0 : i32
      %dma_start3A_164 = arith.constant 0 : i32
      %dma_start3A_165 = tpu.memref_slice %arg9[%dma_start3A_162, %dma_start3A_163, %dma_start3A_164] : memref<4x80x128xf32, #tpu.memory_space<vmem>> -> memref<1x80x128xf32, #tpu.memory_space<vmem>>
      %dma_start3A_166 = tpu.memref_squeeze %dma_start3A_165 : memref<1x80x128xf32, #tpu.memory_space<vmem>> -> memref<80x128xf32, #tpu.memory_space<vmem>>
      %dma_start3A_167 = arith.constant 0 : i32
      %dma_start3A_168 = tpu.memref_slice %arg7[%select_n3A_75, %dma_start3A_161, %dma_start3A_167] : memref<2x16x80xi32, #tpu.memory_space<vmem>> -> memref<1x1x80xi32, #tpu.memory_space<vmem>>
      %dma_start3A_169 = tpu.memref_squeeze %dma_start3A_168 : memref<1x1x80xi32, #tpu.memory_space<vmem>> -> memref<80xi32, #tpu.memory_space<vmem>>
      %dma_start3A_170 = arith.constant 0 : i32
      %dma_start3A_171 = arith.constant 0 : i32
      %dma_start3A_172 = tpu.memref_slice %arg2[%dma_start3A_170, %dma_start3A_171] : memref<10240x128xf32, #tpu.memory_space<hbm>> -> memref<10240x128xf32, #tpu.memory_space<hbm>>
      tpu.enqueue_indirect_dma source(%dma_start3A_172 : memref<10240x128xf32, #tpu.memory_space<hbm>>) target(%dma_start3A_166 : memref<80x128xf32, #tpu.memory_space<vmem>>) offsets(%dma_start3A_169 : memref<80xi32, #tpu.memory_space<vmem>>) semaphore(%arg12 : memref<!tpu.dma_semaphore, #tpu.memory_space<semaphore_mem>>)
      %lt3A_173 = arith.constant 7 : i32
      %lt3A_174 = arith.cmpi slt, %scan3A_66, %lt3A_173 : i32
      %convert_element_type3A_175 = arith.extui %lt3A_174 : i1 to i32
      %cond3A_176 = arith.constant 0 : i32
      %cond3A_177 = arith.cmpi ne, %convert_element_type3A_175, %cond3A_176 : i32
      scf.if %cond3A_177 {
        %add3A_836 = arith.constant 1 : i32
        %add3A_837 = arith.addi %scan3A_66, %add3A_836 : i32
        "tpu.region"() ({
          %run_scoped3A_840 = tpu.sem_alloc : memref<!tpu.dma_semaphore, #tpu.memory_space<semaphore_mem>>
          %dma_start3A_841 = arith.constant 0 : i32
          %dma_start3A_842 = arith.constant 0 : i32
          %dma_start3A_843 = tpu.memref_slice %arg7[%select_n3A_93, %dma_start3A_841, %dma_start3A_842] : memref<2x16x80xi32, #tpu.memory_space<vmem>> -> memref<1x16x80xi32, #tpu.memory_space<vmem>>
          %dma_start3A_844 = tpu.memref_squeeze %dma_start3A_843 : memref<1x16x80xi32, #tpu.memory_space<vmem>> -> memref<16x80xi32, #tpu.memory_space<vmem>>
          %dma_start3A_845 = arith.constant 0 : i32
          %dma_start3A_846 = arith.constant 0 : i32
          %dma_start3A_847 = tpu.memref_slice %arg3[%add3A, %add3A_837, %dma_start3A_845, %dma_start3A_846] : memref<32x8x16x80xi32, #tpu.memory_space<hbm>> -> memref<1x1x16x80xi32, #tpu.memory_space<hbm>>
          %dma_start3A_848 = tpu.memref_squeeze %dma_start3A_847 : memref<1x1x16x80xi32, #tpu.memory_space<hbm>> -> memref<16x80xi32, #tpu.memory_space<hbm>>
          %dma_start3A_849 = arith.constant 0 : i32
          %dma_start3A_850 = arith.constant 0 : i32
          %dma_start3A_851 = tpu.memref_slice %arg7[%select_n3A_93, %dma_start3A_849, %dma_start3A_850] : memref<2x16x80xi32, #tpu.memory_space<vmem>> -> memref<1x16x80xi32, #tpu.memory_space<vmem>>
          %dma_start3A_852 = tpu.memref_squeeze %dma_start3A_851 : memref<1x16x80xi32, #tpu.memory_space<vmem>> -> memref<16x80xi32, #tpu.memory_space<vmem>>
          %dma_start3A_853 = arith.constant 0 : i32
          %dma_start3A_854 = arith.constant 0 : i32
          %dma_start3A_855 = tpu.memref_slice %arg3[%add3A, %add3A_837, %dma_start3A_853, %dma_start3A_854] : memref<32x8x16x80xi32, #tpu.memory_space<hbm>> -> memref<1x1x16x80xi32, #tpu.memory_space<hbm>>
          %dma_start3A_856 = tpu.memref_squeeze %dma_start3A_855 : memref<1x1x16x80xi32, #tpu.memory_space<hbm>> -> memref<16x80xi32, #tpu.memory_space<hbm>>
          tpu.enqueue_dma source(%dma_start3A_856 : memref<16x80xi32, #tpu.memory_space<hbm>>) target(%dma_start3A_852 : memref<16x80xi32, #tpu.memory_space<vmem>>) target_semaphore(%run_scoped3A_840 : memref<!tpu.dma_semaphore, #tpu.memory_space<semaphore_mem>>)
          %dma_wait3A_857 = arith.constant 0 : i32
          %dma_wait3A_858 = arith.constant 0 : i32
          %dma_wait3A_859 = tpu.memref_slice %arg7[%select_n3A_93, %dma_wait3A_857, %dma_wait3A_858] : memref<2x16x80xi32, #tpu.memory_space<vmem>> -> memref<1x16x80xi32, #tpu.memory_space<vmem>>
          %dma_wait3A_860 = tpu.memref_squeeze %dma_wait3A_859 : memref<1x16x80xi32, #tpu.memory_space<vmem>> -> memref<16x80xi32, #tpu.memory_space<vmem>>
          %dma_wait3A_861 = arith.constant 0 : i32
          %dma_wait3A_862 = arith.constant 0 : i32
          %dma_wait3A_863 = tpu.memref_slice %arg3[%add3A, %add3A_837, %dma_wait3A_861, %dma_wait3A_862] : memref<32x8x16x80xi32, #tpu.memory_space<hbm>> -> memref<1x1x16x80xi32, #tpu.memory_space<hbm>>
          %dma_wait3A_864 = tpu.memref_squeeze %dma_wait3A_863 : memref<1x1x16x80xi32, #tpu.memory_space<hbm>> -> memref<16x80xi32, #tpu.memory_space<hbm>>
          %dma_wait3A_865 = arith.constant 0 : i32
          %dma_wait3A_866 = arith.constant 0 : i32
          %dma_wait3A_867 = tpu.memref_slice %arg7[%select_n3A_93, %dma_wait3A_865, %dma_wait3A_866] : memref<2x16x80xi32, #tpu.memory_space<vmem>> -> memref<1x16x80xi32, #tpu.memory_space<vmem>>
          %dma_wait3A_868 = tpu.memref_squeeze %dma_wait3A_867 : memref<1x16x80xi32, #tpu.memory_space<vmem>> -> memref<16x80xi32, #tpu.memory_space<vmem>>
          %dma_wait3A_869 = arith.constant 0 : i32
          %dma_wait3A_870 = arith.constant 0 : i32
          %dma_wait3A_871 = tpu.memref_slice %arg3[%add3A, %add3A_837, %dma_wait3A_869, %dma_wait3A_870] : memref<32x8x16x80xi32, #tpu.memory_space<hbm>> -> memref<1x1x16x80xi32, #tpu.memory_space<hbm>>
          %dma_wait3A_872 = tpu.memref_squeeze %dma_wait3A_871 : memref<1x1x16x80xi32, #tpu.memory_space<hbm>> -> memref<16x80xi32, #tpu.memory_space<hbm>>
          tpu.wait_dma2 semaphore(%run_scoped3A_840 : memref<!tpu.dma_semaphore, #tpu.memory_space<semaphore_mem>>) src(%dma_wait3A_872 : memref<16x80xi32, #tpu.memory_space<hbm>>) dst(%dma_wait3A_868 : memref<16x80xi32, #tpu.memory_space<vmem>>)
          tpu.yield
        }) : () -> ()
        %add3A_838 = arith.constant 1 : i32
        %add3A_839 = arith.addi %scan3A_66, %add3A_838 : i32
        "tpu.region"() ({
          %run_scoped3A_840 = tpu.sem_alloc : memref<!tpu.dma_semaphore, #tpu.memory_space<semaphore_mem>>
          %dma_start3A_841 = arith.constant 0 : i32
          %dma_start3A_842 = arith.constant 0 : i32
          %dma_start3A_843 = tpu.memref_slice %arg8[%select_n3A_93, %dma_start3A_841, %dma_start3A_842] : memref<2x16x80xi32, #tpu.memory_space<vmem>> -> memref<1x16x80xi32, #tpu.memory_space<vmem>>
          %dma_start3A_844 = tpu.memref_squeeze %dma_start3A_843 : memref<1x16x80xi32, #tpu.memory_space<vmem>> -> memref<16x80xi32, #tpu.memory_space<vmem>>
          %dma_start3A_845 = arith.constant 0 : i32
          %dma_start3A_846 = arith.constant 0 : i32
          %dma_start3A_847 = tpu.memref_slice %arg4[%add3A, %add3A_839, %dma_start3A_845, %dma_start3A_846] : memref<32x8x16x80xi32, #tpu.memory_space<hbm>> -> memref<1x1x16x80xi32, #tpu.memory_space<hbm>>
          %dma_start3A_848 = tpu.memref_squeeze %dma_start3A_847 : memref<1x1x16x80xi32, #tpu.memory_space<hbm>> -> memref<16x80xi32, #tpu.memory_space<hbm>>
          %dma_start3A_849 = arith.constant 0 : i32
          %dma_start3A_850 = arith.constant 0 : i32
          %dma_start3A_851 = tpu.memref_slice %arg8[%select_n3A_93, %dma_start3A_849, %dma_start3A_850] : memref<2x16x80xi32, #tpu.memory_space<vmem>> -> memref<1x16x80xi32, #tpu.memory_space<vmem>>
          %dma_start3A_852 = tpu.memref_squeeze %dma_start3A_851 : memref<1x16x80xi32, #tpu.memory_space<vmem>> -> memref<16x80xi32, #tpu.memory_space<vmem>>
          %dma_start3A_853 = arith.constant 0 : i32
          %dma_start3A_854 = arith.constant 0 : i32
          %dma_start3A_855 = tpu.memref_slice %arg4[%add3A, %add3A_839, %dma_start3A_853, %dma_start3A_854] : memref<32x8x16x80xi32, #tpu.memory_space<hbm>> -> memref<1x1x16x80xi32, #tpu.memory_space<hbm>>
          %dma_start3A_856 = tpu.memref_squeeze %dma_start3A_855 : memref<1x1x16x80xi32, #tpu.memory_space<hbm>> -> memref<16x80xi32, #tpu.memory_space<hbm>>
          tpu.enqueue_dma source(%dma_start3A_856 : memref<16x80xi32, #tpu.memory_space<hbm>>) target(%dma_start3A_852 : memref<16x80xi32, #tpu.memory_space<vmem>>) target_semaphore(%run_scoped3A_840 : memref<!tpu.dma_semaphore, #tpu.memory_space<semaphore_mem>>)
          %dma_wait3A_857 = arith.constant 0 : i32
          %dma_wait3A_858 = arith.constant 0 : i32
          %dma_wait3A_859 = tpu.memref_slice %arg8[%select_n3A_93, %dma_wait3A_857, %dma_wait3A_858] : memref<2x16x80xi32, #tpu.memory_space<vmem>> -> memref<1x16x80xi32, #tpu.memory_space<vmem>>
          %dma_wait3A_860 = tpu.memref_squeeze %dma_wait3A_859 : memref<1x16x80xi32, #tpu.memory_space<vmem>> -> memref<16x80xi32, #tpu.memory_space<vmem>>
          %dma_wait3A_861 = arith.constant 0 : i32
          %dma_wait3A_862 = arith.constant 0 : i32
          %dma_wait3A_863 = tpu.memref_slice %arg4[%add3A, %add3A_839, %dma_wait3A_861, %dma_wait3A_862] : memref<32x8x16x80xi32, #tpu.memory_space<hbm>> -> memref<1x1x16x80xi32, #tpu.memory_space<hbm>>
          %dma_wait3A_864 = tpu.memref_squeeze %dma_wait3A_863 : memref<1x1x16x80xi32, #tpu.memory_space<hbm>> -> memref<16x80xi32, #tpu.memory_space<hbm>>
          %dma_wait3A_865 = arith.constant 0 : i32
          %dma_wait3A_866 = arith.constant 0 : i32
          %dma_wait3A_867 = tpu.memref_slice %arg8[%select_n3A_93, %dma_wait3A_865, %dma_wait3A_866] : memref<2x16x80xi32, #tpu.memory_space<vmem>> -> memref<1x16x80xi32, #tpu.memory_space<vmem>>
          %dma_wait3A_868 = tpu.memref_squeeze %dma_wait3A_867 : memref<1x16x80xi32, #tpu.memory_space<vmem>> -> memref<16x80xi32, #tpu.memory_space<vmem>>
          %dma_wait3A_869 = arith.constant 0 : i32
          %dma_wait3A_870 = arith.constant 0 : i32
          %dma_wait3A_871 = tpu.memref_slice %arg4[%add3A, %add3A_839, %dma_wait3A_869, %dma_wait3A_870] : memref<32x8x16x80xi32, #tpu.memory_space<hbm>> -> memref<1x1x16x80xi32, #tpu.memory_space<hbm>>
          %dma_wait3A_872 = tpu.memref_squeeze %dma_wait3A_871 : memref<1x1x16x80xi32, #tpu.memory_space<hbm>> -> memref<16x80xi32, #tpu.memory_space<hbm>>
          tpu.wait_dma2 semaphore(%run_scoped3A_840 : memref<!tpu.dma_semaphore, #tpu.memory_space<semaphore_mem>>) src(%dma_wait3A_872 : memref<16x80xi32, #tpu.memory_space<hbm>>) dst(%dma_wait3A_868 : memref<16x80xi32, #tpu.memory_space<vmem>>)
          tpu.yield
        }) : () -> ()
      } else {
      }
      %dma_wait3A_178 = arith.constant 2 : i32
      %dma_wait3A_179 = arith.constant 2 : i32
      %dma_wait3A_180 = arith.constant 0 : i32
      %dma_wait3A_181 = arith.constant 0 : i32
      %dma_wait3A_182 = tpu.memref_slice %arg9[%dma_wait3A_179, %dma_wait3A_180, %dma_wait3A_181] : memref<4x80x128xf32, #tpu.memory_space<vmem>> -> memref<1x80x128xf32, #tpu.memory_space<vmem>>
      %dma_wait3A_183 = tpu.memref_squeeze %dma_wait3A_182 : memref<1x80x128xf32, #tpu.memory_space<vmem>> -> memref<80x128xf32, #tpu.memory_space<vmem>>
      %dma_wait3A_184 = arith.constant 0 : i32
      %dma_wait3A_185 = tpu.memref_slice %arg7[%select_n3A_75, %dma_wait3A_178, %dma_wait3A_184] : memref<2x16x80xi32, #tpu.memory_space<vmem>> -> memref<1x1x80xi32, #tpu.memory_space<vmem>>
      %dma_wait3A_186 = tpu.memref_squeeze %dma_wait3A_185 : memref<1x1x80xi32, #tpu.memory_space<vmem>> -> memref<80xi32, #tpu.memory_space<vmem>>
      %dma_wait3A_187 = arith.constant 0 : i32
      %dma_wait3A_188 = arith.constant 0 : i32
      %dma_wait3A_189 = tpu.memref_slice %arg2[%dma_wait3A_187, %dma_wait3A_188] : memref<10240x128xf32, #tpu.memory_space<hbm>> -> memref<10240x128xf32, #tpu.memory_space<hbm>>
      tpu.wait_indirect_dma semaphore(%arg11 : memref<!tpu.dma_semaphore, #tpu.memory_space<semaphore_mem>>) src(%dma_wait3A_189 : memref<10240x128xf32, #tpu.memory_space<hbm>>) dst(%dma_wait3A_183 : memref<80x128xf32, #tpu.memory_space<vmem>>)
      %dma_wait3A_190 = arith.constant 0 : i32
      %dma_wait3A_191 = arith.constant 0 : i32
      %dma_wait3A_192 = arith.constant 0 : i32
      %dma_wait3A_193 = arith.constant 0 : i32
      %dma_wait3A_194 = tpu.memref_slice %arg9[%dma_wait3A_190, %dma_wait3A_192, %dma_wait3A_193] : memref<4x80x128xf32, #tpu.memory_space<vmem>> -> memref<1x80x128xf32, #tpu.memory_space<vmem>>
      %dma_wait3A_195 = tpu.memref_squeeze %dma_wait3A_194 : memref<1x80x128xf32, #tpu.memory_space<vmem>> -> memref<80x128xf32, #tpu.memory_space<vmem>>
      %dma_wait3A_196 = arith.constant 0 : i32
      %dma_wait3A_197 = tpu.memref_slice %arg8[%select_n3A_75, %dma_wait3A_191, %dma_wait3A_196] : memref<2x16x80xi32, #tpu.memory_space<vmem>> -> memref<1x1x80xi32, #tpu.memory_space<vmem>>
      %dma_wait3A_198 = tpu.memref_squeeze %dma_wait3A_197 : memref<1x1x80xi32, #tpu.memory_space<vmem>> -> memref<80xi32, #tpu.memory_space<vmem>>
      %dma_wait3A_199 = arith.constant 0 : i32
      %dma_wait3A_200 = arith.constant 0 : i32
      %dma_wait3A_201 = tpu.memref_slice %arg10[%dma_wait3A_199, %dma_wait3A_200] : memref<10000x128xf32, #tpu.memory_space<vmem_shared>> -> memref<10000x128xf32, #tpu.memory_space<vmem_shared>>
      tpu.wait_indirect_dma semaphore(%arg13 : memref<!tpu.dma_semaphore, #tpu.memory_space<semaphore_mem>>) src(%dma_wait3A_195 : memref<80x128xf32, #tpu.memory_space<vmem>>) dst(%dma_wait3A_201 : memref<10000x128xf32, #tpu.memory_space<vmem_shared>>)
      %dma_start3A_202 = arith.constant 2 : i32
      %dma_start3A_203 = arith.constant 2 : i32
      %dma_start3A_204 = arith.constant 0 : i32
      %dma_start3A_205 = arith.constant 0 : i32
      %dma_start3A_206 = tpu.memref_slice %arg9[%dma_start3A_202, %dma_start3A_204, %dma_start3A_205] : memref<4x80x128xf32, #tpu.memory_space<vmem>> -> memref<1x80x128xf32, #tpu.memory_space<vmem>>
      %dma_start3A_207 = tpu.memref_squeeze %dma_start3A_206 : memref<1x80x128xf32, #tpu.memory_space<vmem>> -> memref<80x128xf32, #tpu.memory_space<vmem>>
      %dma_start3A_208 = arith.constant 0 : i32
      %dma_start3A_209 = tpu.memref_slice %arg8[%select_n3A_75, %dma_start3A_203, %dma_start3A_208] : memref<2x16x80xi32, #tpu.memory_space<vmem>> -> memref<1x1x80xi32, #tpu.memory_space<vmem>>
      %dma_start3A_210 = tpu.memref_squeeze %dma_start3A_209 : memref<1x1x80xi32, #tpu.memory_space<vmem>> -> memref<80xi32, #tpu.memory_space<vmem>>
      %dma_start3A_211 = arith.constant 0 : i32
      %dma_start3A_212 = arith.constant 0 : i32
      %dma_start3A_213 = tpu.memref_slice %arg10[%dma_start3A_211, %dma_start3A_212] : memref<10000x128xf32, #tpu.memory_space<vmem_shared>> -> memref<10000x128xf32, #tpu.memory_space<vmem_shared>>
      tpu.enqueue_indirect_dma source(%dma_start3A_207 : memref<80x128xf32, #tpu.memory_space<vmem>>) target(%dma_start3A_213 : memref<10000x128xf32, #tpu.memory_space<vmem_shared>>) offsets(%dma_start3A_210 : memref<80xi32, #tpu.memory_space<vmem>>) semaphore(%arg13 : memref<!tpu.dma_semaphore, #tpu.memory_space<semaphore_mem>>) {add = true}
      %dma_start3A_214 = arith.constant 4 : i32
      %dma_start3A_215 = arith.constant 0 : i32
      %dma_start3A_216 = arith.constant 0 : i32
      %dma_start3A_217 = arith.constant 0 : i32
      %dma_start3A_218 = tpu.memref_slice %arg9[%dma_start3A_215, %dma_start3A_216, %dma_start3A_217] : memref<4x80x128xf32, #tpu.memory_space<vmem>> -> memref<1x80x128xf32, #tpu.memory_space<vmem>>
      %dma_start3A_219 = tpu.memref_squeeze %dma_start3A_218 : memref<1x80x128xf32, #tpu.memory_space<vmem>> -> memref<80x128xf32, #tpu.memory_space<vmem>>
      %dma_start3A_220 = arith.constant 0 : i32
      %dma_start3A_221 = tpu.memref_slice %arg7[%select_n3A_75, %dma_start3A_214, %dma_start3A_220] : memref<2x16x80xi32, #tpu.memory_space<vmem>> -> memref<1x1x80xi32, #tpu.memory_space<vmem>>
      %dma_start3A_222 = tpu.memref_squeeze %dma_start3A_221 : memref<1x1x80xi32, #tpu.memory_space<vmem>> -> memref<80xi32, #tpu.memory_space<vmem>>
      %dma_start3A_223 = arith.constant 0 : i32
      %dma_start3A_224 = arith.constant 0 : i32
      %dma_start3A_225 = tpu.memref_slice %arg2[%dma_start3A_223, %dma_start3A_224] : memref<10240x128xf32, #tpu.memory_space<hbm>> -> memref<10240x128xf32, #tpu.memory_space<hbm>>
      tpu.enqueue_indirect_dma source(%dma_start3A_225 : memref<10240x128xf32, #tpu.memory_space<hbm>>) target(%dma_start3A_219 : memref<80x128xf32, #tpu.memory_space<vmem>>) offsets(%dma_start3A_222 : memref<80xi32, #tpu.memory_space<vmem>>) semaphore(%arg11 : memref<!tpu.dma_semaphore, #tpu.memory_space<semaphore_mem>>)
      %dma_wait3A_226 = arith.constant 3 : i32
      %dma_wait3A_227 = arith.constant 3 : i32
      %dma_wait3A_228 = arith.constant 0 : i32
      %dma_wait3A_229 = arith.constant 0 : i32
      %dma_wait3A_230 = tpu.memref_slice %arg9[%dma_wait3A_227, %dma_wait3A_228, %dma_wait3A_229] : memref<4x80x128xf32, #tpu.memory_space<vmem>> -> memref<1x80x128xf32, #tpu.memory_space<vmem>>
      %dma_wait3A_231 = tpu.memref_squeeze %dma_wait3A_230 : memref<1x80x128xf32, #tpu.memory_space<vmem>> -> memref<80x128xf32, #tpu.memory_space<vmem>>
      %dma_wait3A_232 = arith.constant 0 : i32
      %dma_wait3A_233 = tpu.memref_slice %arg7[%select_n3A_75, %dma_wait3A_226, %dma_wait3A_232] : memref<2x16x80xi32, #tpu.memory_space<vmem>> -> memref<1x1x80xi32, #tpu.memory_space<vmem>>
      %dma_wait3A_234 = tpu.memref_squeeze %dma_wait3A_233 : memref<1x1x80xi32, #tpu.memory_space<vmem>> -> memref<80xi32, #tpu.memory_space<vmem>>
      %dma_wait3A_235 = arith.constant 0 : i32
      %dma_wait3A_236 = arith.constant 0 : i32
      %dma_wait3A_237 = tpu.memref_slice %arg2[%dma_wait3A_235, %dma_wait3A_236] : memref<10240x128xf32, #tpu.memory_space<hbm>> -> memref<10240x128xf32, #tpu.memory_space<hbm>>
      tpu.wait_indirect_dma semaphore(%arg12 : memref<!tpu.dma_semaphore, #tpu.memory_space<semaphore_mem>>) src(%dma_wait3A_237 : memref<10240x128xf32, #tpu.memory_space<hbm>>) dst(%dma_wait3A_231 : memref<80x128xf32, #tpu.memory_space<vmem>>)
      %dma_wait3A_238 = arith.constant 1 : i32
      %dma_wait3A_239 = arith.constant 1 : i32
      %dma_wait3A_240 = arith.constant 0 : i32
      %dma_wait3A_241 = arith.constant 0 : i32
      %dma_wait3A_242 = tpu.memref_slice %arg9[%dma_wait3A_238, %dma_wait3A_240, %dma_wait3A_241] : memref<4x80x128xf32, #tpu.memory_space<vmem>> -> memref<1x80x128xf32, #tpu.memory_space<vmem>>
      %dma_wait3A_243 = tpu.memref_squeeze %dma_wait3A_242 : memref<1x80x128xf32, #tpu.memory_space<vmem>> -> memref<80x128xf32, #tpu.memory_space<vmem>>
      %dma_wait3A_244 = arith.constant 0 : i32
      %dma_wait3A_245 = tpu.memref_slice %arg8[%select_n3A_75, %dma_wait3A_239, %dma_wait3A_244] : memref<2x16x80xi32, #tpu.memory_space<vmem>> -> memref<1x1x80xi32, #tpu.memory_space<vmem>>
      %dma_wait3A_246 = tpu.memref_squeeze %dma_wait3A_245 : memref<1x1x80xi32, #tpu.memory_space<vmem>> -> memref<80xi32, #tpu.memory_space<vmem>>
      %dma_wait3A_247 = arith.constant 0 : i32
      %dma_wait3A_248 = arith.constant 0 : i32
      %dma_wait3A_249 = tpu.memref_slice %arg10[%dma_wait3A_247, %dma_wait3A_248] : memref<10000x128xf32, #tpu.memory_space<vmem_shared>> -> memref<10000x128xf32, #tpu.memory_space<vmem_shared>>
      tpu.wait_indirect_dma semaphore(%arg14 : memref<!tpu.dma_semaphore, #tpu.memory_space<semaphore_mem>>) src(%dma_wait3A_243 : memref<80x128xf32, #tpu.memory_space<vmem>>) dst(%dma_wait3A_249 : memref<10000x128xf32, #tpu.memory_space<vmem_shared>>)
      %dma_start3A_250 = arith.constant 3 : i32
      %dma_start3A_251 = arith.constant 3 : i32
      %dma_start3A_252 = arith.constant 0 : i32
      %dma_start3A_253 = arith.constant 0 : i32
      %dma_start3A_254 = tpu.memref_slice %arg9[%dma_start3A_250, %dma_start3A_252, %dma_start3A_253] : memref<4x80x128xf32, #tpu.memory_space<vmem>> -> memref<1x80x128xf32, #tpu.memory_space<vmem>>
      %dma_start3A_255 = tpu.memref_squeeze %dma_start3A_254 : memref<1x80x128xf32, #tpu.memory_space<vmem>> -> memref<80x128xf32, #tpu.memory_space<vmem>>
      %dma_start3A_256 = arith.constant 0 : i32
      %dma_start3A_257 = tpu.memref_slice %arg8[%select_n3A_75, %dma_start3A_251, %dma_start3A_256] : memref<2x16x80xi32, #tpu.memory_space<vmem>> -> memref<1x1x80xi32, #tpu.memory_space<vmem>>
      %dma_start3A_258 = tpu.memref_squeeze %dma_start3A_257 : memref<1x1x80xi32, #tpu.memory_space<vmem>> -> memref<80xi32, #tpu.memory_space<vmem>>
      %dma_start3A_259 = arith.constant 0 : i32
      %dma_start3A_260 = arith.constant 0 : i32
      %dma_start3A_261 = tpu.memref_slice %arg10[%dma_start3A_259, %dma_start3A_260] : memref<10000x128xf32, #tpu.memory_space<vmem_shared>> -> memref<10000x128xf32, #tpu.memory_space<vmem_shared>>
      tpu.enqueue_indirect_dma source(%dma_start3A_255 : memref<80x128xf32, #tpu.memory_space<vmem>>) target(%dma_start3A_261 : memref<10000x128xf32, #tpu.memory_space<vmem_shared>>) offsets(%dma_start3A_258 : memref<80xi32, #tpu.memory_space<vmem>>) semaphore(%arg14 : memref<!tpu.dma_semaphore, #tpu.memory_space<semaphore_mem>>) {add = true}
      %dma_start3A_262 = arith.constant 5 : i32
      %dma_start3A_263 = arith.constant 1 : i32
      %dma_start3A_264 = arith.constant 0 : i32
      %dma_start3A_265 = arith.constant 0 : i32
      %dma_start3A_266 = tpu.memref_slice %arg9[%dma_start3A_263, %dma_start3A_264, %dma_start3A_265] : memref<4x80x128xf32, #tpu.memory_space<vmem>> -> memref<1x80x128xf32, #tpu.memory_space<vmem>>
      %dma_start3A_267 = tpu.memref_squeeze %dma_start3A_266 : memref<1x80x128xf32, #tpu.memory_space<vmem>> -> memref<80x128xf32, #tpu.memory_space<vmem>>
      %dma_start3A_268 = arith.constant 0 : i32
      %dma_start3A_269 = tpu.memref_slice %arg7[%select_n3A_75, %dma_start3A_262, %dma_start3A_268] : memref<2x16x80xi32, #tpu.memory_space<vmem>> -> memref<1x1x80xi32, #tpu.memory_space<vmem>>
      %dma_start3A_270 = tpu.memref_squeeze %dma_start3A_269 : memref<1x1x80xi32, #tpu.memory_space<vmem>> -> memref<80xi32, #tpu.memory_space<vmem>>
      %dma_start3A_271 = arith.constant 0 : i32
      %dma_start3A_272 = arith.constant 0 : i32
      %dma_start3A_273 = tpu.memref_slice %arg2[%dma_start3A_271, %dma_start3A_272] : memref<10240x128xf32, #tpu.memory_space<hbm>> -> memref<10240x128xf32, #tpu.memory_space<hbm>>
      tpu.enqueue_indirect_dma source(%dma_start3A_273 : memref<10240x128xf32, #tpu.memory_space<hbm>>) target(%dma_start3A_267 : memref<80x128xf32, #tpu.memory_space<vmem>>) offsets(%dma_start3A_270 : memref<80xi32, #tpu.memory_space<vmem>>) semaphore(%arg12 : memref<!tpu.dma_semaphore, #tpu.memory_space<semaphore_mem>>)
      %dma_wait3A_274 = arith.constant 4 : i32
      %dma_wait3A_275 = arith.constant 0 : i32
      %dma_wait3A_276 = arith.constant 0 : i32
      %dma_wait3A_277 = arith.constant 0 : i32
      %dma_wait3A_278 = tpu.memref_slice %arg9[%dma_wait3A_275, %dma_wait3A_276, %dma_wait3A_277] : memref<4x80x128xf32, #tpu.memory_space<vmem>> -> memref<1x80x128xf32, #tpu.memory_space<vmem>>
      %dma_wait3A_279 = tpu.memref_squeeze %dma_wait3A_278 : memref<1x80x128xf32, #tpu.memory_space<vmem>> -> memref<80x128xf32, #tpu.memory_space<vmem>>
      %dma_wait3A_280 = arith.constant 0 : i32
      %dma_wait3A_281 = tpu.memref_slice %arg7[%select_n3A_75, %dma_wait3A_274, %dma_wait3A_280] : memref<2x16x80xi32, #tpu.memory_space<vmem>> -> memref<1x1x80xi32, #tpu.memory_space<vmem>>
      %dma_wait3A_282 = tpu.memref_squeeze %dma_wait3A_281 : memref<1x1x80xi32, #tpu.memory_space<vmem>> -> memref<80xi32, #tpu.memory_space<vmem>>
      %dma_wait3A_283 = arith.constant 0 : i32
      %dma_wait3A_284 = arith.constant 0 : i32
      %dma_wait3A_285 = tpu.memref_slice %arg2[%dma_wait3A_283, %dma_wait3A_284] : memref<10240x128xf32, #tpu.memory_space<hbm>> -> memref<10240x128xf32, #tpu.memory_space<hbm>>
      tpu.wait_indirect_dma semaphore(%arg11 : memref<!tpu.dma_semaphore, #tpu.memory_space<semaphore_mem>>) src(%dma_wait3A_285 : memref<10240x128xf32, #tpu.memory_space<hbm>>) dst(%dma_wait3A_279 : memref<80x128xf32, #tpu.memory_space<vmem>>)
      %dma_wait3A_286 = arith.constant 2 : i32
      %dma_wait3A_287 = arith.constant 2 : i32
      %dma_wait3A_288 = arith.constant 0 : i32
      %dma_wait3A_289 = arith.constant 0 : i32
      %dma_wait3A_290 = tpu.memref_slice %arg9[%dma_wait3A_286, %dma_wait3A_288, %dma_wait3A_289] : memref<4x80x128xf32, #tpu.memory_space<vmem>> -> memref<1x80x128xf32, #tpu.memory_space<vmem>>
      %dma_wait3A_291 = tpu.memref_squeeze %dma_wait3A_290 : memref<1x80x128xf32, #tpu.memory_space<vmem>> -> memref<80x128xf32, #tpu.memory_space<vmem>>
      %dma_wait3A_292 = arith.constant 0 : i32
      %dma_wait3A_293 = tpu.memref_slice %arg8[%select_n3A_75, %dma_wait3A_287, %dma_wait3A_292] : memref<2x16x80xi32, #tpu.memory_space<vmem>> -> memref<1x1x80xi32, #tpu.memory_space<vmem>>
      %dma_wait3A_294 = tpu.memref_squeeze %dma_wait3A_293 : memref<1x1x80xi32, #tpu.memory_space<vmem>> -> memref<80xi32, #tpu.memory_space<vmem>>
      %dma_wait3A_295 = arith.constant 0 : i32
      %dma_wait3A_296 = arith.constant 0 : i32
      %dma_wait3A_297 = tpu.memref_slice %arg10[%dma_wait3A_295, %dma_wait3A_296] : memref<10000x128xf32, #tpu.memory_space<vmem_shared>> -> memref<10000x128xf32, #tpu.memory_space<vmem_shared>>
      tpu.wait_indirect_dma semaphore(%arg13 : memref<!tpu.dma_semaphore, #tpu.memory_space<semaphore_mem>>) src(%dma_wait3A_291 : memref<80x128xf32, #tpu.memory_space<vmem>>) dst(%dma_wait3A_297 : memref<10000x128xf32, #tpu.memory_space<vmem_shared>>)
      %dma_start3A_298 = arith.constant 0 : i32
      %dma_start3A_299 = arith.constant 4 : i32
      %dma_start3A_300 = arith.constant 0 : i32
      %dma_start3A_301 = arith.constant 0 : i32
      %dma_start3A_302 = tpu.memref_slice %arg9[%dma_start3A_298, %dma_start3A_300, %dma_start3A_301] : memref<4x80x128xf32, #tpu.memory_space<vmem>> -> memref<1x80x128xf32, #tpu.memory_space<vmem>>
      %dma_start3A_303 = tpu.memref_squeeze %dma_start3A_302 : memref<1x80x128xf32, #tpu.memory_space<vmem>> -> memref<80x128xf32, #tpu.memory_space<vmem>>
      %dma_start3A_304 = arith.constant 0 : i32
      %dma_start3A_305 = tpu.memref_slice %arg8[%select_n3A_75, %dma_start3A_299, %dma_start3A_304] : memref<2x16x80xi32, #tpu.memory_space<vmem>> -> memref<1x1x80xi32, #tpu.memory_space<vmem>>
      %dma_start3A_306 = tpu.memref_squeeze %dma_start3A_305 : memref<1x1x80xi32, #tpu.memory_space<vmem>> -> memref<80xi32, #tpu.memory_space<vmem>>
      %dma_start3A_307 = arith.constant 0 : i32
      %dma_start3A_308 = arith.constant 0 : i32
      %dma_start3A_309 = tpu.memref_slice %arg10[%dma_start3A_307, %dma_start3A_308] : memref<10000x128xf32, #tpu.memory_space<vmem_shared>> -> memref<10000x128xf32, #tpu.memory_space<vmem_shared>>
      tpu.enqueue_indirect_dma source(%dma_start3A_303 : memref<80x128xf32, #tpu.memory_space<vmem>>) target(%dma_start3A_309 : memref<10000x128xf32, #tpu.memory_space<vmem_shared>>) offsets(%dma_start3A_306 : memref<80xi32, #tpu.memory_space<vmem>>) semaphore(%arg13 : memref<!tpu.dma_semaphore, #tpu.memory_space<semaphore_mem>>) {add = true}
      %dma_start3A_310 = arith.constant 6 : i32
      %dma_start3A_311 = arith.constant 2 : i32
      %dma_start3A_312 = arith.constant 0 : i32
      %dma_start3A_313 = arith.constant 0 : i32
      %dma_start3A_314 = tpu.memref_slice %arg9[%dma_start3A_311, %dma_start3A_312, %dma_start3A_313] : memref<4x80x128xf32, #tpu.memory_space<vmem>> -> memref<1x80x128xf32, #tpu.memory_space<vmem>>
      %dma_start3A_315 = tpu.memref_squeeze %dma_start3A_314 : memref<1x80x128xf32, #tpu.memory_space<vmem>> -> memref<80x128xf32, #tpu.memory_space<vmem>>
      %dma_start3A_316 = arith.constant 0 : i32
      %dma_start3A_317 = tpu.memref_slice %arg7[%select_n3A_75, %dma_start3A_310, %dma_start3A_316] : memref<2x16x80xi32, #tpu.memory_space<vmem>> -> memref<1x1x80xi32, #tpu.memory_space<vmem>>
      %dma_start3A_318 = tpu.memref_squeeze %dma_start3A_317 : memref<1x1x80xi32, #tpu.memory_space<vmem>> -> memref<80xi32, #tpu.memory_space<vmem>>
      %dma_start3A_319 = arith.constant 0 : i32
      %dma_start3A_320 = arith.constant 0 : i32
      %dma_start3A_321 = tpu.memref_slice %arg2[%dma_start3A_319, %dma_start3A_320] : memref<10240x128xf32, #tpu.memory_space<hbm>> -> memref<10240x128xf32, #tpu.memory_space<hbm>>
      tpu.enqueue_indirect_dma source(%dma_start3A_321 : memref<10240x128xf32, #tpu.memory_space<hbm>>) target(%dma_start3A_315 : memref<80x128xf32, #tpu.memory_space<vmem>>) offsets(%dma_start3A_318 : memref<80xi32, #tpu.memory_space<vmem>>) semaphore(%arg11 : memref<!tpu.dma_semaphore, #tpu.memory_space<semaphore_mem>>)
      %dma_wait3A_322 = arith.constant 5 : i32
      %dma_wait3A_323 = arith.constant 1 : i32
      %dma_wait3A_324 = arith.constant 0 : i32
      %dma_wait3A_325 = arith.constant 0 : i32
      %dma_wait3A_326 = tpu.memref_slice %arg9[%dma_wait3A_323, %dma_wait3A_324, %dma_wait3A_325] : memref<4x80x128xf32, #tpu.memory_space<vmem>> -> memref<1x80x128xf32, #tpu.memory_space<vmem>>
      %dma_wait3A_327 = tpu.memref_squeeze %dma_wait3A_326 : memref<1x80x128xf32, #tpu.memory_space<vmem>> -> memref<80x128xf32, #tpu.memory_space<vmem>>
      %dma_wait3A_328 = arith.constant 0 : i32
      %dma_wait3A_329 = tpu.memref_slice %arg7[%select_n3A_75, %dma_wait3A_322, %dma_wait3A_328] : memref<2x16x80xi32, #tpu.memory_space<vmem>> -> memref<1x1x80xi32, #tpu.memory_space<vmem>>
      %dma_wait3A_330 = tpu.memref_squeeze %dma_wait3A_329 : memref<1x1x80xi32, #tpu.memory_space<vmem>> -> memref<80xi32, #tpu.memory_space<vmem>>
      %dma_wait3A_331 = arith.constant 0 : i32
      %dma_wait3A_332 = arith.constant 0 : i32
      %dma_wait3A_333 = tpu.memref_slice %arg2[%dma_wait3A_331, %dma_wait3A_332] : memref<10240x128xf32, #tpu.memory_space<hbm>> -> memref<10240x128xf32, #tpu.memory_space<hbm>>
      tpu.wait_indirect_dma semaphore(%arg12 : memref<!tpu.dma_semaphore, #tpu.memory_space<semaphore_mem>>) src(%dma_wait3A_333 : memref<10240x128xf32, #tpu.memory_space<hbm>>) dst(%dma_wait3A_327 : memref<80x128xf32, #tpu.memory_space<vmem>>)
      %dma_wait3A_334 = arith.constant 3 : i32
      %dma_wait3A_335 = arith.constant 3 : i32
      %dma_wait3A_336 = arith.constant 0 : i32
      %dma_wait3A_337 = arith.constant 0 : i32
      %dma_wait3A_338 = tpu.memref_slice %arg9[%dma_wait3A_334, %dma_wait3A_336, %dma_wait3A_337] : memref<4x80x128xf32, #tpu.memory_space<vmem>> -> memref<1x80x128xf32, #tpu.memory_space<vmem>>
      %dma_wait3A_339 = tpu.memref_squeeze %dma_wait3A_338 : memref<1x80x128xf32, #tpu.memory_space<vmem>> -> memref<80x128xf32, #tpu.memory_space<vmem>>
      %dma_wait3A_340 = arith.constant 0 : i32
      %dma_wait3A_341 = tpu.memref_slice %arg8[%select_n3A_75, %dma_wait3A_335, %dma_wait3A_340] : memref<2x16x80xi32, #tpu.memory_space<vmem>> -> memref<1x1x80xi32, #tpu.memory_space<vmem>>
      %dma_wait3A_342 = tpu.memref_squeeze %dma_wait3A_341 : memref<1x1x80xi32, #tpu.memory_space<vmem>> -> memref<80xi32, #tpu.memory_space<vmem>>
      %dma_wait3A_343 = arith.constant 0 : i32
      %dma_wait3A_344 = arith.constant 0 : i32
      %dma_wait3A_345 = tpu.memref_slice %arg10[%dma_wait3A_343, %dma_wait3A_344] : memref<10000x128xf32, #tpu.memory_space<vmem_shared>> -> memref<10000x128xf32, #tpu.memory_space<vmem_shared>>
      tpu.wait_indirect_dma semaphore(%arg14 : memref<!tpu.dma_semaphore, #tpu.memory_space<semaphore_mem>>) src(%dma_wait3A_339 : memref<80x128xf32, #tpu.memory_space<vmem>>) dst(%dma_wait3A_345 : memref<10000x128xf32, #tpu.memory_space<vmem_shared>>)
      %dma_start3A_346 = arith.constant 1 : i32
      %dma_start3A_347 = arith.constant 5 : i32
      %dma_start3A_348 = arith.constant 0 : i32
      %dma_start3A_349 = arith.constant 0 : i32
      %dma_start3A_350 = tpu.memref_slice %arg9[%dma_start3A_346, %dma_start3A_348, %dma_start3A_349] : memref<4x80x128xf32, #tpu.memory_space<vmem>> -> memref<1x80x128xf32, #tpu.memory_space<vmem>>
      %dma_start3A_351 = tpu.memref_squeeze %dma_start3A_350 : memref<1x80x128xf32, #tpu.memory_space<vmem>> -> memref<80x128xf32, #tpu.memory_space<vmem>>
      %dma_start3A_352 = arith.constant 0 : i32
      %dma_start3A_353 = tpu.memref_slice %arg8[%select_n3A_75, %dma_start3A_347, %dma_start3A_352] : memref<2x16x80xi32, #tpu.memory_space<vmem>> -> memref<1x1x80xi32, #tpu.memory_space<vmem>>
      %dma_start3A_354 = tpu.memref_squeeze %dma_start3A_353 : memref<1x1x80xi32, #tpu.memory_space<vmem>> -> memref<80xi32, #tpu.memory_space<vmem>>
      %dma_start3A_355 = arith.constant 0 : i32
      %dma_start3A_356 = arith.constant 0 : i32
      %dma_start3A_357 = tpu.memref_slice %arg10[%dma_start3A_355, %dma_start3A_356] : memref<10000x128xf32, #tpu.memory_space<vmem_shared>> -> memref<10000x128xf32, #tpu.memory_space<vmem_shared>>
      tpu.enqueue_indirect_dma source(%dma_start3A_351 : memref<80x128xf32, #tpu.memory_space<vmem>>) target(%dma_start3A_357 : memref<10000x128xf32, #tpu.memory_space<vmem_shared>>) offsets(%dma_start3A_354 : memref<80xi32, #tpu.memory_space<vmem>>) semaphore(%arg14 : memref<!tpu.dma_semaphore, #tpu.memory_space<semaphore_mem>>) {add = true}
      %dma_start3A_358 = arith.constant 7 : i32
      %dma_start3A_359 = arith.constant 3 : i32
      %dma_start3A_360 = arith.constant 0 : i32
      %dma_start3A_361 = arith.constant 0 : i32
      %dma_start3A_362 = tpu.memref_slice %arg9[%dma_start3A_359, %dma_start3A_360, %dma_start3A_361] : memref<4x80x128xf32, #tpu.memory_space<vmem>> -> memref<1x80x128xf32, #tpu.memory_space<vmem>>
      %dma_start3A_363 = tpu.memref_squeeze %dma_start3A_362 : memref<1x80x128xf32, #tpu.memory_space<vmem>> -> memref<80x128xf32, #tpu.memory_space<vmem>>
      %dma_start3A_364 = arith.constant 0 : i32
      %dma_start3A_365 = tpu.memref_slice %arg7[%select_n3A_75, %dma_start3A_358, %dma_start3A_364] : memref<2x16x80xi32, #tpu.memory_space<vmem>> -> memref<1x1x80xi32, #tpu.memory_space<vmem>>
      %dma_start3A_366 = tpu.memref_squeeze %dma_start3A_365 : memref<1x1x80xi32, #tpu.memory_space<vmem>> -> memref<80xi32, #tpu.memory_space<vmem>>
      %dma_start3A_367 = arith.constant 0 : i32
      %dma_start3A_368 = arith.constant 0 : i32
      %dma_start3A_369 = tpu.memref_slice %arg2[%dma_start3A_367, %dma_start3A_368] : memref<10240x128xf32, #tpu.memory_space<hbm>> -> memref<10240x128xf32, #tpu.memory_space<hbm>>
      tpu.enqueue_indirect_dma source(%dma_start3A_369 : memref<10240x128xf32, #tpu.memory_space<hbm>>) target(%dma_start3A_363 : memref<80x128xf32, #tpu.memory_space<vmem>>) offsets(%dma_start3A_366 : memref<80xi32, #tpu.memory_space<vmem>>) semaphore(%arg12 : memref<!tpu.dma_semaphore, #tpu.memory_space<semaphore_mem>>)
      %dma_wait3A_370 = arith.constant 6 : i32
      %dma_wait3A_371 = arith.constant 2 : i32
      %dma_wait3A_372 = arith.constant 0 : i32
      %dma_wait3A_373 = arith.constant 0 : i32
      %dma_wait3A_374 = tpu.memref_slice %arg9[%dma_wait3A_371, %dma_wait3A_372, %dma_wait3A_373] : memref<4x80x128xf32, #tpu.memory_space<vmem>> -> memref<1x80x128xf32, #tpu.memory_space<vmem>>
      %dma_wait3A_375 = tpu.memref_squeeze %dma_wait3A_374 : memref<1x80x128xf32, #tpu.memory_space<vmem>> -> memref<80x128xf32, #tpu.memory_space<vmem>>
      %dma_wait3A_376 = arith.constant 0 : i32
      %dma_wait3A_377 = tpu.memref_slice %arg7[%select_n3A_75, %dma_wait3A_370, %dma_wait3A_376] : memref<2x16x80xi32, #tpu.memory_space<vmem>> -> memref<1x1x80xi32, #tpu.memory_space<vmem>>
      %dma_wait3A_378 = tpu.memref_squeeze %dma_wait3A_377 : memref<1x1x80xi32, #tpu.memory_space<vmem>> -> memref<80xi32, #tpu.memory_space<vmem>>
      %dma_wait3A_379 = arith.constant 0 : i32
      %dma_wait3A_380 = arith.constant 0 : i32
      %dma_wait3A_381 = tpu.memref_slice %arg2[%dma_wait3A_379, %dma_wait3A_380] : memref<10240x128xf32, #tpu.memory_space<hbm>> -> memref<10240x128xf32, #tpu.memory_space<hbm>>
      tpu.wait_indirect_dma semaphore(%arg11 : memref<!tpu.dma_semaphore, #tpu.memory_space<semaphore_mem>>) src(%dma_wait3A_381 : memref<10240x128xf32, #tpu.memory_space<hbm>>) dst(%dma_wait3A_375 : memref<80x128xf32, #tpu.memory_space<vmem>>)
      %dma_wait3A_382 = arith.constant 0 : i32
      %dma_wait3A_383 = arith.constant 4 : i32
      %dma_wait3A_384 = arith.constant 0 : i32
      %dma_wait3A_385 = arith.constant 0 : i32
      %dma_wait3A_386 = tpu.memref_slice %arg9[%dma_wait3A_382, %dma_wait3A_384, %dma_wait3A_385] : memref<4x80x128xf32, #tpu.memory_space<vmem>> -> memref<1x80x128xf32, #tpu.memory_space<vmem>>
      %dma_wait3A_387 = tpu.memref_squeeze %dma_wait3A_386 : memref<1x80x128xf32, #tpu.memory_space<vmem>> -> memref<80x128xf32, #tpu.memory_space<vmem>>
      %dma_wait3A_388 = arith.constant 0 : i32
      %dma_wait3A_389 = tpu.memref_slice %arg8[%select_n3A_75, %dma_wait3A_383, %dma_wait3A_388] : memref<2x16x80xi32, #tpu.memory_space<vmem>> -> memref<1x1x80xi32, #tpu.memory_space<vmem>>
      %dma_wait3A_390 = tpu.memref_squeeze %dma_wait3A_389 : memref<1x1x80xi32, #tpu.memory_space<vmem>> -> memref<80xi32, #tpu.memory_space<vmem>>
      %dma_wait3A_391 = arith.constant 0 : i32
      %dma_wait3A_392 = arith.constant 0 : i32
      %dma_wait3A_393 = tpu.memref_slice %arg10[%dma_wait3A_391, %dma_wait3A_392] : memref<10000x128xf32, #tpu.memory_space<vmem_shared>> -> memref<10000x128xf32, #tpu.memory_space<vmem_shared>>
      tpu.wait_indirect_dma semaphore(%arg13 : memref<!tpu.dma_semaphore, #tpu.memory_space<semaphore_mem>>) src(%dma_wait3A_387 : memref<80x128xf32, #tpu.memory_space<vmem>>) dst(%dma_wait3A_393 : memref<10000x128xf32, #tpu.memory_space<vmem_shared>>)
      %dma_start3A_394 = arith.constant 2 : i32
      %dma_start3A_395 = arith.constant 6 : i32
      %dma_start3A_396 = arith.constant 0 : i32
      %dma_start3A_397 = arith.constant 0 : i32
      %dma_start3A_398 = tpu.memref_slice %arg9[%dma_start3A_394, %dma_start3A_396, %dma_start3A_397] : memref<4x80x128xf32, #tpu.memory_space<vmem>> -> memref<1x80x128xf32, #tpu.memory_space<vmem>>
      %dma_start3A_399 = tpu.memref_squeeze %dma_start3A_398 : memref<1x80x128xf32, #tpu.memory_space<vmem>> -> memref<80x128xf32, #tpu.memory_space<vmem>>
      %dma_start3A_400 = arith.constant 0 : i32
      %dma_start3A_401 = tpu.memref_slice %arg8[%select_n3A_75, %dma_start3A_395, %dma_start3A_400] : memref<2x16x80xi32, #tpu.memory_space<vmem>> -> memref<1x1x80xi32, #tpu.memory_space<vmem>>
      %dma_start3A_402 = tpu.memref_squeeze %dma_start3A_401 : memref<1x1x80xi32, #tpu.memory_space<vmem>> -> memref<80xi32, #tpu.memory_space<vmem>>
      %dma_start3A_403 = arith.constant 0 : i32
      %dma_start3A_404 = arith.constant 0 : i32
      %dma_start3A_405 = tpu.memref_slice %arg10[%dma_start3A_403, %dma_start3A_404] : memref<10000x128xf32, #tpu.memory_space<vmem_shared>> -> memref<10000x128xf32, #tpu.memory_space<vmem_shared>>
      tpu.enqueue_indirect_dma source(%dma_start3A_399 : memref<80x128xf32, #tpu.memory_space<vmem>>) target(%dma_start3A_405 : memref<10000x128xf32, #tpu.memory_space<vmem_shared>>) offsets(%dma_start3A_402 : memref<80xi32, #tpu.memory_space<vmem>>) semaphore(%arg13 : memref<!tpu.dma_semaphore, #tpu.memory_space<semaphore_mem>>) {add = true}
      %dma_start3A_406 = arith.constant 8 : i32
      %dma_start3A_407 = arith.constant 0 : i32
      %dma_start3A_408 = arith.constant 0 : i32
      %dma_start3A_409 = arith.constant 0 : i32
      %dma_start3A_410 = tpu.memref_slice %arg9[%dma_start3A_407, %dma_start3A_408, %dma_start3A_409] : memref<4x80x128xf32, #tpu.memory_space<vmem>> -> memref<1x80x128xf32, #tpu.memory_space<vmem>>
      %dma_start3A_411 = tpu.memref_squeeze %dma_start3A_410 : memref<1x80x128xf32, #tpu.memory_space<vmem>> -> memref<80x128xf32, #tpu.memory_space<vmem>>
      %dma_start3A_412 = arith.constant 0 : i32
      %dma_start3A_413 = tpu.memref_slice %arg7[%select_n3A_75, %dma_start3A_406, %dma_start3A_412] : memref<2x16x80xi32, #tpu.memory_space<vmem>> -> memref<1x1x80xi32, #tpu.memory_space<vmem>>
      %dma_start3A_414 = tpu.memref_squeeze %dma_start3A_413 : memref<1x1x80xi32, #tpu.memory_space<vmem>> -> memref<80xi32, #tpu.memory_space<vmem>>
      %dma_start3A_415 = arith.constant 0 : i32
      %dma_start3A_416 = arith.constant 0 : i32
      %dma_start3A_417 = tpu.memref_slice %arg2[%dma_start3A_415, %dma_start3A_416] : memref<10240x128xf32, #tpu.memory_space<hbm>> -> memref<10240x128xf32, #tpu.memory_space<hbm>>
      tpu.enqueue_indirect_dma source(%dma_start3A_417 : memref<10240x128xf32, #tpu.memory_space<hbm>>) target(%dma_start3A_411 : memref<80x128xf32, #tpu.memory_space<vmem>>) offsets(%dma_start3A_414 : memref<80xi32, #tpu.memory_space<vmem>>) semaphore(%arg11 : memref<!tpu.dma_semaphore, #tpu.memory_space<semaphore_mem>>)
      %dma_wait3A_418 = arith.constant 7 : i32
      %dma_wait3A_419 = arith.constant 3 : i32
      %dma_wait3A_420 = arith.constant 0 : i32
      %dma_wait3A_421 = arith.constant 0 : i32
      %dma_wait3A_422 = tpu.memref_slice %arg9[%dma_wait3A_419, %dma_wait3A_420, %dma_wait3A_421] : memref<4x80x128xf32, #tpu.memory_space<vmem>> -> memref<1x80x128xf32, #tpu.memory_space<vmem>>
      %dma_wait3A_423 = tpu.memref_squeeze %dma_wait3A_422 : memref<1x80x128xf32, #tpu.memory_space<vmem>> -> memref<80x128xf32, #tpu.memory_space<vmem>>
      %dma_wait3A_424 = arith.constant 0 : i32
      %dma_wait3A_425 = tpu.memref_slice %arg7[%select_n3A_75, %dma_wait3A_418, %dma_wait3A_424] : memref<2x16x80xi32, #tpu.memory_space<vmem>> -> memref<1x1x80xi32, #tpu.memory_space<vmem>>
      %dma_wait3A_426 = tpu.memref_squeeze %dma_wait3A_425 : memref<1x1x80xi32, #tpu.memory_space<vmem>> -> memref<80xi32, #tpu.memory_space<vmem>>
      %dma_wait3A_427 = arith.constant 0 : i32
      %dma_wait3A_428 = arith.constant 0 : i32
      %dma_wait3A_429 = tpu.memref_slice %arg2[%dma_wait3A_427, %dma_wait3A_428] : memref<10240x128xf32, #tpu.memory_space<hbm>> -> memref<10240x128xf32, #tpu.memory_space<hbm>>
      tpu.wait_indirect_dma semaphore(%arg12 : memref<!tpu.dma_semaphore, #tpu.memory_space<semaphore_mem>>) src(%dma_wait3A_429 : memref<10240x128xf32, #tpu.memory_space<hbm>>) dst(%dma_wait3A_423 : memref<80x128xf32, #tpu.memory_space<vmem>>)
      %dma_wait3A_430 = arith.constant 1 : i32
      %dma_wait3A_431 = arith.constant 5 : i32
      %dma_wait3A_432 = arith.constant 0 : i32
      %dma_wait3A_433 = arith.constant 0 : i32
      %dma_wait3A_434 = tpu.memref_slice %arg9[%dma_wait3A_430, %dma_wait3A_432, %dma_wait3A_433] : memref<4x80x128xf32, #tpu.memory_space<vmem>> -> memref<1x80x128xf32, #tpu.memory_space<vmem>>
      %dma_wait3A_435 = tpu.memref_squeeze %dma_wait3A_434 : memref<1x80x128xf32, #tpu.memory_space<vmem>> -> memref<80x128xf32, #tpu.memory_space<vmem>>
      %dma_wait3A_436 = arith.constant 0 : i32
      %dma_wait3A_437 = tpu.memref_slice %arg8[%select_n3A_75, %dma_wait3A_431, %dma_wait3A_436] : memref<2x16x80xi32, #tpu.memory_space<vmem>> -> memref<1x1x80xi32, #tpu.memory_space<vmem>>
      %dma_wait3A_438 = tpu.memref_squeeze %dma_wait3A_437 : memref<1x1x80xi32, #tpu.memory_space<vmem>> -> memref<80xi32, #tpu.memory_space<vmem>>
      %dma_wait3A_439 = arith.constant 0 : i32
      %dma_wait3A_440 = arith.constant 0 : i32
      %dma_wait3A_441 = tpu.memref_slice %arg10[%dma_wait3A_439, %dma_wait3A_440] : memref<10000x128xf32, #tpu.memory_space<vmem_shared>> -> memref<10000x128xf32, #tpu.memory_space<vmem_shared>>
      tpu.wait_indirect_dma semaphore(%arg14 : memref<!tpu.dma_semaphore, #tpu.memory_space<semaphore_mem>>) src(%dma_wait3A_435 : memref<80x128xf32, #tpu.memory_space<vmem>>) dst(%dma_wait3A_441 : memref<10000x128xf32, #tpu.memory_space<vmem_shared>>)
      %dma_start3A_442 = arith.constant 3 : i32
      %dma_start3A_443 = arith.constant 7 : i32
      %dma_start3A_444 = arith.constant 0 : i32
      %dma_start3A_445 = arith.constant 0 : i32
      %dma_start3A_446 = tpu.memref_slice %arg9[%dma_start3A_442, %dma_start3A_444, %dma_start3A_445] : memref<4x80x128xf32, #tpu.memory_space<vmem>> -> memref<1x80x128xf32, #tpu.memory_space<vmem>>
      %dma_start3A_447 = tpu.memref_squeeze %dma_start3A_446 : memref<1x80x128xf32, #tpu.memory_space<vmem>> -> memref<80x128xf32, #tpu.memory_space<vmem>>
      %dma_start3A_448 = arith.constant 0 : i32
      %dma_start3A_449 = tpu.memref_slice %arg8[%select_n3A_75, %dma_start3A_443, %dma_start3A_448] : memref<2x16x80xi32, #tpu.memory_space<vmem>> -> memref<1x1x80xi32, #tpu.memory_space<vmem>>
      %dma_start3A_450 = tpu.memref_squeeze %dma_start3A_449 : memref<1x1x80xi32, #tpu.memory_space<vmem>> -> memref<80xi32, #tpu.memory_space<vmem>>
      %dma_start3A_451 = arith.constant 0 : i32
      %dma_start3A_452 = arith.constant 0 : i32
      %dma_start3A_453 = tpu.memref_slice %arg10[%dma_start3A_451, %dma_start3A_452] : memref<10000x128xf32, #tpu.memory_space<vmem_shared>> -> memref<10000x128xf32, #tpu.memory_space<vmem_shared>>
      tpu.enqueue_indirect_dma source(%dma_start3A_447 : memref<80x128xf32, #tpu.memory_space<vmem>>) target(%dma_start3A_453 : memref<10000x128xf32, #tpu.memory_space<vmem_shared>>) offsets(%dma_start3A_450 : memref<80xi32, #tpu.memory_space<vmem>>) semaphore(%arg14 : memref<!tpu.dma_semaphore, #tpu.memory_space<semaphore_mem>>) {add = true}
      %dma_start3A_454 = arith.constant 9 : i32
      %dma_start3A_455 = arith.constant 1 : i32
      %dma_start3A_456 = arith.constant 0 : i32
      %dma_start3A_457 = arith.constant 0 : i32
      %dma_start3A_458 = tpu.memref_slice %arg9[%dma_start3A_455, %dma_start3A_456, %dma_start3A_457] : memref<4x80x128xf32, #tpu.memory_space<vmem>> -> memref<1x80x128xf32, #tpu.memory_space<vmem>>
      %dma_start3A_459 = tpu.memref_squeeze %dma_start3A_458 : memref<1x80x128xf32, #tpu.memory_space<vmem>> -> memref<80x128xf32, #tpu.memory_space<vmem>>
      %dma_start3A_460 = arith.constant 0 : i32
      %dma_start3A_461 = tpu.memref_slice %arg7[%select_n3A_75, %dma_start3A_454, %dma_start3A_460] : memref<2x16x80xi32, #tpu.memory_space<vmem>> -> memref<1x1x80xi32, #tpu.memory_space<vmem>>
      %dma_start3A_462 = tpu.memref_squeeze %dma_start3A_461 : memref<1x1x80xi32, #tpu.memory_space<vmem>> -> memref<80xi32, #tpu.memory_space<vmem>>
      %dma_start3A_463 = arith.constant 0 : i32
      %dma_start3A_464 = arith.constant 0 : i32
      %dma_start3A_465 = tpu.memref_slice %arg2[%dma_start3A_463, %dma_start3A_464] : memref<10240x128xf32, #tpu.memory_space<hbm>> -> memref<10240x128xf32, #tpu.memory_space<hbm>>
      tpu.enqueue_indirect_dma source(%dma_start3A_465 : memref<10240x128xf32, #tpu.memory_space<hbm>>) target(%dma_start3A_459 : memref<80x128xf32, #tpu.memory_space<vmem>>) offsets(%dma_start3A_462 : memref<80xi32, #tpu.memory_space<vmem>>) semaphore(%arg12 : memref<!tpu.dma_semaphore, #tpu.memory_space<semaphore_mem>>)
      %dma_wait3A_466 = arith.constant 8 : i32
      %dma_wait3A_467 = arith.constant 0 : i32
      %dma_wait3A_468 = arith.constant 0 : i32
      %dma_wait3A_469 = arith.constant 0 : i32
      %dma_wait3A_470 = tpu.memref_slice %arg9[%dma_wait3A_467, %dma_wait3A_468, %dma_wait3A_469] : memref<4x80x128xf32, #tpu.memory_space<vmem>> -> memref<1x80x128xf32, #tpu.memory_space<vmem>>
      %dma_wait3A_471 = tpu.memref_squeeze %dma_wait3A_470 : memref<1x80x128xf32, #tpu.memory_space<vmem>> -> memref<80x128xf32, #tpu.memory_space<vmem>>
      %dma_wait3A_472 = arith.constant 0 : i32
      %dma_wait3A_473 = tpu.memref_slice %arg7[%select_n3A_75, %dma_wait3A_466, %dma_wait3A_472] : memref<2x16x80xi32, #tpu.memory_space<vmem>> -> memref<1x1x80xi32, #tpu.memory_space<vmem>>
      %dma_wait3A_474 = tpu.memref_squeeze %dma_wait3A_473 : memref<1x1x80xi32, #tpu.memory_space<vmem>> -> memref<80xi32, #tpu.memory_space<vmem>>
      %dma_wait3A_475 = arith.constant 0 : i32
      %dma_wait3A_476 = arith.constant 0 : i32
      %dma_wait3A_477 = tpu.memref_slice %arg2[%dma_wait3A_475, %dma_wait3A_476] : memref<10240x128xf32, #tpu.memory_space<hbm>> -> memref<10240x128xf32, #tpu.memory_space<hbm>>
      tpu.wait_indirect_dma semaphore(%arg11 : memref<!tpu.dma_semaphore, #tpu.memory_space<semaphore_mem>>) src(%dma_wait3A_477 : memref<10240x128xf32, #tpu.memory_space<hbm>>) dst(%dma_wait3A_471 : memref<80x128xf32, #tpu.memory_space<vmem>>)
      %dma_wait3A_478 = arith.constant 2 : i32
      %dma_wait3A_479 = arith.constant 6 : i32
      %dma_wait3A_480 = arith.constant 0 : i32
      %dma_wait3A_481 = arith.constant 0 : i32
      %dma_wait3A_482 = tpu.memref_slice %arg9[%dma_wait3A_478, %dma_wait3A_480, %dma_wait3A_481] : memref<4x80x128xf32, #tpu.memory_space<vmem>> -> memref<1x80x128xf32, #tpu.memory_space<vmem>>
      %dma_wait3A_483 = tpu.memref_squeeze %dma_wait3A_482 : memref<1x80x128xf32, #tpu.memory_space<vmem>> -> memref<80x128xf32, #tpu.memory_space<vmem>>
      %dma_wait3A_484 = arith.constant 0 : i32
      %dma_wait3A_485 = tpu.memref_slice %arg8[%select_n3A_75, %dma_wait3A_479, %dma_wait3A_484] : memref<2x16x80xi32, #tpu.memory_space<vmem>> -> memref<1x1x80xi32, #tpu.memory_space<vmem>>
      %dma_wait3A_486 = tpu.memref_squeeze %dma_wait3A_485 : memref<1x1x80xi32, #tpu.memory_space<vmem>> -> memref<80xi32, #tpu.memory_space<vmem>>
      %dma_wait3A_487 = arith.constant 0 : i32
      %dma_wait3A_488 = arith.constant 0 : i32
      %dma_wait3A_489 = tpu.memref_slice %arg10[%dma_wait3A_487, %dma_wait3A_488] : memref<10000x128xf32, #tpu.memory_space<vmem_shared>> -> memref<10000x128xf32, #tpu.memory_space<vmem_shared>>
      tpu.wait_indirect_dma semaphore(%arg13 : memref<!tpu.dma_semaphore, #tpu.memory_space<semaphore_mem>>) src(%dma_wait3A_483 : memref<80x128xf32, #tpu.memory_space<vmem>>) dst(%dma_wait3A_489 : memref<10000x128xf32, #tpu.memory_space<vmem_shared>>)
      %dma_start3A_490 = arith.constant 0 : i32
      %dma_start3A_491 = arith.constant 8 : i32
      %dma_start3A_492 = arith.constant 0 : i32
      %dma_start3A_493 = arith.constant 0 : i32
      %dma_start3A_494 = tpu.memref_slice %arg9[%dma_start3A_490, %dma_start3A_492, %dma_start3A_493] : memref<4x80x128xf32, #tpu.memory_space<vmem>> -> memref<1x80x128xf32, #tpu.memory_space<vmem>>
      %dma_start3A_495 = tpu.memref_squeeze %dma_start3A_494 : memref<1x80x128xf32, #tpu.memory_space<vmem>> -> memref<80x128xf32, #tpu.memory_space<vmem>>
      %dma_start3A_496 = arith.constant 0 : i32
      %dma_start3A_497 = tpu.memref_slice %arg8[%select_n3A_75, %dma_start3A_491, %dma_start3A_496] : memref<2x16x80xi32, #tpu.memory_space<vmem>> -> memref<1x1x80xi32, #tpu.memory_space<vmem>>
      %dma_start3A_498 = tpu.memref_squeeze %dma_start3A_497 : memref<1x1x80xi32, #tpu.memory_space<vmem>> -> memref<80xi32, #tpu.memory_space<vmem>>
      %dma_start3A_499 = arith.constant 0 : i32
      %dma_start3A_500 = arith.constant 0 : i32
      %dma_start3A_501 = tpu.memref_slice %arg10[%dma_start3A_499, %dma_start3A_500] : memref<10000x128xf32, #tpu.memory_space<vmem_shared>> -> memref<10000x128xf32, #tpu.memory_space<vmem_shared>>
      tpu.enqueue_indirect_dma source(%dma_start3A_495 : memref<80x128xf32, #tpu.memory_space<vmem>>) target(%dma_start3A_501 : memref<10000x128xf32, #tpu.memory_space<vmem_shared>>) offsets(%dma_start3A_498 : memref<80xi32, #tpu.memory_space<vmem>>) semaphore(%arg13 : memref<!tpu.dma_semaphore, #tpu.memory_space<semaphore_mem>>) {add = true}
      %dma_start3A_502 = arith.constant 10 : i32
      %dma_start3A_503 = arith.constant 2 : i32
      %dma_start3A_504 = arith.constant 0 : i32
      %dma_start3A_505 = arith.constant 0 : i32
      %dma_start3A_506 = tpu.memref_slice %arg9[%dma_start3A_503, %dma_start3A_504, %dma_start3A_505] : memref<4x80x128xf32, #tpu.memory_space<vmem>> -> memref<1x80x128xf32, #tpu.memory_space<vmem>>
      %dma_start3A_507 = tpu.memref_squeeze %dma_start3A_506 : memref<1x80x128xf32, #tpu.memory_space<vmem>> -> memref<80x128xf32, #tpu.memory_space<vmem>>
      %dma_start3A_508 = arith.constant 0 : i32
      %dma_start3A_509 = tpu.memref_slice %arg7[%select_n3A_75, %dma_start3A_502, %dma_start3A_508] : memref<2x16x80xi32, #tpu.memory_space<vmem>> -> memref<1x1x80xi32, #tpu.memory_space<vmem>>
      %dma_start3A_510 = tpu.memref_squeeze %dma_start3A_509 : memref<1x1x80xi32, #tpu.memory_space<vmem>> -> memref<80xi32, #tpu.memory_space<vmem>>
      %dma_start3A_511 = arith.constant 0 : i32
      %dma_start3A_512 = arith.constant 0 : i32
      %dma_start3A_513 = tpu.memref_slice %arg2[%dma_start3A_511, %dma_start3A_512] : memref<10240x128xf32, #tpu.memory_space<hbm>> -> memref<10240x128xf32, #tpu.memory_space<hbm>>
      tpu.enqueue_indirect_dma source(%dma_start3A_513 : memref<10240x128xf32, #tpu.memory_space<hbm>>) target(%dma_start3A_507 : memref<80x128xf32, #tpu.memory_space<vmem>>) offsets(%dma_start3A_510 : memref<80xi32, #tpu.memory_space<vmem>>) semaphore(%arg11 : memref<!tpu.dma_semaphore, #tpu.memory_space<semaphore_mem>>)
      %dma_wait3A_514 = arith.constant 9 : i32
      %dma_wait3A_515 = arith.constant 1 : i32
      %dma_wait3A_516 = arith.constant 0 : i32
      %dma_wait3A_517 = arith.constant 0 : i32
      %dma_wait3A_518 = tpu.memref_slice %arg9[%dma_wait3A_515, %dma_wait3A_516, %dma_wait3A_517] : memref<4x80x128xf32, #tpu.memory_space<vmem>> -> memref<1x80x128xf32, #tpu.memory_space<vmem>>
      %dma_wait3A_519 = tpu.memref_squeeze %dma_wait3A_518 : memref<1x80x128xf32, #tpu.memory_space<vmem>> -> memref<80x128xf32, #tpu.memory_space<vmem>>
      %dma_wait3A_520 = arith.constant 0 : i32
      %dma_wait3A_521 = tpu.memref_slice %arg7[%select_n3A_75, %dma_wait3A_514, %dma_wait3A_520] : memref<2x16x80xi32, #tpu.memory_space<vmem>> -> memref<1x1x80xi32, #tpu.memory_space<vmem>>
      %dma_wait3A_522 = tpu.memref_squeeze %dma_wait3A_521 : memref<1x1x80xi32, #tpu.memory_space<vmem>> -> memref<80xi32, #tpu.memory_space<vmem>>
      %dma_wait3A_523 = arith.constant 0 : i32
      %dma_wait3A_524 = arith.constant 0 : i32
      %dma_wait3A_525 = tpu.memref_slice %arg2[%dma_wait3A_523, %dma_wait3A_524] : memref<10240x128xf32, #tpu.memory_space<hbm>> -> memref<10240x128xf32, #tpu.memory_space<hbm>>
      tpu.wait_indirect_dma semaphore(%arg12 : memref<!tpu.dma_semaphore, #tpu.memory_space<semaphore_mem>>) src(%dma_wait3A_525 : memref<10240x128xf32, #tpu.memory_space<hbm>>) dst(%dma_wait3A_519 : memref<80x128xf32, #tpu.memory_space<vmem>>)
      %dma_wait3A_526 = arith.constant 3 : i32
      %dma_wait3A_527 = arith.constant 7 : i32
      %dma_wait3A_528 = arith.constant 0 : i32
      %dma_wait3A_529 = arith.constant 0 : i32
      %dma_wait3A_530 = tpu.memref_slice %arg9[%dma_wait3A_526, %dma_wait3A_528, %dma_wait3A_529] : memref<4x80x128xf32, #tpu.memory_space<vmem>> -> memref<1x80x128xf32, #tpu.memory_space<vmem>>
      %dma_wait3A_531 = tpu.memref_squeeze %dma_wait3A_530 : memref<1x80x128xf32, #tpu.memory_space<vmem>> -> memref<80x128xf32, #tpu.memory_space<vmem>>
      %dma_wait3A_532 = arith.constant 0 : i32
      %dma_wait3A_533 = tpu.memref_slice %arg8[%select_n3A_75, %dma_wait3A_527, %dma_wait3A_532] : memref<2x16x80xi32, #tpu.memory_space<vmem>> -> memref<1x1x80xi32, #tpu.memory_space<vmem>>
      %dma_wait3A_534 = tpu.memref_squeeze %dma_wait3A_533 : memref<1x1x80xi32, #tpu.memory_space<vmem>> -> memref<80xi32, #tpu.memory_space<vmem>>
      %dma_wait3A_535 = arith.constant 0 : i32
      %dma_wait3A_536 = arith.constant 0 : i32
      %dma_wait3A_537 = tpu.memref_slice %arg10[%dma_wait3A_535, %dma_wait3A_536] : memref<10000x128xf32, #tpu.memory_space<vmem_shared>> -> memref<10000x128xf32, #tpu.memory_space<vmem_shared>>
      tpu.wait_indirect_dma semaphore(%arg14 : memref<!tpu.dma_semaphore, #tpu.memory_space<semaphore_mem>>) src(%dma_wait3A_531 : memref<80x128xf32, #tpu.memory_space<vmem>>) dst(%dma_wait3A_537 : memref<10000x128xf32, #tpu.memory_space<vmem_shared>>)
      %dma_start3A_538 = arith.constant 1 : i32
      %dma_start3A_539 = arith.constant 9 : i32
      %dma_start3A_540 = arith.constant 0 : i32
      %dma_start3A_541 = arith.constant 0 : i32
      %dma_start3A_542 = tpu.memref_slice %arg9[%dma_start3A_538, %dma_start3A_540, %dma_start3A_541] : memref<4x80x128xf32, #tpu.memory_space<vmem>> -> memref<1x80x128xf32, #tpu.memory_space<vmem>>
      %dma_start3A_543 = tpu.memref_squeeze %dma_start3A_542 : memref<1x80x128xf32, #tpu.memory_space<vmem>> -> memref<80x128xf32, #tpu.memory_space<vmem>>
      %dma_start3A_544 = arith.constant 0 : i32
      %dma_start3A_545 = tpu.memref_slice %arg8[%select_n3A_75, %dma_start3A_539, %dma_start3A_544] : memref<2x16x80xi32, #tpu.memory_space<vmem>> -> memref<1x1x80xi32, #tpu.memory_space<vmem>>
      %dma_start3A_546 = tpu.memref_squeeze %dma_start3A_545 : memref<1x1x80xi32, #tpu.memory_space<vmem>> -> memref<80xi32, #tpu.memory_space<vmem>>
      %dma_start3A_547 = arith.constant 0 : i32
      %dma_start3A_548 = arith.constant 0 : i32
      %dma_start3A_549 = tpu.memref_slice %arg10[%dma_start3A_547, %dma_start3A_548] : memref<10000x128xf32, #tpu.memory_space<vmem_shared>> -> memref<10000x128xf32, #tpu.memory_space<vmem_shared>>
      tpu.enqueue_indirect_dma source(%dma_start3A_543 : memref<80x128xf32, #tpu.memory_space<vmem>>) target(%dma_start3A_549 : memref<10000x128xf32, #tpu.memory_space<vmem_shared>>) offsets(%dma_start3A_546 : memref<80xi32, #tpu.memory_space<vmem>>) semaphore(%arg14 : memref<!tpu.dma_semaphore, #tpu.memory_space<semaphore_mem>>) {add = true}
      %dma_start3A_550 = arith.constant 11 : i32
      %dma_start3A_551 = arith.constant 3 : i32
      %dma_start3A_552 = arith.constant 0 : i32
      %dma_start3A_553 = arith.constant 0 : i32
      %dma_start3A_554 = tpu.memref_slice %arg9[%dma_start3A_551, %dma_start3A_552, %dma_start3A_553] : memref<4x80x128xf32, #tpu.memory_space<vmem>> -> memref<1x80x128xf32, #tpu.memory_space<vmem>>
      %dma_start3A_555 = tpu.memref_squeeze %dma_start3A_554 : memref<1x80x128xf32, #tpu.memory_space<vmem>> -> memref<80x128xf32, #tpu.memory_space<vmem>>
      %dma_start3A_556 = arith.constant 0 : i32
      %dma_start3A_557 = tpu.memref_slice %arg7[%select_n3A_75, %dma_start3A_550, %dma_start3A_556] : memref<2x16x80xi32, #tpu.memory_space<vmem>> -> memref<1x1x80xi32, #tpu.memory_space<vmem>>
      %dma_start3A_558 = tpu.memref_squeeze %dma_start3A_557 : memref<1x1x80xi32, #tpu.memory_space<vmem>> -> memref<80xi32, #tpu.memory_space<vmem>>
      %dma_start3A_559 = arith.constant 0 : i32
      %dma_start3A_560 = arith.constant 0 : i32
      %dma_start3A_561 = tpu.memref_slice %arg2[%dma_start3A_559, %dma_start3A_560] : memref<10240x128xf32, #tpu.memory_space<hbm>> -> memref<10240x128xf32, #tpu.memory_space<hbm>>
      tpu.enqueue_indirect_dma source(%dma_start3A_561 : memref<10240x128xf32, #tpu.memory_space<hbm>>) target(%dma_start3A_555 : memref<80x128xf32, #tpu.memory_space<vmem>>) offsets(%dma_start3A_558 : memref<80xi32, #tpu.memory_space<vmem>>) semaphore(%arg12 : memref<!tpu.dma_semaphore, #tpu.memory_space<semaphore_mem>>)
      %dma_wait3A_562 = arith.constant 10 : i32
      %dma_wait3A_563 = arith.constant 2 : i32
      %dma_wait3A_564 = arith.constant 0 : i32
      %dma_wait3A_565 = arith.constant 0 : i32
      %dma_wait3A_566 = tpu.memref_slice %arg9[%dma_wait3A_563, %dma_wait3A_564, %dma_wait3A_565] : memref<4x80x128xf32, #tpu.memory_space<vmem>> -> memref<1x80x128xf32, #tpu.memory_space<vmem>>
      %dma_wait3A_567 = tpu.memref_squeeze %dma_wait3A_566 : memref<1x80x128xf32, #tpu.memory_space<vmem>> -> memref<80x128xf32, #tpu.memory_space<vmem>>
      %dma_wait3A_568 = arith.constant 0 : i32
      %dma_wait3A_569 = tpu.memref_slice %arg7[%select_n3A_75, %dma_wait3A_562, %dma_wait3A_568] : memref<2x16x80xi32, #tpu.memory_space<vmem>> -> memref<1x1x80xi32, #tpu.memory_space<vmem>>
      %dma_wait3A_570 = tpu.memref_squeeze %dma_wait3A_569 : memref<1x1x80xi32, #tpu.memory_space<vmem>> -> memref<80xi32, #tpu.memory_space<vmem>>
      %dma_wait3A_571 = arith.constant 0 : i32
      %dma_wait3A_572 = arith.constant 0 : i32
      %dma_wait3A_573 = tpu.memref_slice %arg2[%dma_wait3A_571, %dma_wait3A_572] : memref<10240x128xf32, #tpu.memory_space<hbm>> -> memref<10240x128xf32, #tpu.memory_space<hbm>>
      tpu.wait_indirect_dma semaphore(%arg11 : memref<!tpu.dma_semaphore, #tpu.memory_space<semaphore_mem>>) src(%dma_wait3A_573 : memref<10240x128xf32, #tpu.memory_space<hbm>>) dst(%dma_wait3A_567 : memref<80x128xf32, #tpu.memory_space<vmem>>)
      %dma_wait3A_574 = arith.constant 0 : i32
      %dma_wait3A_575 = arith.constant 8 : i32
      %dma_wait3A_576 = arith.constant 0 : i32
      %dma_wait3A_577 = arith.constant 0 : i32
      %dma_wait3A_578 = tpu.memref_slice %arg9[%dma_wait3A_574, %dma_wait3A_576, %dma_wait3A_577] : memref<4x80x128xf32, #tpu.memory_space<vmem>> -> memref<1x80x128xf32, #tpu.memory_space<vmem>>
      %dma_wait3A_579 = tpu.memref_squeeze %dma_wait3A_578 : memref<1x80x128xf32, #tpu.memory_space<vmem>> -> memref<80x128xf32, #tpu.memory_space<vmem>>
      %dma_wait3A_580 = arith.constant 0 : i32
      %dma_wait3A_581 = tpu.memref_slice %arg8[%select_n3A_75, %dma_wait3A_575, %dma_wait3A_580] : memref<2x16x80xi32, #tpu.memory_space<vmem>> -> memref<1x1x80xi32, #tpu.memory_space<vmem>>
      %dma_wait3A_582 = tpu.memref_squeeze %dma_wait3A_581 : memref<1x1x80xi32, #tpu.memory_space<vmem>> -> memref<80xi32, #tpu.memory_space<vmem>>
      %dma_wait3A_583 = arith.constant 0 : i32
      %dma_wait3A_584 = arith.constant 0 : i32
      %dma_wait3A_585 = tpu.memref_slice %arg10[%dma_wait3A_583, %dma_wait3A_584] : memref<10000x128xf32, #tpu.memory_space<vmem_shared>> -> memref<10000x128xf32, #tpu.memory_space<vmem_shared>>
      tpu.wait_indirect_dma semaphore(%arg13 : memref<!tpu.dma_semaphore, #tpu.memory_space<semaphore_mem>>) src(%dma_wait3A_579 : memref<80x128xf32, #tpu.memory_space<vmem>>) dst(%dma_wait3A_585 : memref<10000x128xf32, #tpu.memory_space<vmem_shared>>)
      %dma_start3A_586 = arith.constant 2 : i32
      %dma_start3A_587 = arith.constant 10 : i32
      %dma_start3A_588 = arith.constant 0 : i32
      %dma_start3A_589 = arith.constant 0 : i32
      %dma_start3A_590 = tpu.memref_slice %arg9[%dma_start3A_586, %dma_start3A_588, %dma_start3A_589] : memref<4x80x128xf32, #tpu.memory_space<vmem>> -> memref<1x80x128xf32, #tpu.memory_space<vmem>>
      %dma_start3A_591 = tpu.memref_squeeze %dma_start3A_590 : memref<1x80x128xf32, #tpu.memory_space<vmem>> -> memref<80x128xf32, #tpu.memory_space<vmem>>
      %dma_start3A_592 = arith.constant 0 : i32
      %dma_start3A_593 = tpu.memref_slice %arg8[%select_n3A_75, %dma_start3A_587, %dma_start3A_592] : memref<2x16x80xi32, #tpu.memory_space<vmem>> -> memref<1x1x80xi32, #tpu.memory_space<vmem>>
      %dma_start3A_594 = tpu.memref_squeeze %dma_start3A_593 : memref<1x1x80xi32, #tpu.memory_space<vmem>> -> memref<80xi32, #tpu.memory_space<vmem>>
      %dma_start3A_595 = arith.constant 0 : i32
      %dma_start3A_596 = arith.constant 0 : i32
      %dma_start3A_597 = tpu.memref_slice %arg10[%dma_start3A_595, %dma_start3A_596] : memref<10000x128xf32, #tpu.memory_space<vmem_shared>> -> memref<10000x128xf32, #tpu.memory_space<vmem_shared>>
      tpu.enqueue_indirect_dma source(%dma_start3A_591 : memref<80x128xf32, #tpu.memory_space<vmem>>) target(%dma_start3A_597 : memref<10000x128xf32, #tpu.memory_space<vmem_shared>>) offsets(%dma_start3A_594 : memref<80xi32, #tpu.memory_space<vmem>>) semaphore(%arg13 : memref<!tpu.dma_semaphore, #tpu.memory_space<semaphore_mem>>) {add = true}
      %dma_start3A_598 = arith.constant 12 : i32
      %dma_start3A_599 = arith.constant 0 : i32
      %dma_start3A_600 = arith.constant 0 : i32
      %dma_start3A_601 = arith.constant 0 : i32
      %dma_start3A_602 = tpu.memref_slice %arg9[%dma_start3A_599, %dma_start3A_600, %dma_start3A_601] : memref<4x80x128xf32, #tpu.memory_space<vmem>> -> memref<1x80x128xf32, #tpu.memory_space<vmem>>
      %dma_start3A_603 = tpu.memref_squeeze %dma_start3A_602 : memref<1x80x128xf32, #tpu.memory_space<vmem>> -> memref<80x128xf32, #tpu.memory_space<vmem>>
      %dma_start3A_604 = arith.constant 0 : i32
      %dma_start3A_605 = tpu.memref_slice %arg7[%select_n3A_75, %dma_start3A_598, %dma_start3A_604] : memref<2x16x80xi32, #tpu.memory_space<vmem>> -> memref<1x1x80xi32, #tpu.memory_space<vmem>>
      %dma_start3A_606 = tpu.memref_squeeze %dma_start3A_605 : memref<1x1x80xi32, #tpu.memory_space<vmem>> -> memref<80xi32, #tpu.memory_space<vmem>>
      %dma_start3A_607 = arith.constant 0 : i32
      %dma_start3A_608 = arith.constant 0 : i32
      %dma_start3A_609 = tpu.memref_slice %arg2[%dma_start3A_607, %dma_start3A_608] : memref<10240x128xf32, #tpu.memory_space<hbm>> -> memref<10240x128xf32, #tpu.memory_space<hbm>>
      tpu.enqueue_indirect_dma source(%dma_start3A_609 : memref<10240x128xf32, #tpu.memory_space<hbm>>) target(%dma_start3A_603 : memref<80x128xf32, #tpu.memory_space<vmem>>) offsets(%dma_start3A_606 : memref<80xi32, #tpu.memory_space<vmem>>) semaphore(%arg11 : memref<!tpu.dma_semaphore, #tpu.memory_space<semaphore_mem>>)
      %dma_wait3A_610 = arith.constant 11 : i32
      %dma_wait3A_611 = arith.constant 3 : i32
      %dma_wait3A_612 = arith.constant 0 : i32
      %dma_wait3A_613 = arith.constant 0 : i32
      %dma_wait3A_614 = tpu.memref_slice %arg9[%dma_wait3A_611, %dma_wait3A_612, %dma_wait3A_613] : memref<4x80x128xf32, #tpu.memory_space<vmem>> -> memref<1x80x128xf32, #tpu.memory_space<vmem>>
      %dma_wait3A_615 = tpu.memref_squeeze %dma_wait3A_614 : memref<1x80x128xf32, #tpu.memory_space<vmem>> -> memref<80x128xf32, #tpu.memory_space<vmem>>
      %dma_wait3A_616 = arith.constant 0 : i32
      %dma_wait3A_617 = tpu.memref_slice %arg7[%select_n3A_75, %dma_wait3A_610, %dma_wait3A_616] : memref<2x16x80xi32, #tpu.memory_space<vmem>> -> memref<1x1x80xi32, #tpu.memory_space<vmem>>
      %dma_wait3A_618 = tpu.memref_squeeze %dma_wait3A_617 : memref<1x1x80xi32, #tpu.memory_space<vmem>> -> memref<80xi32, #tpu.memory_space<vmem>>
      %dma_wait3A_619 = arith.constant 0 : i32
      %dma_wait3A_620 = arith.constant 0 : i32
      %dma_wait3A_621 = tpu.memref_slice %arg2[%dma_wait3A_619, %dma_wait3A_620] : memref<10240x128xf32, #tpu.memory_space<hbm>> -> memref<10240x128xf32, #tpu.memory_space<hbm>>
      tpu.wait_indirect_dma semaphore(%arg12 : memref<!tpu.dma_semaphore, #tpu.memory_space<semaphore_mem>>) src(%dma_wait3A_621 : memref<10240x128xf32, #tpu.memory_space<hbm>>) dst(%dma_wait3A_615 : memref<80x128xf32, #tpu.memory_space<vmem>>)
      %dma_wait3A_622 = arith.constant 1 : i32
      %dma_wait3A_623 = arith.constant 9 : i32
      %dma_wait3A_624 = arith.constant 0 : i32
      %dma_wait3A_625 = arith.constant 0 : i32
      %dma_wait3A_626 = tpu.memref_slice %arg9[%dma_wait3A_622, %dma_wait3A_624, %dma_wait3A_625] : memref<4x80x128xf32, #tpu.memory_space<vmem>> -> memref<1x80x128xf32, #tpu.memory_space<vmem>>
      %dma_wait3A_627 = tpu.memref_squeeze %dma_wait3A_626 : memref<1x80x128xf32, #tpu.memory_space<vmem>> -> memref<80x128xf32, #tpu.memory_space<vmem>>
      %dma_wait3A_628 = arith.constant 0 : i32
      %dma_wait3A_629 = tpu.memref_slice %arg8[%select_n3A_75, %dma_wait3A_623, %dma_wait3A_628] : memref<2x16x80xi32, #tpu.memory_space<vmem>> -> memref<1x1x80xi32, #tpu.memory_space<vmem>>
      %dma_wait3A_630 = tpu.memref_squeeze %dma_wait3A_629 : memref<1x1x80xi32, #tpu.memory_space<vmem>> -> memref<80xi32, #tpu.memory_space<vmem>>
      %dma_wait3A_631 = arith.constant 0 : i32
      %dma_wait3A_632 = arith.constant 0 : i32
      %dma_wait3A_633 = tpu.memref_slice %arg10[%dma_wait3A_631, %dma_wait3A_632] : memref<10000x128xf32, #tpu.memory_space<vmem_shared>> -> memref<10000x128xf32, #tpu.memory_space<vmem_shared>>
      tpu.wait_indirect_dma semaphore(%arg14 : memref<!tpu.dma_semaphore, #tpu.memory_space<semaphore_mem>>) src(%dma_wait3A_627 : memref<80x128xf32, #tpu.memory_space<vmem>>) dst(%dma_wait3A_633 : memref<10000x128xf32, #tpu.memory_space<vmem_shared>>)
      %dma_start3A_634 = arith.constant 3 : i32
      %dma_start3A_635 = arith.constant 11 : i32
      %dma_start3A_636 = arith.constant 0 : i32
      %dma_start3A_637 = arith.constant 0 : i32
      %dma_start3A_638 = tpu.memref_slice %arg9[%dma_start3A_634, %dma_start3A_636, %dma_start3A_637] : memref<4x80x128xf32, #tpu.memory_space<vmem>> -> memref<1x80x128xf32, #tpu.memory_space<vmem>>
      %dma_start3A_639 = tpu.memref_squeeze %dma_start3A_638 : memref<1x80x128xf32, #tpu.memory_space<vmem>> -> memref<80x128xf32, #tpu.memory_space<vmem>>
      %dma_start3A_640 = arith.constant 0 : i32
      %dma_start3A_641 = tpu.memref_slice %arg8[%select_n3A_75, %dma_start3A_635, %dma_start3A_640] : memref<2x16x80xi32, #tpu.memory_space<vmem>> -> memref<1x1x80xi32, #tpu.memory_space<vmem>>
      %dma_start3A_642 = tpu.memref_squeeze %dma_start3A_641 : memref<1x1x80xi32, #tpu.memory_space<vmem>> -> memref<80xi32, #tpu.memory_space<vmem>>
      %dma_start3A_643 = arith.constant 0 : i32
      %dma_start3A_644 = arith.constant 0 : i32
      %dma_start3A_645 = tpu.memref_slice %arg10[%dma_start3A_643, %dma_start3A_644] : memref<10000x128xf32, #tpu.memory_space<vmem_shared>> -> memref<10000x128xf32, #tpu.memory_space<vmem_shared>>
      tpu.enqueue_indirect_dma source(%dma_start3A_639 : memref<80x128xf32, #tpu.memory_space<vmem>>) target(%dma_start3A_645 : memref<10000x128xf32, #tpu.memory_space<vmem_shared>>) offsets(%dma_start3A_642 : memref<80xi32, #tpu.memory_space<vmem>>) semaphore(%arg14 : memref<!tpu.dma_semaphore, #tpu.memory_space<semaphore_mem>>) {add = true}
      %dma_start3A_646 = arith.constant 13 : i32
      %dma_start3A_647 = arith.constant 1 : i32
      %dma_start3A_648 = arith.constant 0 : i32
      %dma_start3A_649 = arith.constant 0 : i32
      %dma_start3A_650 = tpu.memref_slice %arg9[%dma_start3A_647, %dma_start3A_648, %dma_start3A_649] : memref<4x80x128xf32, #tpu.memory_space<vmem>> -> memref<1x80x128xf32, #tpu.memory_space<vmem>>
      %dma_start3A_651 = tpu.memref_squeeze %dma_start3A_650 : memref<1x80x128xf32, #tpu.memory_space<vmem>> -> memref<80x128xf32, #tpu.memory_space<vmem>>
      %dma_start3A_652 = arith.constant 0 : i32
      %dma_start3A_653 = tpu.memref_slice %arg7[%select_n3A_75, %dma_start3A_646, %dma_start3A_652] : memref<2x16x80xi32, #tpu.memory_space<vmem>> -> memref<1x1x80xi32, #tpu.memory_space<vmem>>
      %dma_start3A_654 = tpu.memref_squeeze %dma_start3A_653 : memref<1x1x80xi32, #tpu.memory_space<vmem>> -> memref<80xi32, #tpu.memory_space<vmem>>
      %dma_start3A_655 = arith.constant 0 : i32
      %dma_start3A_656 = arith.constant 0 : i32
      %dma_start3A_657 = tpu.memref_slice %arg2[%dma_start3A_655, %dma_start3A_656] : memref<10240x128xf32, #tpu.memory_space<hbm>> -> memref<10240x128xf32, #tpu.memory_space<hbm>>
      tpu.enqueue_indirect_dma source(%dma_start3A_657 : memref<10240x128xf32, #tpu.memory_space<hbm>>) target(%dma_start3A_651 : memref<80x128xf32, #tpu.memory_space<vmem>>) offsets(%dma_start3A_654 : memref<80xi32, #tpu.memory_space<vmem>>) semaphore(%arg12 : memref<!tpu.dma_semaphore, #tpu.memory_space<semaphore_mem>>)
      %dma_wait3A_658 = arith.constant 12 : i32
      %dma_wait3A_659 = arith.constant 0 : i32
      %dma_wait3A_660 = arith.constant 0 : i32
      %dma_wait3A_661 = arith.constant 0 : i32
      %dma_wait3A_662 = tpu.memref_slice %arg9[%dma_wait3A_659, %dma_wait3A_660, %dma_wait3A_661] : memref<4x80x128xf32, #tpu.memory_space<vmem>> -> memref<1x80x128xf32, #tpu.memory_space<vmem>>
      %dma_wait3A_663 = tpu.memref_squeeze %dma_wait3A_662 : memref<1x80x128xf32, #tpu.memory_space<vmem>> -> memref<80x128xf32, #tpu.memory_space<vmem>>
      %dma_wait3A_664 = arith.constant 0 : i32
      %dma_wait3A_665 = tpu.memref_slice %arg7[%select_n3A_75, %dma_wait3A_658, %dma_wait3A_664] : memref<2x16x80xi32, #tpu.memory_space<vmem>> -> memref<1x1x80xi32, #tpu.memory_space<vmem>>
      %dma_wait3A_666 = tpu.memref_squeeze %dma_wait3A_665 : memref<1x1x80xi32, #tpu.memory_space<vmem>> -> memref<80xi32, #tpu.memory_space<vmem>>
      %dma_wait3A_667 = arith.constant 0 : i32
      %dma_wait3A_668 = arith.constant 0 : i32
      %dma_wait3A_669 = tpu.memref_slice %arg2[%dma_wait3A_667, %dma_wait3A_668] : memref<10240x128xf32, #tpu.memory_space<hbm>> -> memref<10240x128xf32, #tpu.memory_space<hbm>>
      tpu.wait_indirect_dma semaphore(%arg11 : memref<!tpu.dma_semaphore, #tpu.memory_space<semaphore_mem>>) src(%dma_wait3A_669 : memref<10240x128xf32, #tpu.memory_space<hbm>>) dst(%dma_wait3A_663 : memref<80x128xf32, #tpu.memory_space<vmem>>)
      %dma_wait3A_670 = arith.constant 2 : i32
      %dma_wait3A_671 = arith.constant 10 : i32
      %dma_wait3A_672 = arith.constant 0 : i32
      %dma_wait3A_673 = arith.constant 0 : i32
      %dma_wait3A_674 = tpu.memref_slice %arg9[%dma_wait3A_670, %dma_wait3A_672, %dma_wait3A_673] : memref<4x80x128xf32, #tpu.memory_space<vmem>> -> memref<1x80x128xf32, #tpu.memory_space<vmem>>
      %dma_wait3A_675 = tpu.memref_squeeze %dma_wait3A_674 : memref<1x80x128xf32, #tpu.memory_space<vmem>> -> memref<80x128xf32, #tpu.memory_space<vmem>>
      %dma_wait3A_676 = arith.constant 0 : i32
      %dma_wait3A_677 = tpu.memref_slice %arg8[%select_n3A_75, %dma_wait3A_671, %dma_wait3A_676] : memref<2x16x80xi32, #tpu.memory_space<vmem>> -> memref<1x1x80xi32, #tpu.memory_space<vmem>>
      %dma_wait3A_678 = tpu.memref_squeeze %dma_wait3A_677 : memref<1x1x80xi32, #tpu.memory_space<vmem>> -> memref<80xi32, #tpu.memory_space<vmem>>
      %dma_wait3A_679 = arith.constant 0 : i32
      %dma_wait3A_680 = arith.constant 0 : i32
      %dma_wait3A_681 = tpu.memref_slice %arg10[%dma_wait3A_679, %dma_wait3A_680] : memref<10000x128xf32, #tpu.memory_space<vmem_shared>> -> memref<10000x128xf32, #tpu.memory_space<vmem_shared>>
      tpu.wait_indirect_dma semaphore(%arg13 : memref<!tpu.dma_semaphore, #tpu.memory_space<semaphore_mem>>) src(%dma_wait3A_675 : memref<80x128xf32, #tpu.memory_space<vmem>>) dst(%dma_wait3A_681 : memref<10000x128xf32, #tpu.memory_space<vmem_shared>>)
      %dma_start3A_682 = arith.constant 0 : i32
      %dma_start3A_683 = arith.constant 12 : i32
      %dma_start3A_684 = arith.constant 0 : i32
      %dma_start3A_685 = arith.constant 0 : i32
      %dma_start3A_686 = tpu.memref_slice %arg9[%dma_start3A_682, %dma_start3A_684, %dma_start3A_685] : memref<4x80x128xf32, #tpu.memory_space<vmem>> -> memref<1x80x128xf32, #tpu.memory_space<vmem>>
      %dma_start3A_687 = tpu.memref_squeeze %dma_start3A_686 : memref<1x80x128xf32, #tpu.memory_space<vmem>> -> memref<80x128xf32, #tpu.memory_space<vmem>>
      %dma_start3A_688 = arith.constant 0 : i32
      %dma_start3A_689 = tpu.memref_slice %arg8[%select_n3A_75, %dma_start3A_683, %dma_start3A_688] : memref<2x16x80xi32, #tpu.memory_space<vmem>> -> memref<1x1x80xi32, #tpu.memory_space<vmem>>
      %dma_start3A_690 = tpu.memref_squeeze %dma_start3A_689 : memref<1x1x80xi32, #tpu.memory_space<vmem>> -> memref<80xi32, #tpu.memory_space<vmem>>
      %dma_start3A_691 = arith.constant 0 : i32
      %dma_start3A_692 = arith.constant 0 : i32
      %dma_start3A_693 = tpu.memref_slice %arg10[%dma_start3A_691, %dma_start3A_692] : memref<10000x128xf32, #tpu.memory_space<vmem_shared>> -> memref<10000x128xf32, #tpu.memory_space<vmem_shared>>
      tpu.enqueue_indirect_dma source(%dma_start3A_687 : memref<80x128xf32, #tpu.memory_space<vmem>>) target(%dma_start3A_693 : memref<10000x128xf32, #tpu.memory_space<vmem_shared>>) offsets(%dma_start3A_690 : memref<80xi32, #tpu.memory_space<vmem>>) semaphore(%arg13 : memref<!tpu.dma_semaphore, #tpu.memory_space<semaphore_mem>>) {add = true}
      %dma_start3A_694 = arith.constant 14 : i32
      %dma_start3A_695 = arith.constant 2 : i32
      %dma_start3A_696 = arith.constant 0 : i32
      %dma_start3A_697 = arith.constant 0 : i32
      %dma_start3A_698 = tpu.memref_slice %arg9[%dma_start3A_695, %dma_start3A_696, %dma_start3A_697] : memref<4x80x128xf32, #tpu.memory_space<vmem>> -> memref<1x80x128xf32, #tpu.memory_space<vmem>>
      %dma_start3A_699 = tpu.memref_squeeze %dma_start3A_698 : memref<1x80x128xf32, #tpu.memory_space<vmem>> -> memref<80x128xf32, #tpu.memory_space<vmem>>
      %dma_start3A_700 = arith.constant 0 : i32
      %dma_start3A_701 = tpu.memref_slice %arg7[%select_n3A_75, %dma_start3A_694, %dma_start3A_700] : memref<2x16x80xi32, #tpu.memory_space<vmem>> -> memref<1x1x80xi32, #tpu.memory_space<vmem>>
      %dma_start3A_702 = tpu.memref_squeeze %dma_start3A_701 : memref<1x1x80xi32, #tpu.memory_space<vmem>> -> memref<80xi32, #tpu.memory_space<vmem>>
      %dma_start3A_703 = arith.constant 0 : i32
      %dma_start3A_704 = arith.constant 0 : i32
      %dma_start3A_705 = tpu.memref_slice %arg2[%dma_start3A_703, %dma_start3A_704] : memref<10240x128xf32, #tpu.memory_space<hbm>> -> memref<10240x128xf32, #tpu.memory_space<hbm>>
      tpu.enqueue_indirect_dma source(%dma_start3A_705 : memref<10240x128xf32, #tpu.memory_space<hbm>>) target(%dma_start3A_699 : memref<80x128xf32, #tpu.memory_space<vmem>>) offsets(%dma_start3A_702 : memref<80xi32, #tpu.memory_space<vmem>>) semaphore(%arg11 : memref<!tpu.dma_semaphore, #tpu.memory_space<semaphore_mem>>)
      %dma_wait3A_706 = arith.constant 13 : i32
      %dma_wait3A_707 = arith.constant 1 : i32
      %dma_wait3A_708 = arith.constant 0 : i32
      %dma_wait3A_709 = arith.constant 0 : i32
      %dma_wait3A_710 = tpu.memref_slice %arg9[%dma_wait3A_707, %dma_wait3A_708, %dma_wait3A_709] : memref<4x80x128xf32, #tpu.memory_space<vmem>> -> memref<1x80x128xf32, #tpu.memory_space<vmem>>
      %dma_wait3A_711 = tpu.memref_squeeze %dma_wait3A_710 : memref<1x80x128xf32, #tpu.memory_space<vmem>> -> memref<80x128xf32, #tpu.memory_space<vmem>>
      %dma_wait3A_712 = arith.constant 0 : i32
      %dma_wait3A_713 = tpu.memref_slice %arg7[%select_n3A_75, %dma_wait3A_706, %dma_wait3A_712] : memref<2x16x80xi32, #tpu.memory_space<vmem>> -> memref<1x1x80xi32, #tpu.memory_space<vmem>>
      %dma_wait3A_714 = tpu.memref_squeeze %dma_wait3A_713 : memref<1x1x80xi32, #tpu.memory_space<vmem>> -> memref<80xi32, #tpu.memory_space<vmem>>
      %dma_wait3A_715 = arith.constant 0 : i32
      %dma_wait3A_716 = arith.constant 0 : i32
      %dma_wait3A_717 = tpu.memref_slice %arg2[%dma_wait3A_715, %dma_wait3A_716] : memref<10240x128xf32, #tpu.memory_space<hbm>> -> memref<10240x128xf32, #tpu.memory_space<hbm>>
      tpu.wait_indirect_dma semaphore(%arg12 : memref<!tpu.dma_semaphore, #tpu.memory_space<semaphore_mem>>) src(%dma_wait3A_717 : memref<10240x128xf32, #tpu.memory_space<hbm>>) dst(%dma_wait3A_711 : memref<80x128xf32, #tpu.memory_space<vmem>>)
      %dma_wait3A_718 = arith.constant 3 : i32
      %dma_wait3A_719 = arith.constant 11 : i32
      %dma_wait3A_720 = arith.constant 0 : i32
      %dma_wait3A_721 = arith.constant 0 : i32
      %dma_wait3A_722 = tpu.memref_slice %arg9[%dma_wait3A_718, %dma_wait3A_720, %dma_wait3A_721] : memref<4x80x128xf32, #tpu.memory_space<vmem>> -> memref<1x80x128xf32, #tpu.memory_space<vmem>>
      %dma_wait3A_723 = tpu.memref_squeeze %dma_wait3A_722 : memref<1x80x128xf32, #tpu.memory_space<vmem>> -> memref<80x128xf32, #tpu.memory_space<vmem>>
      %dma_wait3A_724 = arith.constant 0 : i32
      %dma_wait3A_725 = tpu.memref_slice %arg8[%select_n3A_75, %dma_wait3A_719, %dma_wait3A_724] : memref<2x16x80xi32, #tpu.memory_space<vmem>> -> memref<1x1x80xi32, #tpu.memory_space<vmem>>
      %dma_wait3A_726 = tpu.memref_squeeze %dma_wait3A_725 : memref<1x1x80xi32, #tpu.memory_space<vmem>> -> memref<80xi32, #tpu.memory_space<vmem>>
      %dma_wait3A_727 = arith.constant 0 : i32
      %dma_wait3A_728 = arith.constant 0 : i32
      %dma_wait3A_729 = tpu.memref_slice %arg10[%dma_wait3A_727, %dma_wait3A_728] : memref<10000x128xf32, #tpu.memory_space<vmem_shared>> -> memref<10000x128xf32, #tpu.memory_space<vmem_shared>>
      tpu.wait_indirect_dma semaphore(%arg14 : memref<!tpu.dma_semaphore, #tpu.memory_space<semaphore_mem>>) src(%dma_wait3A_723 : memref<80x128xf32, #tpu.memory_space<vmem>>) dst(%dma_wait3A_729 : memref<10000x128xf32, #tpu.memory_space<vmem_shared>>)
      %dma_start3A_730 = arith.constant 1 : i32
      %dma_start3A_731 = arith.constant 13 : i32
      %dma_start3A_732 = arith.constant 0 : i32
      %dma_start3A_733 = arith.constant 0 : i32
      %dma_start3A_734 = tpu.memref_slice %arg9[%dma_start3A_730, %dma_start3A_732, %dma_start3A_733] : memref<4x80x128xf32, #tpu.memory_space<vmem>> -> memref<1x80x128xf32, #tpu.memory_space<vmem>>
      %dma_start3A_735 = tpu.memref_squeeze %dma_start3A_734 : memref<1x80x128xf32, #tpu.memory_space<vmem>> -> memref<80x128xf32, #tpu.memory_space<vmem>>
      %dma_start3A_736 = arith.constant 0 : i32
      %dma_start3A_737 = tpu.memref_slice %arg8[%select_n3A_75, %dma_start3A_731, %dma_start3A_736] : memref<2x16x80xi32, #tpu.memory_space<vmem>> -> memref<1x1x80xi32, #tpu.memory_space<vmem>>
      %dma_start3A_738 = tpu.memref_squeeze %dma_start3A_737 : memref<1x1x80xi32, #tpu.memory_space<vmem>> -> memref<80xi32, #tpu.memory_space<vmem>>
      %dma_start3A_739 = arith.constant 0 : i32
      %dma_start3A_740 = arith.constant 0 : i32
      %dma_start3A_741 = tpu.memref_slice %arg10[%dma_start3A_739, %dma_start3A_740] : memref<10000x128xf32, #tpu.memory_space<vmem_shared>> -> memref<10000x128xf32, #tpu.memory_space<vmem_shared>>
      tpu.enqueue_indirect_dma source(%dma_start3A_735 : memref<80x128xf32, #tpu.memory_space<vmem>>) target(%dma_start3A_741 : memref<10000x128xf32, #tpu.memory_space<vmem_shared>>) offsets(%dma_start3A_738 : memref<80xi32, #tpu.memory_space<vmem>>) semaphore(%arg14 : memref<!tpu.dma_semaphore, #tpu.memory_space<semaphore_mem>>) {add = true}
      %dma_start3A_742 = arith.constant 15 : i32
      %dma_start3A_743 = arith.constant 3 : i32
      %dma_start3A_744 = arith.constant 0 : i32
      %dma_start3A_745 = arith.constant 0 : i32
      %dma_start3A_746 = tpu.memref_slice %arg9[%dma_start3A_743, %dma_start3A_744, %dma_start3A_745] : memref<4x80x128xf32, #tpu.memory_space<vmem>> -> memref<1x80x128xf32, #tpu.memory_space<vmem>>
      %dma_start3A_747 = tpu.memref_squeeze %dma_start3A_746 : memref<1x80x128xf32, #tpu.memory_space<vmem>> -> memref<80x128xf32, #tpu.memory_space<vmem>>
      %dma_start3A_748 = arith.constant 0 : i32
      %dma_start3A_749 = tpu.memref_slice %arg7[%select_n3A_75, %dma_start3A_742, %dma_start3A_748] : memref<2x16x80xi32, #tpu.memory_space<vmem>> -> memref<1x1x80xi32, #tpu.memory_space<vmem>>
      %dma_start3A_750 = tpu.memref_squeeze %dma_start3A_749 : memref<1x1x80xi32, #tpu.memory_space<vmem>> -> memref<80xi32, #tpu.memory_space<vmem>>
      %dma_start3A_751 = arith.constant 0 : i32
      %dma_start3A_752 = arith.constant 0 : i32
      %dma_start3A_753 = tpu.memref_slice %arg2[%dma_start3A_751, %dma_start3A_752] : memref<10240x128xf32, #tpu.memory_space<hbm>> -> memref<10240x128xf32, #tpu.memory_space<hbm>>
      tpu.enqueue_indirect_dma source(%dma_start3A_753 : memref<10240x128xf32, #tpu.memory_space<hbm>>) target(%dma_start3A_747 : memref<80x128xf32, #tpu.memory_space<vmem>>) offsets(%dma_start3A_750 : memref<80xi32, #tpu.memory_space<vmem>>) semaphore(%arg12 : memref<!tpu.dma_semaphore, #tpu.memory_space<semaphore_mem>>)
      %dma_wait3A_754 = arith.constant 14 : i32
      %dma_wait3A_755 = arith.constant 2 : i32
      %dma_wait3A_756 = arith.constant 0 : i32
      %dma_wait3A_757 = arith.constant 0 : i32
      %dma_wait3A_758 = tpu.memref_slice %arg9[%dma_wait3A_755, %dma_wait3A_756, %dma_wait3A_757] : memref<4x80x128xf32, #tpu.memory_space<vmem>> -> memref<1x80x128xf32, #tpu.memory_space<vmem>>
      %dma_wait3A_759 = tpu.memref_squeeze %dma_wait3A_758 : memref<1x80x128xf32, #tpu.memory_space<vmem>> -> memref<80x128xf32, #tpu.memory_space<vmem>>
      %dma_wait3A_760 = arith.constant 0 : i32
      %dma_wait3A_761 = tpu.memref_slice %arg7[%select_n3A_75, %dma_wait3A_754, %dma_wait3A_760] : memref<2x16x80xi32, #tpu.memory_space<vmem>> -> memref<1x1x80xi32, #tpu.memory_space<vmem>>
      %dma_wait3A_762 = tpu.memref_squeeze %dma_wait3A_761 : memref<1x1x80xi32, #tpu.memory_space<vmem>> -> memref<80xi32, #tpu.memory_space<vmem>>
      %dma_wait3A_763 = arith.constant 0 : i32
      %dma_wait3A_764 = arith.constant 0 : i32
      %dma_wait3A_765 = tpu.memref_slice %arg2[%dma_wait3A_763, %dma_wait3A_764] : memref<10240x128xf32, #tpu.memory_space<hbm>> -> memref<10240x128xf32, #tpu.memory_space<hbm>>
      tpu.wait_indirect_dma semaphore(%arg11 : memref<!tpu.dma_semaphore, #tpu.memory_space<semaphore_mem>>) src(%dma_wait3A_765 : memref<10240x128xf32, #tpu.memory_space<hbm>>) dst(%dma_wait3A_759 : memref<80x128xf32, #tpu.memory_space<vmem>>)
      %dma_wait3A_766 = arith.constant 0 : i32
      %dma_wait3A_767 = arith.constant 12 : i32
      %dma_wait3A_768 = arith.constant 0 : i32
      %dma_wait3A_769 = arith.constant 0 : i32
      %dma_wait3A_770 = tpu.memref_slice %arg9[%dma_wait3A_766, %dma_wait3A_768, %dma_wait3A_769] : memref<4x80x128xf32, #tpu.memory_space<vmem>> -> memref<1x80x128xf32, #tpu.memory_space<vmem>>
      %dma_wait3A_771 = tpu.memref_squeeze %dma_wait3A_770 : memref<1x80x128xf32, #tpu.memory_space<vmem>> -> memref<80x128xf32, #tpu.memory_space<vmem>>
      %dma_wait3A_772 = arith.constant 0 : i32
      %dma_wait3A_773 = tpu.memref_slice %arg8[%select_n3A_75, %dma_wait3A_767, %dma_wait3A_772] : memref<2x16x80xi32, #tpu.memory_space<vmem>> -> memref<1x1x80xi32, #tpu.memory_space<vmem>>
      %dma_wait3A_774 = tpu.memref_squeeze %dma_wait3A_773 : memref<1x1x80xi32, #tpu.memory_space<vmem>> -> memref<80xi32, #tpu.memory_space<vmem>>
      %dma_wait3A_775 = arith.constant 0 : i32
      %dma_wait3A_776 = arith.constant 0 : i32
      %dma_wait3A_777 = tpu.memref_slice %arg10[%dma_wait3A_775, %dma_wait3A_776] : memref<10000x128xf32, #tpu.memory_space<vmem_shared>> -> memref<10000x128xf32, #tpu.memory_space<vmem_shared>>
      tpu.wait_indirect_dma semaphore(%arg13 : memref<!tpu.dma_semaphore, #tpu.memory_space<semaphore_mem>>) src(%dma_wait3A_771 : memref<80x128xf32, #tpu.memory_space<vmem>>) dst(%dma_wait3A_777 : memref<10000x128xf32, #tpu.memory_space<vmem_shared>>)
      %dma_start3A_778 = arith.constant 2 : i32
      %dma_start3A_779 = arith.constant 14 : i32
      %dma_start3A_780 = arith.constant 0 : i32
      %dma_start3A_781 = arith.constant 0 : i32
      %dma_start3A_782 = tpu.memref_slice %arg9[%dma_start3A_778, %dma_start3A_780, %dma_start3A_781] : memref<4x80x128xf32, #tpu.memory_space<vmem>> -> memref<1x80x128xf32, #tpu.memory_space<vmem>>
      %dma_start3A_783 = tpu.memref_squeeze %dma_start3A_782 : memref<1x80x128xf32, #tpu.memory_space<vmem>> -> memref<80x128xf32, #tpu.memory_space<vmem>>
      %dma_start3A_784 = arith.constant 0 : i32
      %dma_start3A_785 = tpu.memref_slice %arg8[%select_n3A_75, %dma_start3A_779, %dma_start3A_784] : memref<2x16x80xi32, #tpu.memory_space<vmem>> -> memref<1x1x80xi32, #tpu.memory_space<vmem>>
      %dma_start3A_786 = tpu.memref_squeeze %dma_start3A_785 : memref<1x1x80xi32, #tpu.memory_space<vmem>> -> memref<80xi32, #tpu.memory_space<vmem>>
      %dma_start3A_787 = arith.constant 0 : i32
      %dma_start3A_788 = arith.constant 0 : i32
      %dma_start3A_789 = tpu.memref_slice %arg10[%dma_start3A_787, %dma_start3A_788] : memref<10000x128xf32, #tpu.memory_space<vmem_shared>> -> memref<10000x128xf32, #tpu.memory_space<vmem_shared>>
      tpu.enqueue_indirect_dma source(%dma_start3A_783 : memref<80x128xf32, #tpu.memory_space<vmem>>) target(%dma_start3A_789 : memref<10000x128xf32, #tpu.memory_space<vmem_shared>>) offsets(%dma_start3A_786 : memref<80xi32, #tpu.memory_space<vmem>>) semaphore(%arg13 : memref<!tpu.dma_semaphore, #tpu.memory_space<semaphore_mem>>) {add = true}
      %lt3A_790 = arith.constant 7 : i32
      %lt3A_791 = arith.cmpi slt, %scan3A_66, %lt3A_790 : i32
      %convert_element_type3A_792 = arith.extui %lt3A_791 : i1 to i32
      %cond3A_793 = arith.constant 0 : i32
      %cond3A_794 = arith.cmpi ne, %convert_element_type3A_792, %cond3A_793 : i32
      scf.if %cond3A_794 {
        %dma_start3A_836 = arith.constant 0 : i32
        %dma_start3A_837 = arith.constant 0 : i32
        %dma_start3A_838 = arith.constant 0 : i32
        %dma_start3A_839 = arith.constant 0 : i32
        %dma_start3A_840 = tpu.memref_slice %arg9[%dma_start3A_837, %dma_start3A_838, %dma_start3A_839] : memref<4x80x128xf32, #tpu.memory_space<vmem>> -> memref<1x80x128xf32, #tpu.memory_space<vmem>>
        %dma_start3A_841 = tpu.memref_squeeze %dma_start3A_840 : memref<1x80x128xf32, #tpu.memory_space<vmem>> -> memref<80x128xf32, #tpu.memory_space<vmem>>
        %dma_start3A_842 = arith.constant 0 : i32
        %dma_start3A_843 = tpu.memref_slice %arg7[%select_n3A_93, %dma_start3A_836, %dma_start3A_842] : memref<2x16x80xi32, #tpu.memory_space<vmem>> -> memref<1x1x80xi32, #tpu.memory_space<vmem>>
        %dma_start3A_844 = tpu.memref_squeeze %dma_start3A_843 : memref<1x1x80xi32, #tpu.memory_space<vmem>> -> memref<80xi32, #tpu.memory_space<vmem>>
        %dma_start3A_845 = arith.constant 0 : i32
        %dma_start3A_846 = arith.constant 0 : i32
        %dma_start3A_847 = tpu.memref_slice %arg2[%dma_start3A_845, %dma_start3A_846] : memref<10240x128xf32, #tpu.memory_space<hbm>> -> memref<10240x128xf32, #tpu.memory_space<hbm>>
        tpu.enqueue_indirect_dma source(%dma_start3A_847 : memref<10240x128xf32, #tpu.memory_space<hbm>>) target(%dma_start3A_841 : memref<80x128xf32, #tpu.memory_space<vmem>>) offsets(%dma_start3A_844 : memref<80xi32, #tpu.memory_space<vmem>>) semaphore(%arg11 : memref<!tpu.dma_semaphore, #tpu.memory_space<semaphore_mem>>)
      } else {
      }
      %dma_wait3A_795 = arith.constant 15 : i32
      %dma_wait3A_796 = arith.constant 3 : i32
      %dma_wait3A_797 = arith.constant 0 : i32
      %dma_wait3A_798 = arith.constant 0 : i32
      %dma_wait3A_799 = tpu.memref_slice %arg9[%dma_wait3A_796, %dma_wait3A_797, %dma_wait3A_798] : memref<4x80x128xf32, #tpu.memory_space<vmem>> -> memref<1x80x128xf32, #tpu.memory_space<vmem>>
      %dma_wait3A_800 = tpu.memref_squeeze %dma_wait3A_799 : memref<1x80x128xf32, #tpu.memory_space<vmem>> -> memref<80x128xf32, #tpu.memory_space<vmem>>
      %dma_wait3A_801 = arith.constant 0 : i32
      %dma_wait3A_802 = tpu.memref_slice %arg7[%select_n3A_75, %dma_wait3A_795, %dma_wait3A_801] : memref<2x16x80xi32, #tpu.memory_space<vmem>> -> memref<1x1x80xi32, #tpu.memory_space<vmem>>
      %dma_wait3A_803 = tpu.memref_squeeze %dma_wait3A_802 : memref<1x1x80xi32, #tpu.memory_space<vmem>> -> memref<80xi32, #tpu.memory_space<vmem>>
      %dma_wait3A_804 = arith.constant 0 : i32
      %dma_wait3A_805 = arith.constant 0 : i32
      %dma_wait3A_806 = tpu.memref_slice %arg2[%dma_wait3A_804, %dma_wait3A_805] : memref<10240x128xf32, #tpu.memory_space<hbm>> -> memref<10240x128xf32, #tpu.memory_space<hbm>>
      tpu.wait_indirect_dma semaphore(%arg12 : memref<!tpu.dma_semaphore, #tpu.memory_space<semaphore_mem>>) src(%dma_wait3A_806 : memref<10240x128xf32, #tpu.memory_space<hbm>>) dst(%dma_wait3A_800 : memref<80x128xf32, #tpu.memory_space<vmem>>)
      %dma_wait3A_807 = arith.constant 1 : i32
      %dma_wait3A_808 = arith.constant 13 : i32
      %dma_wait3A_809 = arith.constant 0 : i32
      %dma_wait3A_810 = arith.constant 0 : i32
      %dma_wait3A_811 = tpu.memref_slice %arg9[%dma_wait3A_807, %dma_wait3A_809, %dma_wait3A_810] : memref<4x80x128xf32, #tpu.memory_space<vmem>> -> memref<1x80x128xf32, #tpu.memory_space<vmem>>
      %dma_wait3A_812 = tpu.memref_squeeze %dma_wait3A_811 : memref<1x80x128xf32, #tpu.memory_space<vmem>> -> memref<80x128xf32, #tpu.memory_space<vmem>>
      %dma_wait3A_813 = arith.constant 0 : i32
      %dma_wait3A_814 = tpu.memref_slice %arg8[%select_n3A_75, %dma_wait3A_808, %dma_wait3A_813] : memref<2x16x80xi32, #tpu.memory_space<vmem>> -> memref<1x1x80xi32, #tpu.memory_space<vmem>>
      %dma_wait3A_815 = tpu.memref_squeeze %dma_wait3A_814 : memref<1x1x80xi32, #tpu.memory_space<vmem>> -> memref<80xi32, #tpu.memory_space<vmem>>
      %dma_wait3A_816 = arith.constant 0 : i32
      %dma_wait3A_817 = arith.constant 0 : i32
      %dma_wait3A_818 = tpu.memref_slice %arg10[%dma_wait3A_816, %dma_wait3A_817] : memref<10000x128xf32, #tpu.memory_space<vmem_shared>> -> memref<10000x128xf32, #tpu.memory_space<vmem_shared>>
      tpu.wait_indirect_dma semaphore(%arg14 : memref<!tpu.dma_semaphore, #tpu.memory_space<semaphore_mem>>) src(%dma_wait3A_812 : memref<80x128xf32, #tpu.memory_space<vmem>>) dst(%dma_wait3A_818 : memref<10000x128xf32, #tpu.memory_space<vmem_shared>>)
      %dma_start3A_819 = arith.constant 3 : i32
      %dma_start3A_820 = arith.constant 15 : i32
      %dma_start3A_821 = arith.constant 0 : i32
      %dma_start3A_822 = arith.constant 0 : i32
      %dma_start3A_823 = tpu.memref_slice %arg9[%dma_start3A_819, %dma_start3A_821, %dma_start3A_822] : memref<4x80x128xf32, #tpu.memory_space<vmem>> -> memref<1x80x128xf32, #tpu.memory_space<vmem>>
      %dma_start3A_824 = tpu.memref_squeeze %dma_start3A_823 : memref<1x80x128xf32, #tpu.memory_space<vmem>> -> memref<80x128xf32, #tpu.memory_space<vmem>>
      %dma_start3A_825 = arith.constant 0 : i32
      %dma_start3A_826 = tpu.memref_slice %arg8[%select_n3A_75, %dma_start3A_820, %dma_start3A_825] : memref<2x16x80xi32, #tpu.memory_space<vmem>> -> memref<1x1x80xi32, #tpu.memory_space<vmem>>
      %dma_start3A_827 = tpu.memref_squeeze %dma_start3A_826 : memref<1x1x80xi32, #tpu.memory_space<vmem>> -> memref<80xi32, #tpu.memory_space<vmem>>
      %dma_start3A_828 = arith.constant 0 : i32
      %dma_start3A_829 = arith.constant 0 : i32
      %dma_start3A_830 = tpu.memref_slice %arg10[%dma_start3A_828, %dma_start3A_829] : memref<10000x128xf32, #tpu.memory_space<vmem_shared>> -> memref<10000x128xf32, #tpu.memory_space<vmem_shared>>
      tpu.enqueue_indirect_dma source(%dma_start3A_824 : memref<80x128xf32, #tpu.memory_space<vmem>>) target(%dma_start3A_830 : memref<10000x128xf32, #tpu.memory_space<vmem_shared>>) offsets(%dma_start3A_827 : memref<80xi32, #tpu.memory_space<vmem>>) semaphore(%arg14 : memref<!tpu.dma_semaphore, #tpu.memory_space<semaphore_mem>>) {add = true}
      %lt3A_831 = arith.constant 7 : i32
      %lt3A_832 = arith.cmpi slt, %scan3A_66, %lt3A_831 : i32
      %convert_element_type3A_833 = arith.extui %lt3A_832 : i1 to i32
      %cond3A_834 = arith.constant 0 : i32
      %cond3A_835 = arith.cmpi ne, %convert_element_type3A_833, %cond3A_834 : i32
      scf.if %cond3A_835 {
        %dma_start3A_836 = arith.constant 1 : i32
        %dma_start3A_837 = arith.constant 1 : i32
        %dma_start3A_838 = arith.constant 0 : i32
        %dma_start3A_839 = arith.constant 0 : i32
        %dma_start3A_840 = tpu.memref_slice %arg9[%dma_start3A_837, %dma_start3A_838, %dma_start3A_839] : memref<4x80x128xf32, #tpu.memory_space<vmem>> -> memref<1x80x128xf32, #tpu.memory_space<vmem>>
        %dma_start3A_841 = tpu.memref_squeeze %dma_start3A_840 : memref<1x80x128xf32, #tpu.memory_space<vmem>> -> memref<80x128xf32, #tpu.memory_space<vmem>>
        %dma_start3A_842 = arith.constant 0 : i32
        %dma_start3A_843 = tpu.memref_slice %arg7[%select_n3A_93, %dma_start3A_836, %dma_start3A_842] : memref<2x16x80xi32, #tpu.memory_space<vmem>> -> memref<1x1x80xi32, #tpu.memory_space<vmem>>
        %dma_start3A_844 = tpu.memref_squeeze %dma_start3A_843 : memref<1x1x80xi32, #tpu.memory_space<vmem>> -> memref<80xi32, #tpu.memory_space<vmem>>
        %dma_start3A_845 = arith.constant 0 : i32
        %dma_start3A_846 = arith.constant 0 : i32
        %dma_start3A_847 = tpu.memref_slice %arg2[%dma_start3A_845, %dma_start3A_846] : memref<10240x128xf32, #tpu.memory_space<hbm>> -> memref<10240x128xf32, #tpu.memory_space<hbm>>
        tpu.enqueue_indirect_dma source(%dma_start3A_847 : memref<10240x128xf32, #tpu.memory_space<hbm>>) target(%dma_start3A_841 : memref<80x128xf32, #tpu.memory_space<vmem>>) offsets(%dma_start3A_844 : memref<80xi32, #tpu.memory_space<vmem>>) semaphore(%arg12 : memref<!tpu.dma_semaphore, #tpu.memory_space<semaphore_mem>>)
      } else {
      }
    }
    %scan3A_35 = arith.constant 8 : i32
    %dma_wait3A = arith.constant 2 : i32
    %dma_wait3A_36 = arith.constant 1 : i32
    %dma_wait3A_37 = arith.constant 14 : i32
    %dma_wait3A_38 = arith.constant 0 : i32
    %dma_wait3A_39 = arith.constant 0 : i32
    %dma_wait3A_40 = tpu.memref_slice %arg9[%dma_wait3A, %dma_wait3A_38, %dma_wait3A_39] : memref<4x80x128xf32, #tpu.memory_space<vmem>> -> memref<1x80x128xf32, #tpu.memory_space<vmem>>
    %dma_wait3A_41 = tpu.memref_squeeze %dma_wait3A_40 : memref<1x80x128xf32, #tpu.memory_space<vmem>> -> memref<80x128xf32, #tpu.memory_space<vmem>>
    %dma_wait3A_42 = arith.constant 0 : i32
    %dma_wait3A_43 = tpu.memref_slice %arg8[%dma_wait3A_36, %dma_wait3A_37, %dma_wait3A_42] : memref<2x16x80xi32, #tpu.memory_space<vmem>> -> memref<1x1x80xi32, #tpu.memory_space<vmem>>
    %dma_wait3A_44 = tpu.memref_squeeze %dma_wait3A_43 : memref<1x1x80xi32, #tpu.memory_space<vmem>> -> memref<80xi32, #tpu.memory_space<vmem>>
    %dma_wait3A_45 = arith.constant 0 : i32
    %dma_wait3A_46 = arith.constant 0 : i32
    %dma_wait3A_47 = tpu.memref_slice %arg10[%dma_wait3A_45, %dma_wait3A_46] : memref<10000x128xf32, #tpu.memory_space<vmem_shared>> -> memref<10000x128xf32, #tpu.memory_space<vmem_shared>>
    tpu.wait_indirect_dma semaphore(%arg13 : memref<!tpu.dma_semaphore, #tpu.memory_space<semaphore_mem>>) src(%dma_wait3A_41 : memref<80x128xf32, #tpu.memory_space<vmem>>) dst(%dma_wait3A_47 : memref<10000x128xf32, #tpu.memory_space<vmem_shared>>)
    %dma_wait3A_48 = arith.constant 3 : i32
    %dma_wait3A_49 = arith.constant 1 : i32
    %dma_wait3A_50 = arith.constant 15 : i32
    %dma_wait3A_51 = arith.constant 0 : i32
    %dma_wait3A_52 = arith.constant 0 : i32
    %dma_wait3A_53 = tpu.memref_slice %arg9[%dma_wait3A_48, %dma_wait3A_51, %dma_wait3A_52] : memref<4x80x128xf32, #tpu.memory_space<vmem>> -> memref<1x80x128xf32, #tpu.memory_space<vmem>>
    %dma_wait3A_54 = tpu.memref_squeeze %dma_wait3A_53 : memref<1x80x128xf32, #tpu.memory_space<vmem>> -> memref<80x128xf32, #tpu.memory_space<vmem>>
    %dma_wait3A_55 = arith.constant 0 : i32
    %dma_wait3A_56 = tpu.memref_slice %arg8[%dma_wait3A_49, %dma_wait3A_50, %dma_wait3A_55] : memref<2x16x80xi32, #tpu.memory_space<vmem>> -> memref<1x1x80xi32, #tpu.memory_space<vmem>>
    %dma_wait3A_57 = tpu.memref_squeeze %dma_wait3A_56 : memref<1x1x80xi32, #tpu.memory_space<vmem>> -> memref<80xi32, #tpu.memory_space<vmem>>
    %dma_wait3A_58 = arith.constant 0 : i32
    %dma_wait3A_59 = arith.constant 0 : i32
    %dma_wait3A_60 = tpu.memref_slice %arg10[%dma_wait3A_58, %dma_wait3A_59] : memref<10000x128xf32, #tpu.memory_space<vmem_shared>> -> memref<10000x128xf32, #tpu.memory_space<vmem_shared>>
    tpu.wait_indirect_dma semaphore(%arg14 : memref<!tpu.dma_semaphore, #tpu.memory_space<semaphore_mem>>) src(%dma_wait3A_54 : memref<80x128xf32, #tpu.memory_space<vmem>>) dst(%dma_wait3A_60 : memref<10000x128xf32, #tpu.memory_space<vmem_shared>>)
    %barrier3A_61 = arith.constant 0 : index
    tpu.barrier barrier_id(%barrier3A_61)
    %mul3A_62 = arith.constant 625 : i32
    %mul3A_63 = arith.muli %arg1, %mul3A_62 : i32
    %mul3A_64 = arith.constant 625 : i32
    %mul3A_65 = arith.muli %arg1, %mul3A_64 : i32
    "tpu.region"() ({
      %run_scoped3A_66 = tpu.sem_alloc : memref<!tpu.dma_semaphore, #tpu.memory_space<semaphore_mem>>
      %dma_start3A_67 = arith.constant 0 : i32
      %dma_start3A_68 = tpu.memref_slice %arg6[%arg0, %mul3A_65, %dma_start3A_67] : memref<2x10000x128xf32, #tpu.memory_space<hbm>> -> memref<1x625x128xf32, #tpu.memory_space<hbm>>
      %dma_start3A_69 = tpu.memref_squeeze %dma_start3A_68 : memref<1x625x128xf32, #tpu.memory_space<hbm>> -> memref<625x128xf32, #tpu.memory_space<hbm>>
      %dma_start3A_70 = arith.constant 0 : i32
      %dma_start3A_71 = tpu.memref_slice %arg10[%mul3A_63, %dma_start3A_70] : memref<10000x128xf32, #tpu.memory_space<vmem_shared>> -> memref<625x128xf32, #tpu.memory_space<vmem_shared>>
      tpu.enqueue_dma source(%dma_start3A_71 : memref<625x128xf32, #tpu.memory_space<vmem_shared>>) target(%dma_start3A_69 : memref<625x128xf32, #tpu.memory_space<hbm>>) target_semaphore(%run_scoped3A_66 : memref<!tpu.dma_semaphore, #tpu.memory_space<semaphore_mem>>)
      %dma_wait3A_72 = arith.constant 0 : i32
      %dma_wait3A_73 = tpu.memref_slice %arg6[%arg0, %mul3A_65, %dma_wait3A_72] : memref<2x10000x128xf32, #tpu.memory_space<hbm>> -> memref<1x625x128xf32, #tpu.memory_space<hbm>>
      %dma_wait3A_74 = tpu.memref_squeeze %dma_wait3A_73 : memref<1x625x128xf32, #tpu.memory_space<hbm>> -> memref<625x128xf32, #tpu.memory_space<hbm>>
      %dma_wait3A_75 = arith.constant 0 : i32
      %dma_wait3A_76 = tpu.memref_slice %arg10[%mul3A_63, %dma_wait3A_75] : memref<10000x128xf32, #tpu.memory_space<vmem_shared>> -> memref<625x128xf32, #tpu.memory_space<vmem_shared>>
      tpu.wait_dma2 semaphore(%run_scoped3A_66 : memref<!tpu.dma_semaphore, #tpu.memory_space<semaphore_mem>>) src(%dma_wait3A_76 : memref<625x128xf32, #tpu.memory_space<vmem_shared>>) dst(%dma_wait3A_74 : memref<625x128xf32, #tpu.memory_space<hbm>>)
      tpu.yield
    }) : () -> ()
    return
  }
}

#map = affine_map<(d0, d1) -> (0, 0)>
module attributes {stable_mosaic.version = 14 : i64} {
  func.func @_sc_degrees(%arg0: i32, %arg1: i32, %arg2: memref<2x320000xi32, #tpu.memory_space<hbm>>, %arg3: memref<32x10240xf32, #tpu.memory_space<hbm>>, %arg4: memref<32x10240xf32, #tpu.memory_space<hbm>>, %arg5: memref<10000xi32, #tpu.memory_space<vmem>>, %arg6: memref<10000xi32, #tpu.memory_space<vmem>>, %arg7: memref<10240xf32, #tpu.memory_space<vmem>>, %arg8: memref<10240xf32, #tpu.memory_space<vmem>>) attributes {dimension_semantics = [#tpu.dimension_semantics<core_parallel>, #tpu.dimension_semantics<subcore_parallel>], iteration_bounds = array<i64: 2, 16>, scalar_prefetch = 0 : i64, scratch_operands = 4 : i64, tpu.core_type = #tpu.core_type<sc_vector_subcore>, window_params = [{transform_indices = #map}, {transform_indices = #map}, {transform_indices = #map}]} {
    %mul3A = arith.constant 16 : i32
    %mul3A_0 = arith.muli %arg0, %mul3A : i32
    %add3A = arith.addi %mul3A_0, %arg1 : i32
    %mul3A_1 = arith.constant 10000 : i32
    %mul3A_2 = arith.muli %add3A, %mul3A_1 : i32
    %run_scoped3A = arith.constant 0 : i32
    "tpu.region"() ({
      %run_scoped3A_20 = tpu.sem_alloc : memref<!tpu.dma_semaphore, #tpu.memory_space<semaphore_mem>>
      %dma_start3A = tpu.memref_slice %arg2[%run_scoped3A, %mul3A_2] : memref<2x320000xi32, #tpu.memory_space<hbm>> -> memref<1x10000xi32, #tpu.memory_space<hbm>>
      %dma_start3A_21 = tpu.memref_squeeze %dma_start3A : memref<1x10000xi32, #tpu.memory_space<hbm>> -> memref<10000xi32, #tpu.memory_space<hbm>>
      %dma_start3A_22 = tpu.memref_slice %arg2[%run_scoped3A, %mul3A_2] : memref<2x320000xi32, #tpu.memory_space<hbm>> -> memref<1x10000xi32, #tpu.memory_space<hbm>>
      %dma_start3A_23 = tpu.memref_squeeze %dma_start3A_22 : memref<1x10000xi32, #tpu.memory_space<hbm>> -> memref<10000xi32, #tpu.memory_space<hbm>>
      tpu.enqueue_dma source(%dma_start3A_23 : memref<10000xi32, #tpu.memory_space<hbm>>) target(%arg5 : memref<10000xi32, #tpu.memory_space<vmem>>) target_semaphore(%run_scoped3A_20 : memref<!tpu.dma_semaphore, #tpu.memory_space<semaphore_mem>>)
      %dma_wait3A = tpu.memref_slice %arg2[%run_scoped3A, %mul3A_2] : memref<2x320000xi32, #tpu.memory_space<hbm>> -> memref<1x10000xi32, #tpu.memory_space<hbm>>
      %dma_wait3A_24 = tpu.memref_squeeze %dma_wait3A : memref<1x10000xi32, #tpu.memory_space<hbm>> -> memref<10000xi32, #tpu.memory_space<hbm>>
      %dma_wait3A_25 = tpu.memref_slice %arg2[%run_scoped3A, %mul3A_2] : memref<2x320000xi32, #tpu.memory_space<hbm>> -> memref<1x10000xi32, #tpu.memory_space<hbm>>
      %dma_wait3A_26 = tpu.memref_squeeze %dma_wait3A_25 : memref<1x10000xi32, #tpu.memory_space<hbm>> -> memref<10000xi32, #tpu.memory_space<hbm>>
      tpu.wait_dma2 semaphore(%run_scoped3A_20 : memref<!tpu.dma_semaphore, #tpu.memory_space<semaphore_mem>>) src(%dma_wait3A_26 : memref<10000xi32, #tpu.memory_space<hbm>>) dst(%arg5 : memref<10000xi32, #tpu.memory_space<vmem>>)
      tpu.yield
    }) : () -> ()
    %mul3A_3 = arith.constant 10000 : i32
    %mul3A_4 = arith.muli %add3A, %mul3A_3 : i32
    %run_scoped3A_5 = arith.constant 1 : i32
    "tpu.region"() ({
      %run_scoped3A_20 = tpu.sem_alloc : memref<!tpu.dma_semaphore, #tpu.memory_space<semaphore_mem>>
      %dma_start3A = tpu.memref_slice %arg2[%run_scoped3A_5, %mul3A_4] : memref<2x320000xi32, #tpu.memory_space<hbm>> -> memref<1x10000xi32, #tpu.memory_space<hbm>>
      %dma_start3A_21 = tpu.memref_squeeze %dma_start3A : memref<1x10000xi32, #tpu.memory_space<hbm>> -> memref<10000xi32, #tpu.memory_space<hbm>>
      %dma_start3A_22 = tpu.memref_slice %arg2[%run_scoped3A_5, %mul3A_4] : memref<2x320000xi32, #tpu.memory_space<hbm>> -> memref<1x10000xi32, #tpu.memory_space<hbm>>
      %dma_start3A_23 = tpu.memref_squeeze %dma_start3A_22 : memref<1x10000xi32, #tpu.memory_space<hbm>> -> memref<10000xi32, #tpu.memory_space<hbm>>
      tpu.enqueue_dma source(%dma_start3A_23 : memref<10000xi32, #tpu.memory_space<hbm>>) target(%arg6 : memref<10000xi32, #tpu.memory_space<vmem>>) target_semaphore(%run_scoped3A_20 : memref<!tpu.dma_semaphore, #tpu.memory_space<semaphore_mem>>)
      %dma_wait3A = tpu.memref_slice %arg2[%run_scoped3A_5, %mul3A_4] : memref<2x320000xi32, #tpu.memory_space<hbm>> -> memref<1x10000xi32, #tpu.memory_space<hbm>>
      %dma_wait3A_24 = tpu.memref_squeeze %dma_wait3A : memref<1x10000xi32, #tpu.memory_space<hbm>> -> memref<10000xi32, #tpu.memory_space<hbm>>
      %dma_wait3A_25 = tpu.memref_slice %arg2[%run_scoped3A_5, %mul3A_4] : memref<2x320000xi32, #tpu.memory_space<hbm>> -> memref<1x10000xi32, #tpu.memory_space<hbm>>
      %dma_wait3A_26 = tpu.memref_squeeze %dma_wait3A_25 : memref<1x10000xi32, #tpu.memory_space<hbm>> -> memref<10000xi32, #tpu.memory_space<hbm>>
      tpu.wait_dma2 semaphore(%run_scoped3A_20 : memref<!tpu.dma_semaphore, #tpu.memory_space<semaphore_mem>>) src(%dma_wait3A_26 : memref<10000xi32, #tpu.memory_space<hbm>>) dst(%arg6 : memref<10000xi32, #tpu.memory_space<vmem>>)
      tpu.yield
    }) : () -> ()
    %broadcast_in_dim3A = arith.constant 0.000000e+00 : f32
    %broadcast_in_dim3A_6 = vector.broadcast %broadcast_in_dim3A : f32 to vector<16xf32>
    %broadcast_in_dim3A_7 = arith.constant 1.000000e+00 : f32
    %broadcast_in_dim3A_8 = vector.broadcast %broadcast_in_dim3A_7 : f32 to vector<16xf32>
    %scan3A = arith.constant 0 : i32
    %scan3A_9 = arith.constant 0 : i32
    %scan3A_10 = arith.constant 640 : i32
    %scan3A_11 = arith.addi %scan3A_9, %scan3A_10 : i32
    %scan3A_12 = arith.constant 1 : i32
    scf.for %scan3A_20 = %scan3A_9 to %scan3A_11 step %scan3A_12  : i32 {
      %mul3A_21 = arith.constant 16 : i32
      %mul3A_22 = arith.muli %scan3A_20, %mul3A_21 : i32
      %swap3A = arith.index_cast %mul3A_22 : i32 to index
      %swap3A_23 = tpu.vector_load %arg7[%swap3A] {strides = array<i32>} : memref<10240xf32, #tpu.memory_space<vmem>>, vector<16xf32>,
      tpu.vector_store %arg7[%swap3A], %broadcast_in_dim3A_6 {strides = array<i32>} : memref<10240xf32, #tpu.memory_space<vmem>>, vector<16xf32>,
      %mul3A_24 = arith.constant 16 : i32
      %mul3A_25 = arith.muli %scan3A_20, %mul3A_24 : i32
      %swap3A_26 = arith.index_cast %mul3A_25 : i32 to index
      %swap3A_27 = tpu.vector_load %arg8[%swap3A_26] {strides = array<i32>} : memref<10240xf32, #tpu.memory_space<vmem>>, vector<16xf32>,
      tpu.vector_store %arg8[%swap3A_26], %broadcast_in_dim3A_6 {strides = array<i32>} : memref<10240xf32, #tpu.memory_space<vmem>>, vector<16xf32>,
    }
    %scan3A_13 = arith.constant 640 : i32
    %scan3A_14 = arith.constant 0 : i32
    %scan3A_15 = arith.constant 0 : i32
    %scan3A_16 = arith.constant 625 : i32
    %scan3A_17 = arith.addi %scan3A_15, %scan3A_16 : i32
    %scan3A_18 = arith.constant 1 : i32
    scf.for %scan3A_20 = %scan3A_15 to %scan3A_17 step %scan3A_18  : i32 {
      %mul3A_21 = arith.constant 16 : i32
      %mul3A_22 = arith.muli %scan3A_20, %mul3A_21 : i32
      %get3A = arith.index_cast %mul3A_22 : i32 to index
      %get3A_23 = tpu.vector_load %arg5[%get3A] {strides = array<i32>} : memref<10000xi32, #tpu.memory_space<vmem>>, vector<16xi32>,
      %mul3A_24 = arith.constant 16 : i32
      %mul3A_25 = arith.muli %scan3A_20, %mul3A_24 : i32
      %get3A_26 = arith.index_cast %mul3A_25 : i32 to index
      %get3A_27 = tpu.vector_load %arg6[%get3A_26] {strides = array<i32>} : memref<10000xi32, #tpu.memory_space<vmem>>, vector<16xi32>,
      tpu.vector_store_idx %arg7[%get3A_23], %broadcast_in_dim3A_8 {add = true} : memref<10240xf32, #tpu.memory_space<vmem>>[vector<16xi32>], vector<16xf32>,
      tpu.vector_store_idx %arg8[%get3A_27], %broadcast_in_dim3A_8 {add = true} : memref<10240xf32, #tpu.memory_space<vmem>>[vector<16xi32>], vector<16xf32>,
    }
    %scan3A_19 = arith.constant 625 : i32
    "tpu.region"() ({
      %run_scoped3A_20 = tpu.sem_alloc : memref<!tpu.dma_semaphore, #tpu.memory_space<semaphore_mem>>
      %dma_start3A = arith.constant 0 : i32
      %dma_start3A_21 = tpu.memref_slice %arg3[%add3A, %dma_start3A] : memref<32x10240xf32, #tpu.memory_space<hbm>> -> memref<1x10240xf32, #tpu.memory_space<hbm>>
      %dma_start3A_22 = tpu.memref_squeeze %dma_start3A_21 : memref<1x10240xf32, #tpu.memory_space<hbm>> -> memref<10240xf32, #tpu.memory_space<hbm>>
      %dma_start3A_23 = arith.constant 0 : i32
      %dma_start3A_24 = tpu.memref_slice %arg3[%add3A, %dma_start3A_23] : memref<32x10240xf32, #tpu.memory_space<hbm>> -> memref<1x10240xf32, #tpu.memory_space<hbm>>
      %dma_start3A_25 = tpu.memref_squeeze %dma_start3A_24 : memref<1x10240xf32, #tpu.memory_space<hbm>> -> memref<10240xf32, #tpu.memory_space<hbm>>
      tpu.enqueue_dma source(%arg7 : memref<10240xf32, #tpu.memory_space<vmem>>) target(%dma_start3A_25 : memref<10240xf32, #tpu.memory_space<hbm>>) target_semaphore(%run_scoped3A_20 : memref<!tpu.dma_semaphore, #tpu.memory_space<semaphore_mem>>)
      %dma_wait3A = arith.constant 0 : i32
      %dma_wait3A_26 = tpu.memref_slice %arg3[%add3A, %dma_wait3A] : memref<32x10240xf32, #tpu.memory_space<hbm>> -> memref<1x10240xf32, #tpu.memory_space<hbm>>
      %dma_wait3A_27 = tpu.memref_squeeze %dma_wait3A_26 : memref<1x10240xf32, #tpu.memory_space<hbm>> -> memref<10240xf32, #tpu.memory_space<hbm>>
      %dma_wait3A_28 = arith.constant 0 : i32
      %dma_wait3A_29 = tpu.memref_slice %arg3[%add3A, %dma_wait3A_28] : memref<32x10240xf32, #tpu.memory_space<hbm>> -> memref<1x10240xf32, #tpu.memory_space<hbm>>
      %dma_wait3A_30 = tpu.memref_squeeze %dma_wait3A_29 : memref<1x10240xf32, #tpu.memory_space<hbm>> -> memref<10240xf32, #tpu.memory_space<hbm>>
      tpu.wait_dma2 semaphore(%run_scoped3A_20 : memref<!tpu.dma_semaphore, #tpu.memory_space<semaphore_mem>>) src(%arg7 : memref<10240xf32, #tpu.memory_space<vmem>>) dst(%dma_wait3A_30 : memref<10240xf32, #tpu.memory_space<hbm>>)
      tpu.yield
    }) : () -> ()
    "tpu.region"() ({
      %run_scoped3A_20 = tpu.sem_alloc : memref<!tpu.dma_semaphore, #tpu.memory_space<semaphore_mem>>
      %dma_start3A = arith.constant 0 : i32
      %dma_start3A_21 = tpu.memref_slice %arg4[%add3A, %dma_start3A] : memref<32x10240xf32, #tpu.memory_space<hbm>> -> memref<1x10240xf32, #tpu.memory_space<hbm>>
      %dma_start3A_22 = tpu.memref_squeeze %dma_start3A_21 : memref<1x10240xf32, #tpu.memory_space<hbm>> -> memref<10240xf32, #tpu.memory_space<hbm>>
      %dma_start3A_23 = arith.constant 0 : i32
      %dma_start3A_24 = tpu.memref_slice %arg4[%add3A, %dma_start3A_23] : memref<32x10240xf32, #tpu.memory_space<hbm>> -> memref<1x10240xf32, #tpu.memory_space<hbm>>
      %dma_start3A_25 = tpu.memref_squeeze %dma_start3A_24 : memref<1x10240xf32, #tpu.memory_space<hbm>> -> memref<10240xf32, #tpu.memory_space<hbm>>
      tpu.enqueue_dma source(%arg8 : memref<10240xf32, #tpu.memory_space<vmem>>) target(%dma_start3A_25 : memref<10240xf32, #tpu.memory_space<hbm>>) target_semaphore(%run_scoped3A_20 : memref<!tpu.dma_semaphore, #tpu.memory_space<semaphore_mem>>)
      %dma_wait3A = arith.constant 0 : i32
      %dma_wait3A_26 = tpu.memref_slice %arg4[%add3A, %dma_wait3A] : memref<32x10240xf32, #tpu.memory_space<hbm>> -> memref<1x10240xf32, #tpu.memory_space<hbm>>
      %dma_wait3A_27 = tpu.memref_squeeze %dma_wait3A_26 : memref<1x10240xf32, #tpu.memory_space<hbm>> -> memref<10240xf32, #tpu.memory_space<hbm>>
      %dma_wait3A_28 = arith.constant 0 : i32
      %dma_wait3A_29 = tpu.memref_slice %arg4[%add3A, %dma_wait3A_28] : memref<32x10240xf32, #tpu.memory_space<hbm>> -> memref<1x10240xf32, #tpu.memory_space<hbm>>
      %dma_wait3A_30 = tpu.memref_squeeze %dma_wait3A_29 : memref<1x10240xf32, #tpu.memory_space<hbm>> -> memref<10240xf32, #tpu.memory_space<hbm>>
      tpu.wait_dma2 semaphore(%run_scoped3A_20 : memref<!tpu.dma_semaphore, #tpu.memory_space<semaphore_mem>>) src(%arg8 : memref<10240xf32, #tpu.memory_space<vmem>>) dst(%dma_wait3A_30 : memref<10240xf32, #tpu.memory_space<hbm>>)
      tpu.yield
    }) : () -> ()
    return
  }
}

module attributes {stable_mosaic.version = 14 : i64} {
  func.func @_tc_gru_body(%arg0: i32, %arg1: memref<640x128xf32, #tpu.memory_space<vmem>>, %arg2: memref<1x640x128xf32, #tpu.memory_space<vmem>>, %arg3: memref<16x384xf32, #tpu.memory_space<vmem>>, %arg4: memref<128x384xf32, #tpu.memory_space<vmem>>, %arg5: memref<1x384xf32, #tpu.memory_space<vmem>>, %arg6: memref<1x384xf32, #tpu.memory_space<vmem>>, %arg7: memref<1x128xf32, #tpu.memory_space<vmem>>, %arg8: memref<1x128xf32, #tpu.memory_space<vmem>>, %arg9: memref<32x640xf32, #tpu.memory_space<vmem>>, %arg10: memref<640x128xf32, #tpu.memory_space<vmem>>, %arg11: memref<640x128xf32, #tpu.memory_space<vmem>>) attributes {dimension_semantics = [#tpu.dimension_semantics<arbitrary>], iteration_bounds = array<i64: 16>, scalar_prefetch = 0 : i64, scratch_operands = 0 : i64, tpu.core_type = #tpu.core_type<tc>, window_params = [{transform_indices = @transform_0, window_bounds = array<i64: 640, 128>}, {transform_indices = @transform_1, window_bounds = array<i64: 1, 640, 128>}, {pipeline_mode = #tpu.pipeline_mode<synchronous>, transform_indices = @transform_2, window_bounds = array<i64: 16, 384>}, {pipeline_mode = #tpu.pipeline_mode<synchronous>, transform_indices = @transform_3, window_bounds = array<i64: 128, 384>}, {pipeline_mode = #tpu.pipeline_mode<synchronous>, transform_indices = @transform_4, window_bounds = array<i64: 1, 384>}, {pipeline_mode = #tpu.pipeline_mode<synchronous>, transform_indices = @transform_5, window_bounds = array<i64: 1, 384>}, {pipeline_mode = #tpu.pipeline_mode<synchronous>, transform_indices = @transform_6, window_bounds = array<i64: 1, 128>}, {pipeline_mode = #tpu.pipeline_mode<synchronous>, transform_indices = @transform_7, window_bounds = array<i64: 1, 128>}, {transform_indices = @transform_8, window_bounds = array<i64: 32, 640>}, {transform_indices = @transform_9, window_bounds = array<i64: 640, 128>}, {transform_indices = @transform_10, window_bounds = array<i64: 640, 128>}]} {
    %get3A = arith.constant 0 : index
    %get3A_0 = arith.constant 0 : index
    %get3A_1 = vector.load %arg3[%get3A, %get3A_0] : memref<16x384xf32, #tpu.memory_space<vmem>>, vector<16x384xf32>
    %get3A_2 = arith.constant 0 : index
    %get3A_3 = arith.constant 0 : index
    %get3A_4 = vector.load %arg4[%get3A_2, %get3A_3] : memref<128x384xf32, #tpu.memory_space<vmem>>, vector<128x384xf32>
    %get3A_5 = arith.constant 0 : index
    %get3A_6 = arith.constant 0 : index
    %get3A_7 = vector.load %arg5[%get3A_5, %get3A_6] : memref<1x384xf32, #tpu.memory_space<vmem>>, vector<1x384xf32>
    %get3A_8 = arith.constant 0 : index
    %get3A_9 = arith.constant 0 : index
    %get3A_10 = vector.load %arg6[%get3A_8, %get3A_9] : memref<1x384xf32, #tpu.memory_space<vmem>>, vector<1x384xf32>
    %get3A_11 = arith.constant 0 : index
    %get3A_12 = arith.constant 0 : index
    %get3A_13 = vector.load %arg1[%get3A_11, %get3A_12] : memref<640x128xf32, #tpu.memory_space<vmem>>, vector<640x128xf32>
    %get3A_14 = arith.constant 0 : index
    %get3A_15 = arith.constant 0 : index
    %get3A_16 = arith.constant 0 : index
    %get3A_17 = vector.load %arg2[%get3A_14, %get3A_15, %get3A_16] : memref<1x640x128xf32, #tpu.memory_space<vmem>>, vector<1x640x128xf32>
    %get3A_18 = vector.shape_cast %get3A_17 : vector<1x640x128xf32> to vector<640x128xf32>
    %slice3A = vector.extract_strided_slice %get3A_13 {offsets = [0, 0], sizes = [640, 16], strides = [1, 1]} : vector<640x128xf32> to vector<640x16xf32>
    %dot_general3A = arith.constant dense<0.000000e+00> : vector<640x384xf32>
    %dot_general3A_19 = tpu.matmul %slice3A, %get3A_1, %dot_general3A {dimension_numbers = #tpu.dot_dimension_numbers<[1], [0], [0], [1], [0, 0, 1, 1], [], []>, transpose_lhs_hint = false} : vector<640x16xf32>, vector<16x384xf32>, vector<640x384xf32> -> vector<640x384xf32>
    %add3A = vector.broadcast %get3A_7 : vector<1x384xf32> to vector<640x384xf32>
    %add3A_20 = arith.addf %dot_general3A_19, %add3A : vector<640x384xf32>
    %dot_general3A_21 = arith.constant dense<0.000000e+00> : vector<640x384xf32>
    %dot_general3A_22 = tpu.matmul %get3A_18, %get3A_4, %dot_general3A_21 {dimension_numbers = #tpu.dot_dimension_numbers<[1], [0], [0], [1], [0, 0, 1, 1], [], []>, transpose_lhs_hint = false} : vector<640x128xf32>, vector<128x384xf32>, vector<640x384xf32> -> vector<640x384xf32>
    %add3A_23 = vector.broadcast %get3A_10 : vector<1x384xf32> to vector<640x384xf32>
    %add3A_24 = arith.addf %dot_general3A_22, %add3A_23 : vector<640x384xf32>
    %slice3A_25 = vector.extract_strided_slice %add3A_20 {offsets = [0, 0], sizes = [640, 128], strides = [1, 1]} : vector<640x384xf32> to vector<640x128xf32>
    %slice3A_26 = vector.extract_strided_slice %add3A_20 {offsets = [0, 128], sizes = [640, 128], strides = [1, 1]} : vector<640x384xf32> to vector<640x128xf32>
    %slice3A_27 = vector.extract_strided_slice %add3A_20 {offsets = [0, 256], sizes = [640, 128], strides = [1, 1]} : vector<640x384xf32> to vector<640x128xf32>
    %slice3A_28 = vector.extract_strided_slice %add3A_24 {offsets = [0, 0], sizes = [640, 128], strides = [1, 1]} : vector<640x384xf32> to vector<640x128xf32>
    %slice3A_29 = vector.extract_strided_slice %add3A_24 {offsets = [0, 128], sizes = [640, 128], strides = [1, 1]} : vector<640x384xf32> to vector<640x128xf32>
    %slice3A_30 = vector.extract_strided_slice %add3A_24 {offsets = [0, 256], sizes = [640, 128], strides = [1, 1]} : vector<640x384xf32> to vector<640x128xf32>
    %add3A_31 = arith.addf %slice3A_25, %slice3A_28 : vector<640x128xf32>
    %logistic3A = arith.negf %add3A_31 : vector<640x128xf32>
    %logistic3A_32 = math.exp %logistic3A : vector<640x128xf32>
    %logistic3A_33 = arith.constant 1.000000e+00 : f32
    %logistic3A_34 = vector.broadcast %logistic3A_33 : f32 to vector<640x128xf32>
    %logistic3A_35 = arith.addf %logistic3A_34, %logistic3A_32 : vector<640x128xf32>
    %logistic3A_36 = arith.divf %logistic3A_34, %logistic3A_35 : vector<640x128xf32>
    %add3A_37 = arith.addf %slice3A_26, %slice3A_29 : vector<640x128xf32>
    %logistic3A_38 = arith.negf %add3A_37 : vector<640x128xf32>
    %logistic3A_39 = math.exp %logistic3A_38 : vector<640x128xf32>
    %logistic3A_40 = arith.constant 1.000000e+00 : f32
    %logistic3A_41 = vector.broadcast %logistic3A_40 : f32 to vector<640x128xf32>
    %logistic3A_42 = arith.addf %logistic3A_41, %logistic3A_39 : vector<640x128xf32>
    %logistic3A_43 = arith.divf %logistic3A_41, %logistic3A_42 : vector<640x128xf32>
    %mul3A = arith.mulf %logistic3A_36, %slice3A_30 : vector<640x128xf32>
    %add3A_44 = arith.addf %slice3A_27, %mul3A : vector<640x128xf32>
    %tanh3A = math.tanh %add3A_44 : vector<640x128xf32>
    %sub3A = arith.constant 1.000000e+00 : f32
    %sub3A_45 = vector.broadcast %sub3A : f32 to vector<640x128xf32>
    %sub3A_46 = arith.subf %sub3A_45, %logistic3A_43 : vector<640x128xf32>
    %mul3A_47 = arith.mulf %sub3A_46, %tanh3A : vector<640x128xf32>
    %mul3A_48 = arith.mulf %logistic3A_43, %get3A_18 : vector<640x128xf32>
    %add3A_49 = arith.addf %mul3A_47, %mul3A_48 : vector<640x128xf32>
    %slice3A_50 = vector.extract_strided_slice %get3A_13 {offsets = [0, 16], sizes = [640, 16], strides = [1, 1]} : vector<640x128xf32> to vector<640x16xf32>
    %dot_general3A_51 = arith.constant dense<0.000000e+00> : vector<640x384xf32>
    %dot_general3A_52 = tpu.matmul %slice3A_50, %get3A_1, %dot_general3A_51 {dimension_numbers = #tpu.dot_dimension_numbers<[1], [0], [0], [1], [0, 0, 1, 1], [], []>, transpose_lhs_hint = false} : vector<640x16xf32>, vector<16x384xf32>, vector<640x384xf32> -> vector<640x384xf32>
    %add3A_53 = vector.broadcast %get3A_7 : vector<1x384xf32> to vector<640x384xf32>
    %add3A_54 = arith.addf %dot_general3A_52, %add3A_53 : vector<640x384xf32>
    %dot_general3A_55 = arith.constant dense<0.000000e+00> : vector<640x384xf32>
    %dot_general3A_56 = tpu.matmul %add3A_49, %get3A_4, %dot_general3A_55 {dimension_numbers = #tpu.dot_dimension_numbers<[1], [0], [0], [1], [0, 0, 1, 1], [], []>, transpose_lhs_hint = false} : vector<640x128xf32>, vector<128x384xf32>, vector<640x384xf32> -> vector<640x384xf32>
    %add3A_57 = vector.broadcast %get3A_10 : vector<1x384xf32> to vector<640x384xf32>
    %add3A_58 = arith.addf %dot_general3A_56, %add3A_57 : vector<640x384xf32>
    %slice3A_59 = vector.extract_strided_slice %add3A_54 {offsets = [0, 0], sizes = [640, 128], strides = [1, 1]} : vector<640x384xf32> to vector<640x128xf32>
    %slice3A_60 = vector.extract_strided_slice %add3A_54 {offsets = [0, 128], sizes = [640, 128], strides = [1, 1]} : vector<640x384xf32> to vector<640x128xf32>
    %slice3A_61 = vector.extract_strided_slice %add3A_54 {offsets = [0, 256], sizes = [640, 128], strides = [1, 1]} : vector<640x384xf32> to vector<640x128xf32>
    %slice3A_62 = vector.extract_strided_slice %add3A_58 {offsets = [0, 0], sizes = [640, 128], strides = [1, 1]} : vector<640x384xf32> to vector<640x128xf32>
    %slice3A_63 = vector.extract_strided_slice %add3A_58 {offsets = [0, 128], sizes = [640, 128], strides = [1, 1]} : vector<640x384xf32> to vector<640x128xf32>
    %slice3A_64 = vector.extract_strided_slice %add3A_58 {offsets = [0, 256], sizes = [640, 128], strides = [1, 1]} : vector<640x384xf32> to vector<640x128xf32>
    %add3A_65 = arith.addf %slice3A_59, %slice3A_62 : vector<640x128xf32>
    %logistic3A_66 = arith.negf %add3A_65 : vector<640x128xf32>
    %logistic3A_67 = math.exp %logistic3A_66 : vector<640x128xf32>
    %logistic3A_68 = arith.constant 1.000000e+00 : f32
    %logistic3A_69 = vector.broadcast %logistic3A_68 : f32 to vector<640x128xf32>
    %logistic3A_70 = arith.addf %logistic3A_69, %logistic3A_67 : vector<640x128xf32>
    %logistic3A_71 = arith.divf %logistic3A_69, %logistic3A_70 : vector<640x128xf32>
    %add3A_72 = arith.addf %slice3A_60, %slice3A_63 : vector<640x128xf32>
    %logistic3A_73 = arith.negf %add3A_72 : vector<640x128xf32>
    %logistic3A_74 = math.exp %logistic3A_73 : vector<640x128xf32>
    %logistic3A_75 = arith.constant 1.000000e+00 : f32
    %logistic3A_76 = vector.broadcast %logistic3A_75 : f32 to vector<640x128xf32>
    %logistic3A_77 = arith.addf %logistic3A_76, %logistic3A_74 : vector<640x128xf32>
    %logistic3A_78 = arith.divf %logistic3A_76, %logistic3A_77 : vector<640x128xf32>
    %mul3A_79 = arith.mulf %logistic3A_71, %slice3A_64 : vector<640x128xf32>
    %add3A_80 = arith.addf %slice3A_61, %mul3A_79 : vector<640x128xf32>
    %tanh3A_81 = math.tanh %add3A_80 : vector<640x128xf32>
    %sub3A_82 = arith.constant 1.000000e+00 : f32
    %sub3A_83 = vector.broadcast %sub3A_82 : f32 to vector<640x128xf32>
    %sub3A_84 = arith.subf %sub3A_83, %logistic3A_78 : vector<640x128xf32>
    %mul3A_85 = arith.mulf %sub3A_84, %tanh3A_81 : vector<640x128xf32>
    %mul3A_86 = arith.mulf %logistic3A_78, %add3A_49 : vector<640x128xf32>
    %add3A_87 = arith.addf %mul3A_85, %mul3A_86 : vector<640x128xf32>
    %slice3A_88 = vector.extract_strided_slice %get3A_13 {offsets = [0, 32], sizes = [640, 16], strides = [1, 1]} : vector<640x128xf32> to vector<640x16xf32>
    %dot_general3A_89 = arith.constant dense<0.000000e+00> : vector<640x384xf32>
    %dot_general3A_90 = tpu.matmul %slice3A_88, %get3A_1, %dot_general3A_89 {dimension_numbers = #tpu.dot_dimension_numbers<[1], [0], [0], [1], [0, 0, 1, 1], [], []>, transpose_lhs_hint = false} : vector<640x16xf32>, vector<16x384xf32>, vector<640x384xf32> -> vector<640x384xf32>
    %add3A_91 = vector.broadcast %get3A_7 : vector<1x384xf32> to vector<640x384xf32>
    %add3A_92 = arith.addf %dot_general3A_90, %add3A_91 : vector<640x384xf32>
    %dot_general3A_93 = arith.constant dense<0.000000e+00> : vector<640x384xf32>
    %dot_general3A_94 = tpu.matmul %add3A_87, %get3A_4, %dot_general3A_93 {dimension_numbers = #tpu.dot_dimension_numbers<[1], [0], [0], [1], [0, 0, 1, 1], [], []>, transpose_lhs_hint = false} : vector<640x128xf32>, vector<128x384xf32>, vector<640x384xf32> -> vector<640x384xf32>
    %add3A_95 = vector.broadcast %get3A_10 : vector<1x384xf32> to vector<640x384xf32>
    %add3A_96 = arith.addf %dot_general3A_94, %add3A_95 : vector<640x384xf32>
    %slice3A_97 = vector.extract_strided_slice %add3A_92 {offsets = [0, 0], sizes = [640, 128], strides = [1, 1]} : vector<640x384xf32> to vector<640x128xf32>
    %slice3A_98 = vector.extract_strided_slice %add3A_92 {offsets = [0, 128], sizes = [640, 128], strides = [1, 1]} : vector<640x384xf32> to vector<640x128xf32>
    %slice3A_99 = vector.extract_strided_slice %add3A_92 {offsets = [0, 256], sizes = [640, 128], strides = [1, 1]} : vector<640x384xf32> to vector<640x128xf32>
    %slice3A_100 = vector.extract_strided_slice %add3A_96 {offsets = [0, 0], sizes = [640, 128], strides = [1, 1]} : vector<640x384xf32> to vector<640x128xf32>
    %slice3A_101 = vector.extract_strided_slice %add3A_96 {offsets = [0, 128], sizes = [640, 128], strides = [1, 1]} : vector<640x384xf32> to vector<640x128xf32>
    %slice3A_102 = vector.extract_strided_slice %add3A_96 {offsets = [0, 256], sizes = [640, 128], strides = [1, 1]} : vector<640x384xf32> to vector<640x128xf32>
    %add3A_103 = arith.addf %slice3A_97, %slice3A_100 : vector<640x128xf32>
    %logistic3A_104 = arith.negf %add3A_103 : vector<640x128xf32>
    %logistic3A_105 = math.exp %logistic3A_104 : vector<640x128xf32>
    %logistic3A_106 = arith.constant 1.000000e+00 : f32
    %logistic3A_107 = vector.broadcast %logistic3A_106 : f32 to vector<640x128xf32>
    %logistic3A_108 = arith.addf %logistic3A_107, %logistic3A_105 : vector<640x128xf32>
    %logistic3A_109 = arith.divf %logistic3A_107, %logistic3A_108 : vector<640x128xf32>
    %add3A_110 = arith.addf %slice3A_98, %slice3A_101 : vector<640x128xf32>
    %logistic3A_111 = arith.negf %add3A_110 : vector<640x128xf32>
    %logistic3A_112 = math.exp %logistic3A_111 : vector<640x128xf32>
    %logistic3A_113 = arith.constant 1.000000e+00 : f32
    %logistic3A_114 = vector.broadcast %logistic3A_113 : f32 to vector<640x128xf32>
    %logistic3A_115 = arith.addf %logistic3A_114, %logistic3A_112 : vector<640x128xf32>
    %logistic3A_116 = arith.divf %logistic3A_114, %logistic3A_115 : vector<640x128xf32>
    %mul3A_117 = arith.mulf %logistic3A_109, %slice3A_102 : vector<640x128xf32>
    %add3A_118 = arith.addf %slice3A_99, %mul3A_117 : vector<640x128xf32>
    %tanh3A_119 = math.tanh %add3A_118 : vector<640x128xf32>
    %sub3A_120 = arith.constant 1.000000e+00 : f32
    %sub3A_121 = vector.broadcast %sub3A_120 : f32 to vector<640x128xf32>
    %sub3A_122 = arith.subf %sub3A_121, %logistic3A_116 : vector<640x128xf32>
    %mul3A_123 = arith.mulf %sub3A_122, %tanh3A_119 : vector<640x128xf32>
    %mul3A_124 = arith.mulf %logistic3A_116, %add3A_87 : vector<640x128xf32>
    %add3A_125 = arith.addf %mul3A_123, %mul3A_124 : vector<640x128xf32>
    %slice3A_126 = vector.extract_strided_slice %get3A_13 {offsets = [0, 48], sizes = [640, 16], strides = [1, 1]} : vector<640x128xf32> to vector<640x16xf32>
    %dot_general3A_127 = arith.constant dense<0.000000e+00> : vector<640x384xf32>
    %dot_general3A_128 = tpu.matmul %slice3A_126, %get3A_1, %dot_general3A_127 {dimension_numbers = #tpu.dot_dimension_numbers<[1], [0], [0], [1], [0, 0, 1, 1], [], []>, transpose_lhs_hint = false} : vector<640x16xf32>, vector<16x384xf32>, vector<640x384xf32> -> vector<640x384xf32>
    %add3A_129 = vector.broadcast %get3A_7 : vector<1x384xf32> to vector<640x384xf32>
    %add3A_130 = arith.addf %dot_general3A_128, %add3A_129 : vector<640x384xf32>
    %dot_general3A_131 = arith.constant dense<0.000000e+00> : vector<640x384xf32>
    %dot_general3A_132 = tpu.matmul %add3A_125, %get3A_4, %dot_general3A_131 {dimension_numbers = #tpu.dot_dimension_numbers<[1], [0], [0], [1], [0, 0, 1, 1], [], []>, transpose_lhs_hint = false} : vector<640x128xf32>, vector<128x384xf32>, vector<640x384xf32> -> vector<640x384xf32>
    %add3A_133 = vector.broadcast %get3A_10 : vector<1x384xf32> to vector<640x384xf32>
    %add3A_134 = arith.addf %dot_general3A_132, %add3A_133 : vector<640x384xf32>
    %slice3A_135 = vector.extract_strided_slice %add3A_130 {offsets = [0, 0], sizes = [640, 128], strides = [1, 1]} : vector<640x384xf32> to vector<640x128xf32>
    %slice3A_136 = vector.extract_strided_slice %add3A_130 {offsets = [0, 128], sizes = [640, 128], strides = [1, 1]} : vector<640x384xf32> to vector<640x128xf32>
    %slice3A_137 = vector.extract_strided_slice %add3A_130 {offsets = [0, 256], sizes = [640, 128], strides = [1, 1]} : vector<640x384xf32> to vector<640x128xf32>
    %slice3A_138 = vector.extract_strided_slice %add3A_134 {offsets = [0, 0], sizes = [640, 128], strides = [1, 1]} : vector<640x384xf32> to vector<640x128xf32>
    %slice3A_139 = vector.extract_strided_slice %add3A_134 {offsets = [0, 128], sizes = [640, 128], strides = [1, 1]} : vector<640x384xf32> to vector<640x128xf32>
    %slice3A_140 = vector.extract_strided_slice %add3A_134 {offsets = [0, 256], sizes = [640, 128], strides = [1, 1]} : vector<640x384xf32> to vector<640x128xf32>
    %add3A_141 = arith.addf %slice3A_135, %slice3A_138 : vector<640x128xf32>
    %logistic3A_142 = arith.negf %add3A_141 : vector<640x128xf32>
    %logistic3A_143 = math.exp %logistic3A_142 : vector<640x128xf32>
    %logistic3A_144 = arith.constant 1.000000e+00 : f32
    %logistic3A_145 = vector.broadcast %logistic3A_144 : f32 to vector<640x128xf32>
    %logistic3A_146 = arith.addf %logistic3A_145, %logistic3A_143 : vector<640x128xf32>
    %logistic3A_147 = arith.divf %logistic3A_145, %logistic3A_146 : vector<640x128xf32>
    %add3A_148 = arith.addf %slice3A_136, %slice3A_139 : vector<640x128xf32>
    %logistic3A_149 = arith.negf %add3A_148 : vector<640x128xf32>
    %logistic3A_150 = math.exp %logistic3A_149 : vector<640x128xf32>
    %logistic3A_151 = arith.constant 1.000000e+00 : f32
    %logistic3A_152 = vector.broadcast %logistic3A_151 : f32 to vector<640x128xf32>
    %logistic3A_153 = arith.addf %logistic3A_152, %logistic3A_150 : vector<640x128xf32>
    %logistic3A_154 = arith.divf %logistic3A_152, %logistic3A_153 : vector<640x128xf32>
    %mul3A_155 = arith.mulf %logistic3A_147, %slice3A_140 : vector<640x128xf32>
    %add3A_156 = arith.addf %slice3A_137, %mul3A_155 : vector<640x128xf32>
    %tanh3A_157 = math.tanh %add3A_156 : vector<640x128xf32>
    %sub3A_158 = arith.constant 1.000000e+00 : f32
    %sub3A_159 = vector.broadcast %sub3A_158 : f32 to vector<640x128xf32>
    %sub3A_160 = arith.subf %sub3A_159, %logistic3A_154 : vector<640x128xf32>
    %mul3A_161 = arith.mulf %sub3A_160, %tanh3A_157 : vector<640x128xf32>
    %mul3A_162 = arith.mulf %logistic3A_154, %add3A_125 : vector<640x128xf32>
    %add3A_163 = arith.addf %mul3A_161, %mul3A_162 : vector<640x128xf32>
    %slice3A_164 = vector.extract_strided_slice %get3A_13 {offsets = [0, 64], sizes = [640, 16], strides = [1, 1]} : vector<640x128xf32> to vector<640x16xf32>
    %dot_general3A_165 = arith.constant dense<0.000000e+00> : vector<640x384xf32>
    %dot_general3A_166 = tpu.matmul %slice3A_164, %get3A_1, %dot_general3A_165 {dimension_numbers = #tpu.dot_dimension_numbers<[1], [0], [0], [1], [0, 0, 1, 1], [], []>, transpose_lhs_hint = false} : vector<640x16xf32>, vector<16x384xf32>, vector<640x384xf32> -> vector<640x384xf32>
    %add3A_167 = vector.broadcast %get3A_7 : vector<1x384xf32> to vector<640x384xf32>
    %add3A_168 = arith.addf %dot_general3A_166, %add3A_167 : vector<640x384xf32>
    %dot_general3A_169 = arith.constant dense<0.000000e+00> : vector<640x384xf32>
    %dot_general3A_170 = tpu.matmul %add3A_163, %get3A_4, %dot_general3A_169 {dimension_numbers = #tpu.dot_dimension_numbers<[1], [0], [0], [1], [0, 0, 1, 1], [], []>, transpose_lhs_hint = false} : vector<640x128xf32>, vector<128x384xf32>, vector<640x384xf32> -> vector<640x384xf32>
    %add3A_171 = vector.broadcast %get3A_10 : vector<1x384xf32> to vector<640x384xf32>
    %add3A_172 = arith.addf %dot_general3A_170, %add3A_171 : vector<640x384xf32>
    %slice3A_173 = vector.extract_strided_slice %add3A_168 {offsets = [0, 0], sizes = [640, 128], strides = [1, 1]} : vector<640x384xf32> to vector<640x128xf32>
    %slice3A_174 = vector.extract_strided_slice %add3A_168 {offsets = [0, 128], sizes = [640, 128], strides = [1, 1]} : vector<640x384xf32> to vector<640x128xf32>
    %slice3A_175 = vector.extract_strided_slice %add3A_168 {offsets = [0, 256], sizes = [640, 128], strides = [1, 1]} : vector<640x384xf32> to vector<640x128xf32>
    %slice3A_176 = vector.extract_strided_slice %add3A_172 {offsets = [0, 0], sizes = [640, 128], strides = [1, 1]} : vector<640x384xf32> to vector<640x128xf32>
    %slice3A_177 = vector.extract_strided_slice %add3A_172 {offsets = [0, 128], sizes = [640, 128], strides = [1, 1]} : vector<640x384xf32> to vector<640x128xf32>
    %slice3A_178 = vector.extract_strided_slice %add3A_172 {offsets = [0, 256], sizes = [640, 128], strides = [1, 1]} : vector<640x384xf32> to vector<640x128xf32>
    %add3A_179 = arith.addf %slice3A_173, %slice3A_176 : vector<640x128xf32>
    %logistic3A_180 = arith.negf %add3A_179 : vector<640x128xf32>
    %logistic3A_181 = math.exp %logistic3A_180 : vector<640x128xf32>
    %logistic3A_182 = arith.constant 1.000000e+00 : f32
    %logistic3A_183 = vector.broadcast %logistic3A_182 : f32 to vector<640x128xf32>
    %logistic3A_184 = arith.addf %logistic3A_183, %logistic3A_181 : vector<640x128xf32>
    %logistic3A_185 = arith.divf %logistic3A_183, %logistic3A_184 : vector<640x128xf32>
    %add3A_186 = arith.addf %slice3A_174, %slice3A_177 : vector<640x128xf32>
    %logistic3A_187 = arith.negf %add3A_186 : vector<640x128xf32>
    %logistic3A_188 = math.exp %logistic3A_187 : vector<640x128xf32>
    %logistic3A_189 = arith.constant 1.000000e+00 : f32
    %logistic3A_190 = vector.broadcast %logistic3A_189 : f32 to vector<640x128xf32>
    %logistic3A_191 = arith.addf %logistic3A_190, %logistic3A_188 : vector<640x128xf32>
    %logistic3A_192 = arith.divf %logistic3A_190, %logistic3A_191 : vector<640x128xf32>
    %mul3A_193 = arith.mulf %logistic3A_185, %slice3A_178 : vector<640x128xf32>
    %add3A_194 = arith.addf %slice3A_175, %mul3A_193 : vector<640x128xf32>
    %tanh3A_195 = math.tanh %add3A_194 : vector<640x128xf32>
    %sub3A_196 = arith.constant 1.000000e+00 : f32
    %sub3A_197 = vector.broadcast %sub3A_196 : f32 to vector<640x128xf32>
    %sub3A_198 = arith.subf %sub3A_197, %logistic3A_192 : vector<640x128xf32>
    %mul3A_199 = arith.mulf %sub3A_198, %tanh3A_195 : vector<640x128xf32>
    %mul3A_200 = arith.mulf %logistic3A_192, %add3A_163 : vector<640x128xf32>
    %add3A_201 = arith.addf %mul3A_199, %mul3A_200 : vector<640x128xf32>
    %slice3A_202 = vector.extract_strided_slice %get3A_13 {offsets = [0, 80], sizes = [640, 16], strides = [1, 1]} : vector<640x128xf32> to vector<640x16xf32>
    %dot_general3A_203 = arith.constant dense<0.000000e+00> : vector<640x384xf32>
    %dot_general3A_204 = tpu.matmul %slice3A_202, %get3A_1, %dot_general3A_203 {dimension_numbers = #tpu.dot_dimension_numbers<[1], [0], [0], [1], [0, 0, 1, 1], [], []>, transpose_lhs_hint = false} : vector<640x16xf32>, vector<16x384xf32>, vector<640x384xf32> -> vector<640x384xf32>
    %add3A_205 = vector.broadcast %get3A_7 : vector<1x384xf32> to vector<640x384xf32>
    %add3A_206 = arith.addf %dot_general3A_204, %add3A_205 : vector<640x384xf32>
    %dot_general3A_207 = arith.constant dense<0.000000e+00> : vector<640x384xf32>
    %dot_general3A_208 = tpu.matmul %add3A_201, %get3A_4, %dot_general3A_207 {dimension_numbers = #tpu.dot_dimension_numbers<[1], [0], [0], [1], [0, 0, 1, 1], [], []>, transpose_lhs_hint = false} : vector<640x128xf32>, vector<128x384xf32>, vector<640x384xf32> -> vector<640x384xf32>
    %add3A_209 = vector.broadcast %get3A_10 : vector<1x384xf32> to vector<640x384xf32>
    %add3A_210 = arith.addf %dot_general3A_208, %add3A_209 : vector<640x384xf32>
    %slice3A_211 = vector.extract_strided_slice %add3A_206 {offsets = [0, 0], sizes = [640, 128], strides = [1, 1]} : vector<640x384xf32> to vector<640x128xf32>
    %slice3A_212 = vector.extract_strided_slice %add3A_206 {offsets = [0, 128], sizes = [640, 128], strides = [1, 1]} : vector<640x384xf32> to vector<640x128xf32>
    %slice3A_213 = vector.extract_strided_slice %add3A_206 {offsets = [0, 256], sizes = [640, 128], strides = [1, 1]} : vector<640x384xf32> to vector<640x128xf32>
    %slice3A_214 = vector.extract_strided_slice %add3A_210 {offsets = [0, 0], sizes = [640, 128], strides = [1, 1]} : vector<640x384xf32> to vector<640x128xf32>
    %slice3A_215 = vector.extract_strided_slice %add3A_210 {offsets = [0, 128], sizes = [640, 128], strides = [1, 1]} : vector<640x384xf32> to vector<640x128xf32>
    %slice3A_216 = vector.extract_strided_slice %add3A_210 {offsets = [0, 256], sizes = [640, 128], strides = [1, 1]} : vector<640x384xf32> to vector<640x128xf32>
    %add3A_217 = arith.addf %slice3A_211, %slice3A_214 : vector<640x128xf32>
    %logistic3A_218 = arith.negf %add3A_217 : vector<640x128xf32>
    %logistic3A_219 = math.exp %logistic3A_218 : vector<640x128xf32>
    %logistic3A_220 = arith.constant 1.000000e+00 : f32
    %logistic3A_221 = vector.broadcast %logistic3A_220 : f32 to vector<640x128xf32>
    %logistic3A_222 = arith.addf %logistic3A_221, %logistic3A_219 : vector<640x128xf32>
    %logistic3A_223 = arith.divf %logistic3A_221, %logistic3A_222 : vector<640x128xf32>
    %add3A_224 = arith.addf %slice3A_212, %slice3A_215 : vector<640x128xf32>
    %logistic3A_225 = arith.negf %add3A_224 : vector<640x128xf32>
    %logistic3A_226 = math.exp %logistic3A_225 : vector<640x128xf32>
    %logistic3A_227 = arith.constant 1.000000e+00 : f32
    %logistic3A_228 = vector.broadcast %logistic3A_227 : f32 to vector<640x128xf32>
    %logistic3A_229 = arith.addf %logistic3A_228, %logistic3A_226 : vector<640x128xf32>
    %logistic3A_230 = arith.divf %logistic3A_228, %logistic3A_229 : vector<640x128xf32>
    %mul3A_231 = arith.mulf %logistic3A_223, %slice3A_216 : vector<640x128xf32>
    %add3A_232 = arith.addf %slice3A_213, %mul3A_231 : vector<640x128xf32>
    %tanh3A_233 = math.tanh %add3A_232 : vector<640x128xf32>
    %sub3A_234 = arith.constant 1.000000e+00 : f32
    %sub3A_235 = vector.broadcast %sub3A_234 : f32 to vector<640x128xf32>
    %sub3A_236 = arith.subf %sub3A_235, %logistic3A_230 : vector<640x128xf32>
    %mul3A_237 = arith.mulf %sub3A_236, %tanh3A_233 : vector<640x128xf32>
    %mul3A_238 = arith.mulf %logistic3A_230, %add3A_201 : vector<640x128xf32>
    %add3A_239 = arith.addf %mul3A_237, %mul3A_238 : vector<640x128xf32>
    %slice3A_240 = vector.extract_strided_slice %get3A_13 {offsets = [0, 96], sizes = [640, 16], strides = [1, 1]} : vector<640x128xf32> to vector<640x16xf32>
    %dot_general3A_241 = arith.constant dense<0.000000e+00> : vector<640x384xf32>
    %dot_general3A_242 = tpu.matmul %slice3A_240, %get3A_1, %dot_general3A_241 {dimension_numbers = #tpu.dot_dimension_numbers<[1], [0], [0], [1], [0, 0, 1, 1], [], []>, transpose_lhs_hint = false} : vector<640x16xf32>, vector<16x384xf32>, vector<640x384xf32> -> vector<640x384xf32>
    %add3A_243 = vector.broadcast %get3A_7 : vector<1x384xf32> to vector<640x384xf32>
    %add3A_244 = arith.addf %dot_general3A_242, %add3A_243 : vector<640x384xf32>
    %dot_general3A_245 = arith.constant dense<0.000000e+00> : vector<640x384xf32>
    %dot_general3A_246 = tpu.matmul %add3A_239, %get3A_4, %dot_general3A_245 {dimension_numbers = #tpu.dot_dimension_numbers<[1], [0], [0], [1], [0, 0, 1, 1], [], []>, transpose_lhs_hint = false} : vector<640x128xf32>, vector<128x384xf32>, vector<640x384xf32> -> vector<640x384xf32>
    %add3A_247 = vector.broadcast %get3A_10 : vector<1x384xf32> to vector<640x384xf32>
    %add3A_248 = arith.addf %dot_general3A_246, %add3A_247 : vector<640x384xf32>
    %slice3A_249 = vector.extract_strided_slice %add3A_244 {offsets = [0, 0], sizes = [640, 128], strides = [1, 1]} : vector<640x384xf32> to vector<640x128xf32>
    %slice3A_250 = vector.extract_strided_slice %add3A_244 {offsets = [0, 128], sizes = [640, 128], strides = [1, 1]} : vector<640x384xf32> to vector<640x128xf32>
    %slice3A_251 = vector.extract_strided_slice %add3A_244 {offsets = [0, 256], sizes = [640, 128], strides = [1, 1]} : vector<640x384xf32> to vector<640x128xf32>
    %slice3A_252 = vector.extract_strided_slice %add3A_248 {offsets = [0, 0], sizes = [640, 128], strides = [1, 1]} : vector<640x384xf32> to vector<640x128xf32>
    %slice3A_253 = vector.extract_strided_slice %add3A_248 {offsets = [0, 128], sizes = [640, 128], strides = [1, 1]} : vector<640x384xf32> to vector<640x128xf32>
    %slice3A_254 = vector.extract_strided_slice %add3A_248 {offsets = [0, 256], sizes = [640, 128], strides = [1, 1]} : vector<640x384xf32> to vector<640x128xf32>
    %add3A_255 = arith.addf %slice3A_249, %slice3A_252 : vector<640x128xf32>
    %logistic3A_256 = arith.negf %add3A_255 : vector<640x128xf32>
    %logistic3A_257 = math.exp %logistic3A_256 : vector<640x128xf32>
    %logistic3A_258 = arith.constant 1.000000e+00 : f32
    %logistic3A_259 = vector.broadcast %logistic3A_258 : f32 to vector<640x128xf32>
    %logistic3A_260 = arith.addf %logistic3A_259, %logistic3A_257 : vector<640x128xf32>
    %logistic3A_261 = arith.divf %logistic3A_259, %logistic3A_260 : vector<640x128xf32>
    %add3A_262 = arith.addf %slice3A_250, %slice3A_253 : vector<640x128xf32>
    %logistic3A_263 = arith.negf %add3A_262 : vector<640x128xf32>
    %logistic3A_264 = math.exp %logistic3A_263 : vector<640x128xf32>
    %logistic3A_265 = arith.constant 1.000000e+00 : f32
    %logistic3A_266 = vector.broadcast %logistic3A_265 : f32 to vector<640x128xf32>
    %logistic3A_267 = arith.addf %logistic3A_266, %logistic3A_264 : vector<640x128xf32>
    %logistic3A_268 = arith.divf %logistic3A_266, %logistic3A_267 : vector<640x128xf32>
    %mul3A_269 = arith.mulf %logistic3A_261, %slice3A_254 : vector<640x128xf32>
    %add3A_270 = arith.addf %slice3A_251, %mul3A_269 : vector<640x128xf32>
    %tanh3A_271 = math.tanh %add3A_270 : vector<640x128xf32>
    %sub3A_272 = arith.constant 1.000000e+00 : f32
    %sub3A_273 = vector.broadcast %sub3A_272 : f32 to vector<640x128xf32>
    %sub3A_274 = arith.subf %sub3A_273, %logistic3A_268 : vector<640x128xf32>
    %mul3A_275 = arith.mulf %sub3A_274, %tanh3A_271 : vector<640x128xf32>
    %mul3A_276 = arith.mulf %logistic3A_268, %add3A_239 : vector<640x128xf32>
    %add3A_277 = arith.addf %mul3A_275, %mul3A_276 : vector<640x128xf32>
    %slice3A_278 = vector.extract_strided_slice %get3A_13 {offsets = [0, 112], sizes = [640, 16], strides = [1, 1]} : vector<640x128xf32> to vector<640x16xf32>
    %dot_general3A_279 = arith.constant dense<0.000000e+00> : vector<640x384xf32>
    %dot_general3A_280 = tpu.matmul %slice3A_278, %get3A_1, %dot_general3A_279 {dimension_numbers = #tpu.dot_dimension_numbers<[1], [0], [0], [1], [0, 0, 1, 1], [], []>, transpose_lhs_hint = false} : vector<640x16xf32>, vector<16x384xf32>, vector<640x384xf32> -> vector<640x384xf32>
    %add3A_281 = vector.broadcast %get3A_7 : vector<1x384xf32> to vector<640x384xf32>
    %add3A_282 = arith.addf %dot_general3A_280, %add3A_281 : vector<640x384xf32>
    %dot_general3A_283 = arith.constant dense<0.000000e+00> : vector<640x384xf32>
    %dot_general3A_284 = tpu.matmul %add3A_277, %get3A_4, %dot_general3A_283 {dimension_numbers = #tpu.dot_dimension_numbers<[1], [0], [0], [1], [0, 0, 1, 1], [], []>, transpose_lhs_hint = false} : vector<640x128xf32>, vector<128x384xf32>, vector<640x384xf32> -> vector<640x384xf32>
    %add3A_285 = vector.broadcast %get3A_10 : vector<1x384xf32> to vector<640x384xf32>
    %add3A_286 = arith.addf %dot_general3A_284, %add3A_285 : vector<640x384xf32>
    %slice3A_287 = vector.extract_strided_slice %add3A_282 {offsets = [0, 0], sizes = [640, 128], strides = [1, 1]} : vector<640x384xf32> to vector<640x128xf32>
    %slice3A_288 = vector.extract_strided_slice %add3A_282 {offsets = [0, 128], sizes = [640, 128], strides = [1, 1]} : vector<640x384xf32> to vector<640x128xf32>
    %slice3A_289 = vector.extract_strided_slice %add3A_282 {offsets = [0, 256], sizes = [640, 128], strides = [1, 1]} : vector<640x384xf32> to vector<640x128xf32>
    %slice3A_290 = vector.extract_strided_slice %add3A_286 {offsets = [0, 0], sizes = [640, 128], strides = [1, 1]} : vector<640x384xf32> to vector<640x128xf32>
    %slice3A_291 = vector.extract_strided_slice %add3A_286 {offsets = [0, 128], sizes = [640, 128], strides = [1, 1]} : vector<640x384xf32> to vector<640x128xf32>
    %slice3A_292 = vector.extract_strided_slice %add3A_286 {offsets = [0, 256], sizes = [640, 128], strides = [1, 1]} : vector<640x384xf32> to vector<640x128xf32>
    %add3A_293 = arith.addf %slice3A_287, %slice3A_290 : vector<640x128xf32>
    %logistic3A_294 = arith.negf %add3A_293 : vector<640x128xf32>
    %logistic3A_295 = math.exp %logistic3A_294 : vector<640x128xf32>
    %logistic3A_296 = arith.constant 1.000000e+00 : f32
    %logistic3A_297 = vector.broadcast %logistic3A_296 : f32 to vector<640x128xf32>
    %logistic3A_298 = arith.addf %logistic3A_297, %logistic3A_295 : vector<640x128xf32>
    %logistic3A_299 = arith.divf %logistic3A_297, %logistic3A_298 : vector<640x128xf32>
    %add3A_300 = arith.addf %slice3A_288, %slice3A_291 : vector<640x128xf32>
    %logistic3A_301 = arith.negf %add3A_300 : vector<640x128xf32>
    %logistic3A_302 = math.exp %logistic3A_301 : vector<640x128xf32>
    %logistic3A_303 = arith.constant 1.000000e+00 : f32
    %logistic3A_304 = vector.broadcast %logistic3A_303 : f32 to vector<640x128xf32>
    %logistic3A_305 = arith.addf %logistic3A_304, %logistic3A_302 : vector<640x128xf32>
    %logistic3A_306 = arith.divf %logistic3A_304, %logistic3A_305 : vector<640x128xf32>
    %mul3A_307 = arith.mulf %logistic3A_299, %slice3A_292 : vector<640x128xf32>
    %add3A_308 = arith.addf %slice3A_289, %mul3A_307 : vector<640x128xf32>
    %tanh3A_309 = math.tanh %add3A_308 : vector<640x128xf32>
    %sub3A_310 = arith.constant 1.000000e+00 : f32
    %sub3A_311 = vector.broadcast %sub3A_310 : f32 to vector<640x128xf32>
    %sub3A_312 = arith.subf %sub3A_311, %logistic3A_306 : vector<640x128xf32>
    %mul3A_313 = arith.mulf %sub3A_312, %tanh3A_309 : vector<640x128xf32>
    %mul3A_314 = arith.mulf %logistic3A_306, %add3A_277 : vector<640x128xf32>
    %add3A_315 = arith.addf %mul3A_313, %mul3A_314 : vector<640x128xf32>
    %swap3A = arith.constant 0 : index
    %swap3A_316 = arith.constant 0 : index
    %swap3A_317 = vector.load %arg10[%swap3A, %swap3A_316] : memref<640x128xf32, #tpu.memory_space<vmem>>, vector<640x128xf32>
    tpu.vector_store %arg10[%swap3A, %swap3A_316], %add3A_315 {strides = array<i32>} : memref<640x128xf32, #tpu.memory_space<vmem>>, vector<640x128xf32>,
    %reduce_sum3A = arith.constant dense<0.000000e+00> : vector<640xf32>
    %reduce_sum3A_318 = vector.multi_reduction <add>, %add3A_315, %reduce_sum3A [1] : vector<640x128xf32> to vector<640xf32>
    %broadcast_in_dim3A = vector.shape_cast %reduce_sum3A_318 : vector<640xf32> to vector<640x1xf32>
    %div3A = arith.constant 1.280000e+02 : f32
    %div3A_319 = vector.broadcast %div3A : f32 to vector<640x1xf32>
    %div3A_320 = arith.divf %broadcast_in_dim3A, %div3A_319 : vector<640x1xf32>
    %sub3A_321 = vector.broadcast %div3A_320 : vector<640x1xf32> to vector<640x128xf32>
    %sub3A_322 = arith.subf %add3A_315, %sub3A_321 : vector<640x128xf32>
    %mul3A_323 = arith.mulf %sub3A_322, %sub3A_322 : vector<640x128xf32>
    %reduce_sum3A_324 = arith.constant dense<0.000000e+00> : vector<640xf32>
    %reduce_sum3A_325 = vector.multi_reduction <add>, %mul3A_323, %reduce_sum3A_324 [1] : vector<640x128xf32> to vector<640xf32>
    %broadcast_in_dim3A_326 = vector.shape_cast %reduce_sum3A_325 : vector<640xf32> to vector<640x1xf32>
    %div3A_327 = arith.constant 1.280000e+02 : f32
    %div3A_328 = vector.broadcast %div3A_327 : f32 to vector<640x1xf32>
    %div3A_329 = arith.divf %broadcast_in_dim3A_326, %div3A_328 : vector<640x1xf32>
    %add3A_330 = arith.constant 9.99999974E-6 : f32
    %add3A_331 = vector.broadcast %add3A_330 : f32 to vector<640x1xf32>
    %add3A_332 = arith.addf %div3A_329, %add3A_331 : vector<640x1xf32>
    %rsqrt3A = math.rsqrt %add3A_332 : vector<640x1xf32>
    %mul3A_333 = vector.broadcast %rsqrt3A : vector<640x1xf32> to vector<640x128xf32>
    %mul3A_334 = arith.mulf %sub3A_322, %mul3A_333 : vector<640x128xf32>
    %get3A_335 = arith.constant 0 : index
    %get3A_336 = arith.constant 0 : index
    %get3A_337 = vector.load %arg7[%get3A_335, %get3A_336] : memref<1x128xf32, #tpu.memory_space<vmem>>, vector<1x128xf32>
    %mul3A_338 = vector.broadcast %get3A_337 : vector<1x128xf32> to vector<640x128xf32>
    %mul3A_339 = arith.mulf %mul3A_334, %mul3A_338 : vector<640x128xf32>
    %get3A_340 = arith.constant 0 : index
    %get3A_341 = arith.constant 0 : index
    %get3A_342 = vector.load %arg8[%get3A_340, %get3A_341] : memref<1x128xf32, #tpu.memory_space<vmem>>, vector<1x128xf32>
    %add3A_343 = vector.broadcast %get3A_342 : vector<1x128xf32> to vector<640x128xf32>
    %add3A_344 = arith.addf %mul3A_339, %add3A_343 : vector<640x128xf32>
    %get3A_345 = arith.constant 0 : index
    %get3A_346 = arith.constant 0 : index
    %get3A_347 = vector.load %arg9[%get3A_345, %get3A_346] : memref<32x640xf32, #tpu.memory_space<vmem>>, vector<32x640xf32>
    %reduce_sum3A_348 = arith.constant dense<0.000000e+00> : vector<640xf32>
    %reduce_sum3A_349 = vector.multi_reduction <add>, %get3A_347, %reduce_sum3A_348 [0] : vector<32x640xf32> to vector<640xf32>
    %reshape3A = vector.shape_cast %reduce_sum3A_349 : vector<640xf32> to vector<640x1xf32>
    %max3A = arith.constant 1.000000e+00 : f32
    %max3A_350 = vector.broadcast %max3A : f32 to vector<640x1xf32>
    %max3A_351 = arith.maximumf %reshape3A, %max3A_350 : vector<640x1xf32>
    %rsqrt3A_352 = math.rsqrt %max3A_351 : vector<640x1xf32>
    %iota3A = tpu.iota {dimensions = array<i32: 0>} : vector<640x1xi32>
    %mul3A_353 = arith.constant 640 : i32
    %mul3A_354 = arith.muli %arg0, %mul3A_353 : i32
    %add3A_355 = vector.broadcast %mul3A_354 : i32 to vector<640x1xi32>
    %add3A_356 = arith.addi %iota3A, %add3A_355 : vector<640x1xi32>
    %lt3A = arith.constant 10000 : i32
    %lt3A_357 = vector.broadcast %lt3A : i32 to vector<640x1xi32>
    %lt3A_358 = arith.cmpi slt, %add3A_356, %lt3A_357 : vector<640x1xi32>
    %mul3A_359 = vector.broadcast %rsqrt3A_352 : vector<640x1xf32> to vector<640x128xf32>
    %mul3A_360 = arith.mulf %add3A_344, %mul3A_359 : vector<640x128xf32>
    %jit3A = arith.constant 0.000000e+00 : f32
    %broadcast_in_dim3A_361 = vector.shape_cast %lt3A_358 : vector<640x1xi1> to vector<640x1xi1>
    %broadcast_in_dim3A_362 = vector.broadcast %broadcast_in_dim3A_361 : vector<640x1xi1> to vector<640x128xi1>
    %broadcast_in_dim3A_363 = vector.broadcast %jit3A : f32 to vector<640x128xf32>
    %select_n3A = arith.select %broadcast_in_dim3A_362, %mul3A_360, %broadcast_in_dim3A_363 : vector<640x128xi1>, vector<640x128xf32>
    %swap3A_364 = arith.constant 0 : index
    %swap3A_365 = arith.constant 0 : index
    %swap3A_366 = vector.load %arg11[%swap3A_364, %swap3A_365] : memref<640x128xf32, #tpu.memory_space<vmem>>, vector<640x128xf32>
    tpu.vector_store %arg11[%swap3A_364, %swap3A_365], %select_n3A {strides = array<i32>} : memref<640x128xf32, #tpu.memory_space<vmem>>, vector<640x128xf32>,
    return
  }
  func.func @transform_0(%arg0: i32) -> (i32, i32) {
    %c0_i32 = arith.constant 0 : i32
    %c0_i32_0 = arith.constant 0 : i32
    return %arg0, %c0_i32 : i32, i32
  }
  func.func @transform_1(%arg0: i32) -> (i32, i32, i32) {
    %c0_i32 = arith.constant 0 : i32
    %c0_i32_0 = arith.constant 0 : i32
    %c0_i32_1 = arith.constant 0 : i32
    return %c0_i32, %arg0, %c0_i32_0 : i32, i32, i32
  }
  func.func @transform_2(%arg0: i32) -> (i32, i32) {
    %c0_i32 = arith.constant 0 : i32
    %c0_i32_0 = arith.constant 0 : i32
    %c0_i32_1 = arith.constant 0 : i32
    return %c0_i32, %c0_i32_0 : i32, i32
  }
  func.func @transform_3(%arg0: i32) -> (i32, i32) {
    %c0_i32 = arith.constant 0 : i32
    %c0_i32_0 = arith.constant 0 : i32
    %c0_i32_1 = arith.constant 0 : i32
    return %c0_i32, %c0_i32_0 : i32, i32
  }
  func.func @transform_4(%arg0: i32) -> (i32, i32) {
    %c0_i32 = arith.constant 0 : i32
    %c0_i32_0 = arith.constant 0 : i32
    %c0_i32_1 = arith.constant 0 : i32
    return %c0_i32, %c0_i32_0 : i32, i32
  }
  func.func @transform_5(%arg0: i32) -> (i32, i32) {
    %c0_i32 = arith.constant 0 : i32
    %c0_i32_0 = arith.constant 0 : i32
    %c0_i32_1 = arith.constant 0 : i32
    return %c0_i32, %c0_i32_0 : i32, i32
  }
  func.func @transform_6(%arg0: i32) -> (i32, i32) {
    %c0_i32 = arith.constant 0 : i32
    %c0_i32_0 = arith.constant 0 : i32
    %c0_i32_1 = arith.constant 0 : i32
    return %c0_i32, %c0_i32_0 : i32, i32
  }
  func.func @transform_7(%arg0: i32) -> (i32, i32) {
    %c0_i32 = arith.constant 0 : i32
    %c0_i32_0 = arith.constant 0 : i32
    %c0_i32_1 = arith.constant 0 : i32
    return %c0_i32, %c0_i32_0 : i32, i32
  }
  func.func @transform_8(%arg0: i32) -> (i32, i32) {
    %c0_i32 = arith.constant 0 : i32
    %c0_i32_0 = arith.constant 0 : i32
    return %c0_i32, %arg0 : i32, i32
  }
  func.func @transform_9(%arg0: i32) -> (i32, i32) {
    %c0_i32 = arith.constant 0 : i32
    %c0_i32_0 = arith.constant 0 : i32
    return %arg0, %c0_i32 : i32, i32
  }
  func.func @transform_10(%arg0: i32) -> (i32, i32) {
    %c0_i32 = arith.constant 0 : i32
    %c0_i32_0 = arith.constant 0 : i32
    return %arg0, %c0_i32 : i32, i32
  }
}

module attributes {stable_mosaic.version = 14 : i64} {
  func.func @_tc_heads_body(%arg0: i32, %arg1: memref<2x1024x128xf32, #tpu.memory_space<vmem>>, %arg2: memref<32x1024xf32, #tpu.memory_space<vmem>>, %arg3: memref<128x128xf32, #tpu.memory_space<vmem>>, %arg4: memref<1x128xf32, #tpu.memory_space<vmem>>, %arg5: memref<128x64xf32, #tpu.memory_space<vmem>>, %arg6: memref<1x64xf32, #tpu.memory_space<vmem>>, %arg7: memref<128x64xf32, #tpu.memory_space<vmem>>, %arg8: memref<1x64xf32, #tpu.memory_space<vmem>>, %arg9: memref<128x64xf32, #tpu.memory_space<vmem>>, %arg10: memref<1x64xf32, #tpu.memory_space<vmem>>, %arg11: memref<128x64xf32, #tpu.memory_space<vmem>>, %arg12: memref<1x64xf32, #tpu.memory_space<vmem>>, %arg13: memref<1024x64xf32, #tpu.memory_space<vmem>>, %arg14: memref<1024x64xf32, #tpu.memory_space<vmem>>, %arg15: memref<1024x64xf32, #tpu.memory_space<vmem>>, %arg16: memref<1024x64xf32, #tpu.memory_space<vmem>>) attributes {dimension_semantics = [#tpu.dimension_semantics<arbitrary>], iteration_bounds = array<i64: 10>, scalar_prefetch = 0 : i64, scratch_operands = 0 : i64, tpu.core_type = #tpu.core_type<tc>, window_params = [{transform_indices = @transform_0, window_bounds = array<i64: 2, 1024, 128>}, {transform_indices = @transform_1, window_bounds = array<i64: 32, 1024>}, {pipeline_mode = #tpu.pipeline_mode<synchronous>, transform_indices = @transform_2, window_bounds = array<i64: 128, 128>}, {pipeline_mode = #tpu.pipeline_mode<synchronous>, transform_indices = @transform_3, window_bounds = array<i64: 1, 128>}, {pipeline_mode = #tpu.pipeline_mode<synchronous>, transform_indices = @transform_4, window_bounds = array<i64: 128, 64>}, {pipeline_mode = #tpu.pipeline_mode<synchronous>, transform_indices = @transform_5, window_bounds = array<i64: 1, 64>}, {pipeline_mode = #tpu.pipeline_mode<synchronous>, transform_indices = @transform_6, window_bounds = array<i64: 128, 64>}, {pipeline_mode = #tpu.pipeline_mode<synchronous>, transform_indices = @transform_7, window_bounds = array<i64: 1, 64>}, {pipeline_mode = #tpu.pipeline_mode<synchronous>, transform_indices = @transform_8, window_bounds = array<i64: 128, 64>}, {pipeline_mode = #tpu.pipeline_mode<synchronous>, transform_indices = @transform_9, window_bounds = array<i64: 1, 64>}, {pipeline_mode = #tpu.pipeline_mode<synchronous>, transform_indices = @transform_10, window_bounds = array<i64: 128, 64>}, {pipeline_mode = #tpu.pipeline_mode<synchronous>, transform_indices = @transform_11, window_bounds = array<i64: 1, 64>}, {transform_indices = @transform_12, window_bounds = array<i64: 1024, 64>}, {transform_indices = @transform_13, window_bounds = array<i64: 1024, 64>}, {transform_indices = @transform_14, window_bounds = array<i64: 1024, 64>}, {transform_indices = @transform_15, window_bounds = array<i64: 1024, 64>}]} {
    %get3A = arith.constant 0 : index
    %get3A_0 = arith.constant 0 : index
    %get3A_1 = arith.constant 0 : index
    %get3A_2 = vector.load %arg1[%get3A, %get3A_0, %get3A_1] : memref<2x1024x128xf32, #tpu.memory_space<vmem>>, vector<1x1024x128xf32>
    %get3A_3 = vector.shape_cast %get3A_2 : vector<1x1024x128xf32> to vector<1024x128xf32>
    %get3A_4 = arith.constant 1 : index
    %get3A_5 = arith.constant 0 : index
    %get3A_6 = arith.constant 0 : index
    %get3A_7 = vector.load %arg1[%get3A_4, %get3A_5, %get3A_6] : memref<2x1024x128xf32, #tpu.memory_space<vmem>>, vector<1x1024x128xf32>
    %get3A_8 = vector.shape_cast %get3A_7 : vector<1x1024x128xf32> to vector<1024x128xf32>
    %add3A = arith.addf %get3A_3, %get3A_8 : vector<1024x128xf32>
    %get3A_9 = arith.constant 0 : index
    %get3A_10 = arith.constant 0 : index
    %get3A_11 = vector.load %arg2[%get3A_9, %get3A_10] : memref<32x1024xf32, #tpu.memory_space<vmem>>, vector<32x1024xf32>
    %reduce_sum3A = arith.constant dense<0.000000e+00> : vector<1024xf32>
    %reduce_sum3A_12 = vector.multi_reduction <add>, %get3A_11, %reduce_sum3A [0] : vector<32x1024xf32> to vector<1024xf32>
    %reshape3A = vector.shape_cast %reduce_sum3A_12 : vector<1024xf32> to vector<1024x1xf32>
    %max3A = arith.constant 1.000000e+00 : f32
    %max3A_13 = vector.broadcast %max3A : f32 to vector<1024x1xf32>
    %max3A_14 = arith.maximumf %reshape3A, %max3A_13 : vector<1024x1xf32>
    %rsqrt3A = math.rsqrt %max3A_14 : vector<1024x1xf32>
    %mul3A = vector.broadcast %rsqrt3A : vector<1024x1xf32> to vector<1024x128xf32>
    %mul3A_15 = arith.mulf %add3A, %mul3A : vector<1024x128xf32>
    %get3A_16 = arith.constant 0 : index
    %get3A_17 = arith.constant 0 : index
    %get3A_18 = vector.load %arg3[%get3A_16, %get3A_17] : memref<128x128xf32, #tpu.memory_space<vmem>>, vector<128x128xf32>
    %dot_general3A = arith.constant dense<0.000000e+00> : vector<1024x128xf32>
    %dot_general3A_19 = tpu.matmul %mul3A_15, %get3A_18, %dot_general3A {dimension_numbers = #tpu.dot_dimension_numbers<[1], [0], [0], [1], [0, 0, 1, 1], [], []>, transpose_lhs_hint = false} : vector<1024x128xf32>, vector<128x128xf32>, vector<1024x128xf32> -> vector<1024x128xf32>
    %get3A_20 = arith.constant 0 : index
    %get3A_21 = arith.constant 0 : index
    %get3A_22 = vector.load %arg4[%get3A_20, %get3A_21] : memref<1x128xf32, #tpu.memory_space<vmem>>, vector<1x128xf32>
    %add3A_23 = vector.broadcast %get3A_22 : vector<1x128xf32> to vector<1024x128xf32>
    %add3A_24 = arith.addf %dot_general3A_19, %add3A_23 : vector<1024x128xf32>
    %get3A_25 = arith.constant 0 : index
    %get3A_26 = arith.constant 0 : index
    %get3A_27 = vector.load %arg5[%get3A_25, %get3A_26] : memref<128x64xf32, #tpu.memory_space<vmem>>, vector<128x64xf32>
    %dot_general3A_28 = arith.constant dense<0.000000e+00> : vector<1024x64xf32>
    %dot_general3A_29 = tpu.matmul %add3A_24, %get3A_27, %dot_general3A_28 {dimension_numbers = #tpu.dot_dimension_numbers<[1], [0], [0], [1], [0, 0, 1, 1], [], []>, transpose_lhs_hint = false} : vector<1024x128xf32>, vector<128x64xf32>, vector<1024x64xf32> -> vector<1024x64xf32>
    %get3A_30 = arith.constant 0 : index
    %get3A_31 = arith.constant 0 : index
    %get3A_32 = vector.load %arg6[%get3A_30, %get3A_31] : memref<1x64xf32, #tpu.memory_space<vmem>>, vector<1x64xf32>
    %add3A_33 = vector.broadcast %get3A_32 : vector<1x64xf32> to vector<1024x64xf32>
    %add3A_34 = arith.addf %dot_general3A_29, %add3A_33 : vector<1024x64xf32>
    %swap3A = arith.constant 0 : index
    %swap3A_35 = arith.constant 0 : index
    %swap3A_36 = vector.load %arg13[%swap3A, %swap3A_35] : memref<1024x64xf32, #tpu.memory_space<vmem>>, vector<1024x64xf32>
    tpu.vector_store %arg13[%swap3A, %swap3A_35], %add3A_34 {strides = array<i32>} : memref<1024x64xf32, #tpu.memory_space<vmem>>, vector<1024x64xf32>,
    %get3A_37 = arith.constant 0 : index
    %get3A_38 = arith.constant 0 : index
    %get3A_39 = vector.load %arg7[%get3A_37, %get3A_38] : memref<128x64xf32, #tpu.memory_space<vmem>>, vector<128x64xf32>
    %dot_general3A_40 = arith.constant dense<0.000000e+00> : vector<1024x64xf32>
    %dot_general3A_41 = tpu.matmul %add3A_24, %get3A_39, %dot_general3A_40 {dimension_numbers = #tpu.dot_dimension_numbers<[1], [0], [0], [1], [0, 0, 1, 1], [], []>, transpose_lhs_hint = false} : vector<1024x128xf32>, vector<128x64xf32>, vector<1024x64xf32> -> vector<1024x64xf32>
    %get3A_42 = arith.constant 0 : index
    %get3A_43 = arith.constant 0 : index
    %get3A_44 = vector.load %arg8[%get3A_42, %get3A_43] : memref<1x64xf32, #tpu.memory_space<vmem>>, vector<1x64xf32>
    %add3A_45 = vector.broadcast %get3A_44 : vector<1x64xf32> to vector<1024x64xf32>
    %add3A_46 = arith.addf %dot_general3A_41, %add3A_45 : vector<1024x64xf32>
    %custom_jvp_call3A = arith.constant 0.000000e+00 : f32
    %max3A_47 = vector.broadcast %custom_jvp_call3A : f32 to vector<1024x64xf32>
    %max3A_48 = arith.maximumf %add3A_46, %max3A_47 : vector<1024x64xf32>
    %sub3A = vector.broadcast %custom_jvp_call3A : f32 to vector<1024x64xf32>
    %sub3A_49 = arith.subf %add3A_46, %sub3A : vector<1024x64xf32>
    %ne3A = arith.cmpf one, %sub3A_49, %sub3A_49 : vector<1024x64xf32>
    %add3A_50 = vector.broadcast %custom_jvp_call3A : f32 to vector<1024x64xf32>
    %add3A_51 = arith.addf %add3A_46, %add3A_50 : vector<1024x64xf32>
    %abs3A = math.absf %sub3A_49 : vector<1024x64xf32>
    %neg3A = arith.constant 0.000000e+00 : f32
    %neg3A_52 = vector.broadcast %neg3A : f32 to vector<1024x64xf32>
    %neg3A_53 = arith.subf %neg3A_52, %abs3A : vector<1024x64xf32>
    %exp3A = math.exp %neg3A_53 : vector<1024x64xf32>
    %log1p3A = math.log1p %exp3A : vector<1024x64xf32>
    %add3A_54 = arith.addf %max3A_48, %log1p3A : vector<1024x64xf32>
    %select_n3A = arith.select %ne3A, %add3A_51, %add3A_54 : vector<1024x64xi1>, vector<1024x64xf32>
    %swap3A_55 = arith.constant 0 : index
    %swap3A_56 = arith.constant 0 : index
    %swap3A_57 = vector.load %arg14[%swap3A_55, %swap3A_56] : memref<1024x64xf32, #tpu.memory_space<vmem>>, vector<1024x64xf32>
    tpu.vector_store %arg14[%swap3A_55, %swap3A_56], %select_n3A {strides = array<i32>} : memref<1024x64xf32, #tpu.memory_space<vmem>>, vector<1024x64xf32>,
    %get3A_58 = arith.constant 0 : index
    %get3A_59 = arith.constant 0 : index
    %get3A_60 = vector.load %arg9[%get3A_58, %get3A_59] : memref<128x64xf32, #tpu.memory_space<vmem>>, vector<128x64xf32>
    %dot_general3A_61 = arith.constant dense<0.000000e+00> : vector<1024x64xf32>
    %dot_general3A_62 = tpu.matmul %add3A_24, %get3A_60, %dot_general3A_61 {dimension_numbers = #tpu.dot_dimension_numbers<[1], [0], [0], [1], [0, 0, 1, 1], [], []>, transpose_lhs_hint = false} : vector<1024x128xf32>, vector<128x64xf32>, vector<1024x64xf32> -> vector<1024x64xf32>
    %get3A_63 = arith.constant 0 : index
    %get3A_64 = arith.constant 0 : index
    %get3A_65 = vector.load %arg10[%get3A_63, %get3A_64] : memref<1x64xf32, #tpu.memory_space<vmem>>, vector<1x64xf32>
    %add3A_66 = vector.broadcast %get3A_65 : vector<1x64xf32> to vector<1024x64xf32>
    %add3A_67 = arith.addf %dot_general3A_62, %add3A_66 : vector<1024x64xf32>
    %swap3A_68 = arith.constant 0 : index
    %swap3A_69 = arith.constant 0 : index
    %swap3A_70 = vector.load %arg15[%swap3A_68, %swap3A_69] : memref<1024x64xf32, #tpu.memory_space<vmem>>, vector<1024x64xf32>
    tpu.vector_store %arg15[%swap3A_68, %swap3A_69], %add3A_67 {strides = array<i32>} : memref<1024x64xf32, #tpu.memory_space<vmem>>, vector<1024x64xf32>,
    %get3A_71 = arith.constant 0 : index
    %get3A_72 = arith.constant 0 : index
    %get3A_73 = vector.load %arg11[%get3A_71, %get3A_72] : memref<128x64xf32, #tpu.memory_space<vmem>>, vector<128x64xf32>
    %dot_general3A_74 = arith.constant dense<0.000000e+00> : vector<1024x64xf32>
    %dot_general3A_75 = tpu.matmul %add3A_24, %get3A_73, %dot_general3A_74 {dimension_numbers = #tpu.dot_dimension_numbers<[1], [0], [0], [1], [0, 0, 1, 1], [], []>, transpose_lhs_hint = false} : vector<1024x128xf32>, vector<128x64xf32>, vector<1024x64xf32> -> vector<1024x64xf32>
    %get3A_76 = arith.constant 0 : index
    %get3A_77 = arith.constant 0 : index
    %get3A_78 = vector.load %arg12[%get3A_76, %get3A_77] : memref<1x64xf32, #tpu.memory_space<vmem>>, vector<1x64xf32>
    %add3A_79 = vector.broadcast %get3A_78 : vector<1x64xf32> to vector<1024x64xf32>
    %add3A_80 = arith.addf %dot_general3A_75, %add3A_79 : vector<1024x64xf32>
    %custom_jvp_call3A_81 = arith.constant 0.000000e+00 : f32
    %max3A_82 = vector.broadcast %custom_jvp_call3A_81 : f32 to vector<1024x64xf32>
    %max3A_83 = arith.maximumf %add3A_80, %max3A_82 : vector<1024x64xf32>
    %sub3A_84 = vector.broadcast %custom_jvp_call3A_81 : f32 to vector<1024x64xf32>
    %sub3A_85 = arith.subf %add3A_80, %sub3A_84 : vector<1024x64xf32>
    %ne3A_86 = arith.cmpf one, %sub3A_85, %sub3A_85 : vector<1024x64xf32>
    %add3A_87 = vector.broadcast %custom_jvp_call3A_81 : f32 to vector<1024x64xf32>
    %add3A_88 = arith.addf %add3A_80, %add3A_87 : vector<1024x64xf32>
    %abs3A_89 = math.absf %sub3A_85 : vector<1024x64xf32>
    %neg3A_90 = arith.constant 0.000000e+00 : f32
    %neg3A_91 = vector.broadcast %neg3A_90 : f32 to vector<1024x64xf32>
    %neg3A_92 = arith.subf %neg3A_91, %abs3A_89 : vector<1024x64xf32>
    %exp3A_93 = math.exp %neg3A_92 : vector<1024x64xf32>
    %log1p3A_94 = math.log1p %exp3A_93 : vector<1024x64xf32>
    %add3A_95 = arith.addf %max3A_83, %log1p3A_94 : vector<1024x64xf32>
    %select_n3A_96 = arith.select %ne3A_86, %add3A_88, %add3A_95 : vector<1024x64xi1>, vector<1024x64xf32>
    %swap3A_97 = arith.constant 0 : index
    %swap3A_98 = arith.constant 0 : index
    %swap3A_99 = vector.load %arg16[%swap3A_97, %swap3A_98] : memref<1024x64xf32, #tpu.memory_space<vmem>>, vector<1024x64xf32>
    tpu.vector_store %arg16[%swap3A_97, %swap3A_98], %select_n3A_96 {strides = array<i32>} : memref<1024x64xf32, #tpu.memory_space<vmem>>, vector<1024x64xf32>,
    return
  }
  func.func @transform_0(%arg0: i32) -> (i32, i32, i32) {
    %c0_i32 = arith.constant 0 : i32
    %c0_i32_0 = arith.constant 0 : i32
    %c0_i32_1 = arith.constant 0 : i32
    return %c0_i32, %arg0, %c0_i32_0 : i32, i32, i32
  }
  func.func @transform_1(%arg0: i32) -> (i32, i32) {
    %c0_i32 = arith.constant 0 : i32
    %c0_i32_0 = arith.constant 0 : i32
    return %c0_i32, %arg0 : i32, i32
  }
  func.func @transform_2(%arg0: i32) -> (i32, i32) {
    %c0_i32 = arith.constant 0 : i32
    %c0_i32_0 = arith.constant 0 : i32
    %c0_i32_1 = arith.constant 0 : i32
    return %c0_i32, %c0_i32_0 : i32, i32
  }
  func.func @transform_3(%arg0: i32) -> (i32, i32) {
    %c0_i32 = arith.constant 0 : i32
    %c0_i32_0 = arith.constant 0 : i32
    %c0_i32_1 = arith.constant 0 : i32
    return %c0_i32, %c0_i32_0 : i32, i32
  }
  func.func @transform_4(%arg0: i32) -> (i32, i32) {
    %c0_i32 = arith.constant 0 : i32
    %c0_i32_0 = arith.constant 0 : i32
    %c0_i32_1 = arith.constant 0 : i32
    return %c0_i32, %c0_i32_0 : i32, i32
  }
  func.func @transform_5(%arg0: i32) -> (i32, i32) {
    %c0_i32 = arith.constant 0 : i32
    %c0_i32_0 = arith.constant 0 : i32
    %c0_i32_1 = arith.constant 0 : i32
    return %c0_i32, %c0_i32_0 : i32, i32
  }
  func.func @transform_6(%arg0: i32) -> (i32, i32) {
    %c0_i32 = arith.constant 0 : i32
    %c0_i32_0 = arith.constant 0 : i32
    %c0_i32_1 = arith.constant 0 : i32
    return %c0_i32, %c0_i32_0 : i32, i32
  }
  func.func @transform_7(%arg0: i32) -> (i32, i32) {
    %c0_i32 = arith.constant 0 : i32
    %c0_i32_0 = arith.constant 0 : i32
    %c0_i32_1 = arith.constant 0 : i32
    return %c0_i32, %c0_i32_0 : i32, i32
  }
  func.func @transform_8(%arg0: i32) -> (i32, i32) {
    %c0_i32 = arith.constant 0 : i32
    %c0_i32_0 = arith.constant 0 : i32
    %c0_i32_1 = arith.constant 0 : i32
    return %c0_i32, %c0_i32_0 : i32, i32
  }
  func.func @transform_9(%arg0: i32) -> (i32, i32) {
    %c0_i32 = arith.constant 0 : i32
    %c0_i32_0 = arith.constant 0 : i32
    %c0_i32_1 = arith.constant 0 : i32
    return %c0_i32, %c0_i32_0 : i32, i32
  }
  func.func @transform_10(%arg0: i32) -> (i32, i32) {
    %c0_i32 = arith.constant 0 : i32
    %c0_i32_0 = arith.constant 0 : i32
    %c0_i32_1 = arith.constant 0 : i32
    return %c0_i32, %c0_i32_0 : i32, i32
  }
  func.func @transform_11(%arg0: i32) -> (i32, i32) {
    %c0_i32 = arith.constant 0 : i32
    %c0_i32_0 = arith.constant 0 : i32
    %c0_i32_1 = arith.constant 0 : i32
    return %c0_i32, %c0_i32_0 : i32, i32
  }
  func.func @transform_12(%arg0: i32) -> (i32, i32) {
    %c0_i32 = arith.constant 0 : i32
    %c0_i32_0 = arith.constant 0 : i32
    return %arg0, %c0_i32 : i32, i32
  }
  func.func @transform_13(%arg0: i32) -> (i32, i32) {
    %c0_i32 = arith.constant 0 : i32
    %c0_i32_0 = arith.constant 0 : i32
    return %arg0, %c0_i32 : i32, i32
  }
  func.func @transform_14(%arg0: i32) -> (i32, i32) {
    %c0_i32 = arith.constant 0 : i32
    %c0_i32_0 = arith.constant 0 : i32
    return %arg0, %c0_i32 : i32, i32
  }
  func.func @transform_15(%arg0: i32) -> (i32, i32) {
    %c0_i32 = arith.constant 0 : i32
    %c0_i32_0 = arith.constant 0 : i32
    return %arg0, %c0_i32 : i32, i32
  }
}

</mosaic_0001>

<sc_bundles>
// kernel: kernel.6.cloned.1.call-start
scs
__scs_entry_jumppad:
0x0: {  	(pc) =	sbr.rel $0x88, $3  }
0x1: {  	(tag) =	ssettag $0x0;
	lr =	simm.s32 $0x1  }
0x2: {  	[smem:$0x3F8E] =	sst lr;
	_ =	strace $0xD0000000  }
0x3: {  	_ = 	snop  }
0x4: {  	_ = 	snop  }
0x5: {  	_ = 	snop  }
0x6: {  	_ = 	snop  }
0x7: {  	_ = 	snop  }
__scs_overlays_trampoline_lowered:
0x8: {  	[smem:$0x3F9D] =	sst s0  }
0x9: {  	[smem:$0x3F9E] =	sst s1  }
0xa: {  	[smem:$0x3F9F] =	sst s2  }
0xb: {  	[smem:$0x3FA0] =	sst s3  }
0xc: {  	[smem:$0x3FA1] =	sst s4  }
0xd: {  	[smem:$0x3FA2] =	sst s5  }
0xe: {  	[smem:$0x3FA3] =	sst s6  }
0xf: {  	[smem:$0x3FA4] =	sst s7  }
0x10: {  	[smem:$0x3FA5] =	sst s8  }
0x11: {  	[smem:$0x3FA6] =	sst s9;
	s0 =	simm.s32 @!p0 $0x0  }
0x12: {  	s1 =	sld [smem:$0x3F8C];
	s0 =	simm.s32 @p0 $0x1  }
0x13: {  	[smem:$0x3FA7] =	sst s0;
	s0 =	simm.s32 @!p1 $0x0  }
0x14: {  	s2 =	sld [smem:$0x3F8B];
	s0 =	simm.s32 @p1 $0x1  }
0x15: {  	[smem:$0x3FA8] =	sst s0;
	s0 =	simm.s32 @!p2 $0x0  }
0x16: {  	s3 =	sld [smem:$0x3FDB];
	s0 =	simm.s32 @p2 $0x1  }
0x17: {  	s4 =	simm.s32 $0x1BF5;
	[smem:$0x3FAA] =	sst s0  }
0x18: {  	s0 =	sld [smem:$0x3F8D];
	_ =	swait.ge [sflag:s4], $0x0  }
0x19: {  	s7 =	sld [smem:$0x3F8E]  }
0x1a: {  	s8 =	sadd.s32 $0xFFFFE003, lr  }
0x1b: {  	s9 =	sadd.s32 $0xFFFFFEF7, lr;
	s5 =	simm.s32 $0xFFFFFFFF;
	p2 =	slt.u32 s8, $0xFFFFF086  }
0x1c: {  	p1 =	slt.u32 s9, $0xF7A;
	s5 =	simm.s32 @!p2 $0x0  }
0x1d: {  	s5 =	simm.s32 @p1 $0x1;
	p0 =	seq.s32 s7, s2  }
0x1e: {  	s7 =	smul.u32 @!p0 $0xF7A, s2;
	p2 =	seq.s32 @!p0 s5, $0x0  }
0x1f: {  	s9 =	smul.u32 $0xF7A, s1;
	s8 =	simm.s32 @!p0 $0x1BF5;
	p2 =	por !p2, p0  }
0x20: {  	[sflag:s8] =	ssyncset.s32 @!p0 $0xFFFFF086;
	s6 =	sadd.s32 @!p0 s3, s7;
	s7 =	simm.s32 @!p0 $0x108  }
0x21: {  	s3 =	sadd.s32 s3, s9;
	s6 =	sadd.s32 @!p0 $0x88, s6;
	s7 =	simm.s32 @p2 $0x1082  }
0x22: {  	[simem:s7], [sflag:s8] =	dma.local @!p0 [hbm:s6], $0xF7A  }
0x23: {  	s9 =	sor.u32 $0xD0000000, s2;
	s6 =	simm.s32 $0x108;
	_ =	swait.ge @!p0 [sflag:s8], $0x0  }
0x24: {  	s3 =	sadd.s32 $0x88, s3;
	s6 =	simm.s32 @!p1 $0x1082;
	[sflag:s4] =	ssyncset.s32 $0xFFFFF086  }
0x25: {  	[simem:s6], [sflag:s4] =	dma.local [hbm:s3], $0xF7A  }
0x26: {  	[smem:$0x3F8E] =	sst s1;
	(tag) =	ssettag s2;
	_ =	strace s9  }
0x27: {  	s1 =	sld [smem:$0x3F9E]  }
0x28: {  	s2 =	sld [smem:$0x3F9F]  }
0x29: {  	s4 =	sld [smem:$0x3FA1]  }
0x2a: {  	p0 =	seq.s32 s5, $0x0;
	s5 =	sld [smem:$0x3FA2]  }
0x2b: {  	s6 =	sld [smem:$0x3FA3]  }
0x2c: {  	s7 =	sld [smem:$0x3FA4]  }
0x2d: {  	s3 =	simm.s32 $0x108;
	s8 =	sld [smem:$0x3FA5]  }
0x2e: {  	s3 =	simm.s32 @!p0 $0x1082;
	s9 =	sld [smem:$0x3FA6]  }
0x2f: {  	lr =	sadd.s32 s0, s3;
	s0 =	sld [smem:$0x3F9D]  }
0x30: {  	s3 =	sld [smem:$0x3FA0]  }
0x31: {  	[smem:$0x3FA9] =	sst s10  }
0x32: {  	s10 =	sld [smem:$0x3FA7];
	_ =	sdelay $0x3  }
0x33: {  	p0 =	seq.s32 s10, $0x1;
	s10 =	sld [smem:$0x3FA9];
	_ =	sdelay $0x3  }
0x34: {  	[smem:$0x3FA9] =	sst s10  }
0x35: {  	s10 =	sld [smem:$0x3FA8];
	_ =	sdelay $0x3  }
0x36: {  	p1 =	seq.s32 s10, $0x1;
	s10 =	sld [smem:$0x3FA9];
	_ =	sdelay $0x3  }
0x37: {  	[smem:$0x3FA9] =	sst s10  }
0x38: {  	s10 =	sld [smem:$0x3FAA]  }
0x39: {  	_ = 	snop;
	(pc) =	sbr.ind lr, $3  }
0x3a: {  	_ = 	snop  }
0x3b: {  	_ = 	snop  }
0x3c: {  	p2 =	seq.s32 s10, $0x1;
	s10 =	sld [smem:$0x3FA9]  }
0x3d: {  	_ =	shalt  }
0x3e: {  	_ =	shalt  }
0x3f: {  	_ =	shalt  }
0x40: {  	_ =	shalt  }
0x41: {  	_ =	shalt  }
0x42: {  	_ =	shalt  }
0x43: {  	_ =	shalt  }
0x44: {  	_ =	shalt  }
0x45: {  	_ =	shalt  }
0x46: {  	_ =	shalt  }
0x47: {  	_ =	shalt  }
0x48: {  	_ =	shalt  }
0x49: {  	_ =	shalt  }
0x4a: {  	_ =	shalt  }
0x4b: {  	_ =	shalt  }
0x4c: {  	_ =	shalt  }
0x4d: {  	_ =	shalt  }
0x4e: {  	_ =	shalt  }
0x4f: {  	_ =	shalt  }
0x50: {  	_ =	shalt  }
0x51: {  	_ =	shalt  }
0x52: {  	_ =	shalt  }
0x53: {  	_ =	shalt  }
0x54: {  	_ =	shalt  }
0x55: {  	_ =	shalt  }
0x56: {  	_ =	shalt  }
0x57: {  	_ =	shalt  }
0x58: {  	_ =	shalt  }
0x59: {  	_ =	shalt  }
0x5a: {  	_ =	shalt  }
0x5b: {  	_ =	shalt  }
0x5c: {  	_ =	shalt  }
0x5d: {  	_ =	shalt  }
0x5e: {  	_ =	shalt  }
0x5f: {  	_ =	shalt  }
0x60: {  	_ =	shalt  }
0x61: {  	_ =	shalt  }
0x62: {  	_ =	shalt  }
0x63: {  	_ =	shalt  }
0x64: {  	_ =	shalt  }
0x65: {  	_ =	shalt  }
0x66: {  	_ =	shalt  }
0x67: {  	_ =	shalt  }
0x68: {  	_ =	shalt  }
0x69: {  	_ =	shalt  }
0x6a: {  	_ =	shalt  }
0x6b: {  	_ =	shalt  }
0x6c: {  	_ =	shalt  }
0x6d: {  	_ =	shalt  }
0x6e: {  	_ =	shalt  }
0x6f: {  	_ =	shalt  }
0x70: {  	_ =	shalt  }
0x71: {  	_ =	shalt  }
0x72: {  	_ =	shalt  }
0x73: {  	_ =	shalt  }
0x74: {  	_ =	shalt  }
0x75: {  	_ =	shalt  }
0x76: {  	_ =	shalt  }
0x77: {  	_ =	shalt  }
0x78: {  	_ =	shalt  }
0x79: {  	_ =	shalt  }
0x7a: {  	_ =	shalt  }
0x7b: {  	_ =	shalt  }
0x7c: {  	_ =	shalt  }
0x7d: {  	_ =	shalt  }
0x7e: {  	_ =	shalt  }
0x7f: {  	_ =	shalt  }
0x80: {  	_ =	shalt  }
0x81: {  	_ =	shalt  }
0x82: {  	_ =	shalt  }
0x83: {  	_ =	shalt  }
0x84: {  	_ =	shalt  }
0x85: {  	_ =	shalt  }
0x86: {  	_ =	shalt  }
0x87: {  	_ =	shalt  }
.Lfunc_end0:
.L_simem_size_0:
called_computation_lowered:
.L_overlay_start_0:
0x88: {  	s2 =	sld [smem:$0x3FD9]  }
0x89: {  	s3 =	sld [smem:$0x3FFE];
	_ =	sdelay $0x1  }
0x8a: {  	s1 =	srdreg.scid  }
0x8b: {  	s0 =	sand.u32 $0x1, s1  }
0x8c: {  	s14 =	sshll.u32 s0, $0xA;
	s2 =	sadd.s32 s3, s2  }
0x8d: {  	s2 =	sadd.s32 s2, s14  }
0x8e: {  	[smem:$0x3FB5] =	sst s2  }
0x8f: {  	_ = 	snop  }
0x90: {  	s2 =	sld [smem:$0x3FD0];
	_ =	sdelay $0x2  }
0x91: {  	s15 =	simm.s32 $0xA;
	s4 =	simm.s32 $0x10  }
0x92: {  	[smem:s4], [sflag:s15] =	dma.local [hbm:s2], $0x1  }
0x93: {  	_ =	swait.eq [sflag:s15], $0x1  }
0x94: {  	[sflag:s15] =	ssyncset.done $0x0  }
0x95: {  	s16 =	sld [smem:$0x10];
	[sflag:s15] =	ssyncadd.s32 $0xFFFFFFFF  }
0x96: {  	s17 =	sld [smem:$0x13];
	(tm) =	ssettm $0x1  }
0x97: {  	s18 =	sld [smem:$0x3FFB];
	_ =	sdelay $0x3  }
0x98: {  	_ =	strace s18  }
0x99: {  	s4 =	sld [smem:$0x3FFC];
	_ =	sdelay $0x3  }
0x9a: {  	_ =	strace s4  }
0x9b: {  	s4 =	sld [smem:$0x3FFD];
	_ =	sdelay $0x3  }
0x9c: {  	_ =	strace s4  }
0x9d: {  	_ =	strace $0x8FFFFFFF  }
0x9e: {  	s19 =	sld [smem:$0x3FDB];
	_ =	sdelay $0x1  }
0x9f: {  	s5 =	simm.s32 $_scs_section_size  }
0xa0: {  	s6 =	simm.s32 $_size__tile_overlayer_lowered;
	s7 =	simm.s32 $_tile_overlayer_lowered  }
0xa1: {  	s22 =	simm.s32 $0x1BFF;
	s21 =	sshll.u32 s7, $0x1;
	s4 =	sadd.s32 s5, s19  }
0xa2: {  	s8 =	simm.s32 $0x0;
	s20 =	sshll.u32 s6, $0x1;
	s6 =	sadd.s32 s21, s4  }
0xa3: {  	[timem:s8], [sflag:s22] =	dma.local [hbm:s6], s20  }
0xa4: {  	_ =	swait.ge [sflag:s22], s20  }
0xa5: {  	s5 =	ssub.s32 $0x0, s20;
	[sflag:s22] =	ssyncset.done $0x0  }
0xa6: {  	[sflag:s22] =	ssyncadd.s32 s5;
	_ =	sdelay $0x1  }
0xa7: {  	s23 =	simm.s32 $0x1B8B  }
0xa8: {  	_ =	swait.ge [sflag:s23], $0x1  }
0xa9: {  	[sflag:s23] =	ssyncset.done $0x0  }
0xaa: {  	s25 =	simm.s32 $0x1B8E;
	s24 =	sld [smem:$0x3FFE];
	[sflag:s23] =	ssyncadd.s32 $0xFFFFFFFF  }
0xab: {  	s26 =	simm.s32 $execute0_lowered;
	[smem:$0x3FD2] =	sst s25  }
0xac: {  	s6 =	sshll.u32 s26, $0x1;
	_ =	strace $0x80000046;
	[dreg:$0x1] =	wrdreg $0xFFFFFFFF  }
0xad: {  	s28 =	simm.s32 $_size_execute0_lowered;
	s4 =	sadd.s32 s4, s6;
	[dreg:$0x0] =	wrdreg $0x0  }
0xae: {  	s6 =	sshll.u32 s28, $0x1;
	[dreg:$0x2] =	wrdreg s4  }
0xaf: {  	[dreg:$0x3] =	wrdreg s6  }
0xb0: {  	[dreg:$0x4] =	wrdreg $0xC0  }
0xb1: {  	_ =	task [dreg:s8], $0x5FFFF  }
0xb2: {  	[dreg:$0x1] =	wrdreg $0xFFFFFFFF  }
0xb3: {  	[dreg:$0x0] =	wrdreg $0x60  }
0xb4: {  	[dreg:$0x2] =	wrdreg s17  }
0xb5: {  	[dreg:$0x3] =	wrdreg s16  }
0xb6: {  	[dreg:$0x4] =	wrdreg s24  }
0xb7: {  	[dreg:$0x5] =	wrdreg $0x9  }
0xb8: {  	_ =	task.clear_ibuf [dreg:s8], $0x6FFFF;
	_ =	strace $0x90000046  }
0xb9: {  	s29 =	simm.s32 $0x9;
	_ =	strace $0x80000048  }
0xba: {  	_ =	swait.ge [sflag:s29], $0x1  }
0xbb: {  	[sflag:s29] =	ssyncadd.s32 $0xFFFFFFFF  }
0xbc: {  	_ =	strace $0x90000048  }
0xbd: {  	_ =	sfence  }
0xbe: {  	s30 =	sld [smem:$0x0];
	_ =	sdelay $0x2  }
0xbf: {  	s31 =	sshll.u32 s1, $0xD;
	s1 =	sshrl.u32 s1, $0x2  }
0xc0: {  	s3 =	sand.u32 $0x4000, s31;
	s1 =	sadd.s32 s1, s30  }
0xc1: {  	s0 =	sor.u32 s3, s0;
	s1 =	sshll.u32 s1, $0x11  }
0xc2: {  	s0 =	sor.u32 s1, s0  }
0xc3: {  	s0 =	sadd.s32 $0x8F2B, s0  }
0xc4: {  	[sflag:s0] =	ssyncadd.remote.s32 $0x1  }
0xc5: {  	_ =	sfence.sel $0xFFFF  }
0xc6: {  	[dreg:$0x0] =	wrdreg $0xFFFFFFFF;
	(pc) =	sbr.abs _section_cstart, $3  }
0xc7: {  	[dreg:$0x1] =	wrdreg $0xFFFFFFFF  }
0xc8: {  	_ =	task.clear_ibuf [dreg:s8], $0x2FFFF;
	_ =	strace $0x9FFFFFFF  }
0xc9: {  	(tm) =	ssettm $0x7FFFFFFF  }
tec
execute0_lowered:
.L_overlay_start_1:
0x0: {  	(tag) =	ssettag $0x1  }
0x1: {  	s3 =	rddreg [dreg:$0x0]  }
0x2: {  	s0 =	srdreg.scid;
	s5 =	rddreg [dreg:$0x1]  }
0x3: {  	s6 =	rddreg [dreg:$0x2];
	s4 =	sand.u32 $0x1, s0  }
0x4: {  	s2 =	simm.s32 $0x0;
	s0 =	stileid.u32;
	s1 =	sshll.u32 s4, $0x4  }
0x5: {  	s10 =	simm.s32 $0x4E20;
	s11 =	simm.s32 $0x7620;
	s7 =	sor.u32 s0, s1  }
0x6: {  	s12 =	simm.s32 $0x0;
	s4 =	ssub.s32 $0x2, s4;
	s8 =	smul.u32 $0x2710, s7  }
0x7: {  	[smem:$0x7FF] =	sst s2;
	s9 =	sshrl.u32 s4, $0x1;
	s7 =	smul.u32 $0x500, s7  }
0x8: {  	s1 =	rddreg [dreg:$0x3];
	_ =	strace $0x80000047;
	s9 =	ssub.s32 s4, s9  }
0x9: {  	s8 =	sshrl.u32 s8, $0x3;
	s6 =	sadd.s32 s7, s6;
	s5 =	sadd.s32 s5, s7  }
0xa: {  	s7 =	smax.u32 s9, $0x1;
	s9 =	simm.s32 $0x2710;
	s3 =	sadd.s32 s3, s8  }
0xb: {  	v0 =	vimm.f32 $0.0e+00;
	v1 =	vimm.f32 $1.000000000e+00;
	s6 =	sadd.s32 $0x3E00, s6;
	s8 =	simm.s32 $0x1;
	s4 =	sadd.s32 $0x9C40, s3  }
.LBB2_1:
0xc: {  	[tilespmem:s2], [sflag:$0x1] =	stream.linear.gather [hbm4b:s3+s2], $0x2710, $0x38;
	[tilespmem:$0x9E20] =	vst v63  }
0xd: {  	_ =	swait.ge [sflag:s8], $0x2710  }
0xe: {  	[sflag:s8] =	ssyncset.done $0x0  }
0xf: {  	[sflag:s8] =	ssyncadd.s32 $0xFFFFD8F0  }
0x10: {  	[tilespmem:s9], [sflag:$0x1] =	stream.linear.gather [hbm4b:s4+s2], $0x2710, $0x38;
	[tilespmem:$0x9E20] =	vst v63  }
0x11: {  	_ =	swait.ge [sflag:s8], $0x2710  }
0x12: {  	[sflag:s8] =	ssyncset.done $0x0  }
0x13: {  	s13 =	simm.s32 $0x0;
	[sflag:s8] =	ssyncadd.s32 $0xFFFFD8F0  }
.LBB2_2:
0x14: {  	p0 =	sne.s32 s13, $0x9FC0  }
.Ltmp0:
0x15: {  	_ = 	snop;
	(pc) =	sbr.rel @p0 .LBB2_2-.Ltmp0, $4  }
0x16: {  	_ = 	snop  }
0x17: {  	s14 =	sshra.s32 s13, $0x2  }
0x18: {  	[tilespmem:s14+$0x4E20] =	vst v0  }
0x19: {  	s13 =	sadd.s32 $0x40, s13;
	[tilespmem:s14+$0x7620] =	vst v0  }
0x1a: {  	s14 =	simm.s32 $0x0  }
0x1b: {  	s13 =	simm.s32 $0x40;
	v2 =	vld [tilespmem:s14+$0x0]  }
.LBB2_4:
0x1c: {  	p0 =	sne.s32 s13, $0x9C00;
	v3 =	vld [tilespmem:s14+$0x2710];
	_ =	sdelay $0x4  }
.Ltmp1:
0x1d: {  	(pc) =	sbr.rel @p0 .LBB2_4-.Ltmp1, $4  }
0x1e: {  	_ = 	snop  }
0x1f: {  	[tilespmem:v2+s10+$0x0] =	vst.idx.add.f32.msk $0xffff, v1  }
0x20: {  	s14 =	sshra.s32 s13, $0x2;
	[tilespmem:v3+s11+$0x0] =	vst.idx.add.f32.msk $0xffff, v1  }
0x21: {  	s13 =	sadd.s32 $0x40, s13;
	v2 =	vld [tilespmem:s14+$0x0]  }
0x22: {  	_ = 	snop  }
0x23: {  	v3 =	vld [tilespmem:s14+$0x2710];
	_ =	sdelay $0x6  }
0x24: {  	[tilespmem:v2+s10+$0x0] =	vst.idx.add.f32.msk $0xffff, v1  }
0x25: {  	[tilespmem:v3+s11+$0x0] =	vst.idx.add.f32.msk $0xffff, v1  }
0x26: {  	[hbm4b:s5+s2] =	stream.linear.scatter [tilespmem:s10], [sflag:$0x1], $0x2800, $0x38;
	[tilespmem:$0x9E20] =	vst v63  }
0x27: {  	s12 =	sadd.s32 $0x1, s12;
	_ =	swait.ge [sflag:s8], $0x2800  }
0x28: {  	p0 =	sne.s32 s12, s7;
	[sflag:s8] =	ssyncset.done $0x0  }
.Ltmp2:
0x29: {  	[sflag:s8] =	ssyncadd.s32 $0xFFFFD800;
	(pc) =	sbr.rel @p0 .LBB2_1-.Ltmp2, $4  }
0x2a: {  	[hbm4b:s6+s2] =	stream.linear.scatter [tilespmem:s11], [sflag:$0x1], $0x2800, $0x38;
	[tilespmem:$0x9E20] =	vst v63  }
0x2b: {  	_ =	swait.ge [sflag:s8], $0x2800  }
0x2c: {  	[sflag:s8] =	ssyncset.done $0x0  }
0x2d: {  	[sflag:s8] =	ssyncadd.s32 $0xFFFFD800  }
0x2e: {  	_ =	sfence.sel $0x180000  }
0x2f: {  	[bflag:$0x0] =	sbarrier.arrive $0xFFFF  }
0x30: {  	p0 =	sne.s32 s0, $0x0;
	_ =	strace $0x90000047  }
0x31: {  	s0 =	sadd.s32 @!p0 $0x100000, s1;
	[bflag:$0x2] =	sbarrier.arrive $0xFFFF  }
0x32: {  	[sflag:s0] =	ssyncadd.tile.s32 @!p0 $0x1;
	_ =	shalt  }
.Lfunc_end2:
_tile_overlayer_lowered:
.L_overlay_start_2:
0x33: {  	(tag) =	ssettag $0x2  }
0x34: {  	s0 =	rddreg [dreg:$0x0];
	s2 =	stileid.u32  }
0x35: {  	s1 =	rddreg [dreg:$0x1];
	p0 =	sne.s32 s2, $0x0  }
0x36: {  	s3 =	rddreg [dreg:$0x2];
	[bflag:$0x3] =	sbarrier.arrive $0xFFFF;
	s2 =	simm.s32 @!p0 $0x1C01  }
0x37: {  	[timem:s3], [sflag:s2] =	dma.local @!p0 [hbm:s0], s1  }
0x38: {  	s0 =	simm.s32 @!p0 $0x1  }
0x39: {  	_ =	swait.ge @!p0 [sflag:s0], s1  }
0x3a: {  	s1 =	ssub.s32 @!p0 $0x0, s1;
	[sflag:s0] =	ssyncset.done @!p0 $0x0  }
0x3b: {  	[sflag:s0] =	ssyncadd.s32 @!p0 s1  }
0x3c: {  	[bflag:$0x3] =	sbarrier.arrive $0xFFFF  }
0x3d: {  	_ =	shalt  }

// kernel: kernel.9.cloned.1.call-start
scs
__scs_entry_jumppad:
0x0: {  	(pc) =	sbr.rel $0x88, $3  }
0x1: {  	(tag) =	ssettag $0x0;
	lr =	simm.s32 $0x1  }
0x2: {  	[smem:$0x3F8E] =	sst lr;
	_ =	strace $0xD0000000  }
0x3: {  	_ = 	snop  }
0x4: {  	_ = 	snop  }
0x5: {  	_ = 	snop  }
0x6: {  	_ = 	snop  }
0x7: {  	_ = 	snop  }
__scs_overlays_trampoline_lowered:
0x8: {  	[smem:$0x3F9D] =	sst s0  }
0x9: {  	[smem:$0x3F9E] =	sst s1  }
0xa: {  	[smem:$0x3F9F] =	sst s2  }
0xb: {  	[smem:$0x3FA0] =	sst s3  }
0xc: {  	[smem:$0x3FA1] =	sst s4  }
0xd: {  	[smem:$0x3FA2] =	sst s5  }
0xe: {  	[smem:$0x3FA3] =	sst s6  }
0xf: {  	[smem:$0x3FA4] =	sst s7  }
0x10: {  	[smem:$0x3FA5] =	sst s8  }
0x11: {  	[smem:$0x3FA6] =	sst s9;
	s0 =	simm.s32 @!p0 $0x0  }
0x12: {  	s1 =	sld [smem:$0x3F8C];
	s0 =	simm.s32 @p0 $0x1  }
0x13: {  	[smem:$0x3FA7] =	sst s0;
	s0 =	simm.s32 @!p1 $0x0  }
0x14: {  	s2 =	sld [smem:$0x3F8B];
	s0 =	simm.s32 @p1 $0x1  }
0x15: {  	[smem:$0x3FA8] =	sst s0;
	s0 =	simm.s32 @!p2 $0x0  }
0x16: {  	s3 =	sld [smem:$0x3FDB];
	s0 =	simm.s32 @p2 $0x1  }
0x17: {  	s4 =	simm.s32 $0x1BF5;
	[smem:$0x3FAA] =	sst s0  }
0x18: {  	s0 =	sld [smem:$0x3F8D];
	_ =	swait.ge [sflag:s4], $0x0  }
0x19: {  	s7 =	sld [smem:$0x3F8E]  }
0x1a: {  	s8 =	sadd.s32 $0xFFFFE003, lr  }
0x1b: {  	s9 =	sadd.s32 $0xFFFFFEF7, lr;
	s5 =	simm.s32 $0xFFFFFFFF;
	p2 =	slt.u32 s8, $0xFFFFF086  }
0x1c: {  	p1 =	slt.u32 s9, $0xF7A;
	s5 =	simm.s32 @!p2 $0x0  }
0x1d: {  	s5 =	simm.s32 @p1 $0x1;
	p0 =	seq.s32 s7, s2  }
0x1e: {  	s7 =	smul.u32 @!p0 $0xF7A, s2;
	p2 =	seq.s32 @!p0 s5, $0x0  }
0x1f: {  	s9 =	smul.u32 $0xF7A, s1;
	s8 =	simm.s32 @!p0 $0x1BF5;
	p2 =	por !p2, p0  }
0x20: {  	[sflag:s8] =	ssyncset.s32 @!p0 $0xFFFFF086;
	s6 =	sadd.s32 @!p0 s3, s7;
	s7 =	simm.s32 @!p0 $0x108  }
0x21: {  	s3 =	sadd.s32 s3, s9;
	s6 =	sadd.s32 @!p0 $0x88, s6;
	s7 =	simm.s32 @p2 $0x1082  }
0x22: {  	[simem:s7], [sflag:s8] =	dma.local @!p0 [hbm:s6], $0xF7A  }
0x23: {  	s9 =	sor.u32 $0xD0000000, s2;
	s6 =	simm.s32 $0x108;
	_ =	swait.ge @!p0 [sflag:s8], $0x0  }
0x24: {  	s3 =	sadd.s32 $0x88, s3;
	s6 =	simm.s32 @!p1 $0x1082;
	[sflag:s4] =	ssyncset.s32 $0xFFFFF086  }
0x25: {  	[simem:s6], [sflag:s4] =	dma.local [hbm:s3], $0xF7A  }
0x26: {  	[smem:$0x3F8E] =	sst s1;
	(tag) =	ssettag s2;
	_ =	strace s9  }
0x27: {  	s1 =	sld [smem:$0x3F9E]  }
0x28: {  	s2 =	sld [smem:$0x3F9F]  }
0x29: {  	s4 =	sld [smem:$0x3FA1]  }
0x2a: {  	p0 =	seq.s32 s5, $0x0;
	s5 =	sld [smem:$0x3FA2]  }
0x2b: {  	s6 =	sld [smem:$0x3FA3]  }
0x2c: {  	s7 =	sld [smem:$0x3FA4]  }
0x2d: {  	s3 =	simm.s32 $0x108;
	s8 =	sld [smem:$0x3FA5]  }
0x2e: {  	s3 =	simm.s32 @!p0 $0x1082;
	s9 =	sld [smem:$0x3FA6]  }
0x2f: {  	lr =	sadd.s32 s0, s3;
	s0 =	sld [smem:$0x3F9D]  }
0x30: {  	s3 =	sld [smem:$0x3FA0]  }
0x31: {  	[smem:$0x3FA9] =	sst s10  }
0x32: {  	s10 =	sld [smem:$0x3FA7];
	_ =	sdelay $0x3  }
0x33: {  	p0 =	seq.s32 s10, $0x1;
	s10 =	sld [smem:$0x3FA9];
	_ =	sdelay $0x3  }
0x34: {  	[smem:$0x3FA9] =	sst s10  }
0x35: {  	s10 =	sld [smem:$0x3FA8];
	_ =	sdelay $0x3  }
0x36: {  	p1 =	seq.s32 s10, $0x1;
	s10 =	sld [smem:$0x3FA9];
	_ =	sdelay $0x3  }
0x37: {  	[smem:$0x3FA9] =	sst s10  }
0x38: {  	s10 =	sld [smem:$0x3FAA]  }
0x39: {  	_ = 	snop;
	(pc) =	sbr.ind lr, $3  }
0x3a: {  	_ = 	snop  }
0x3b: {  	_ = 	snop  }
0x3c: {  	p2 =	seq.s32 s10, $0x1;
	s10 =	sld [smem:$0x3FA9]  }
0x3d: {  	_ =	shalt  }
0x3e: {  	_ =	shalt  }
0x3f: {  	_ =	shalt  }
0x40: {  	_ =	shalt  }
0x41: {  	_ =	shalt  }
0x42: {  	_ =	shalt  }
0x43: {  	_ =	shalt  }
0x44: {  	_ =	shalt  }
0x45: {  	_ =	shalt  }
0x46: {  	_ =	shalt  }
0x47: {  	_ =	shalt  }
0x48: {  	_ =	shalt  }
0x49: {  	_ =	shalt  }
0x4a: {  	_ =	shalt  }
0x4b: {  	_ =	shalt  }
0x4c: {  	_ =	shalt  }
0x4d: {  	_ =	shalt  }
0x4e: {  	_ =	shalt  }
0x4f: {  	_ =	shalt  }
0x50: {  	_ =	shalt  }
0x51: {  	_ =	shalt  }
0x52: {  	_ =	shalt  }
0x53: {  	_ =	shalt  }
0x54: {  	_ =	shalt  }
0x55: {  	_ =	shalt  }
0x56: {  	_ =	shalt  }
0x57: {  	_ =	shalt  }
0x58: {  	_ =	shalt  }
0x59: {  	_ =	shalt  }
0x5a: {  	_ =	shalt  }
0x5b: {  	_ =	shalt  }
0x5c: {  	_ =	shalt  }
0x5d: {  	_ =	shalt  }
0x5e: {  	_ =	shalt  }
0x5f: {  	_ =	shalt  }
0x60: {  	_ =	shalt  }
0x61: {  	_ =	shalt  }
0x62: {  	_ =	shalt  }
0x63: {  	_ =	shalt  }
0x64: {  	_ =	shalt  }
0x65: {  	_ =	shalt  }
0x66: {  	_ =	shalt  }
0x67: {  	_ =	shalt  }
0x68: {  	_ =	shalt  }
0x69: {  	_ =	shalt  }
0x6a: {  	_ =	shalt  }
0x6b: {  	_ =	shalt  }
0x6c: {  	_ =	shalt  }
0x6d: {  	_ =	shalt  }
0x6e: {  	_ =	shalt  }
0x6f: {  	_ =	shalt  }
0x70: {  	_ =	shalt  }
0x71: {  	_ =	shalt  }
0x72: {  	_ =	shalt  }
0x73: {  	_ =	shalt  }
0x74: {  	_ =	shalt  }
0x75: {  	_ =	shalt  }
0x76: {  	_ =	shalt  }
0x77: {  	_ =	shalt  }
0x78: {  	_ =	shalt  }
0x79: {  	_ =	shalt  }
0x7a: {  	_ =	shalt  }
0x7b: {  	_ =	shalt  }
0x7c: {  	_ =	shalt  }
0x7d: {  	_ =	shalt  }
0x7e: {  	_ =	shalt  }
0x7f: {  	_ =	shalt  }
0x80: {  	_ =	shalt  }
0x81: {  	_ =	shalt  }
0x82: {  	_ =	shalt  }
0x83: {  	_ =	shalt  }
0x84: {  	_ =	shalt  }
0x85: {  	_ =	shalt  }
0x86: {  	_ =	shalt  }
0x87: {  	_ =	shalt  }
.Lfunc_end0:
.L_simem_size_0:
called_computation.1_lowered:
.L_overlay_start_0:
0x88: {  	s2 =	sld [smem:$0x3FD9]  }
0x89: {  	s3 =	sld [smem:$0x3FFE];
	_ =	sdelay $0x1  }
0x8a: {  	s1 =	srdreg.scid  }
0x8b: {  	s0 =	sand.u32 $0x1, s1  }
0x8c: {  	s14 =	sshll.u32 s0, $0xA;
	s2 =	sadd.s32 s3, s2  }
0x8d: {  	s2 =	sadd.s32 s2, s14  }
0x8e: {  	[smem:$0x3FB5] =	sst s2  }
0x8f: {  	_ = 	snop  }
0x90: {  	s2 =	sld [smem:$0x3FD0];
	_ =	sdelay $0x2  }
0x91: {  	s15 =	simm.s32 $0xA;
	s4 =	simm.s32 $0x10  }
0x92: {  	[smem:s4], [sflag:s15] =	dma.local [hbm:s2], $0x1  }
0x93: {  	_ =	swait.eq [sflag:s15], $0x1  }
0x94: {  	s16 =	sld [smem:$0x11];
	[sflag:s15] =	ssyncset.done $0x0  }
0x95: {  	s17 =	sld [smem:$0x12];
	[sflag:s15] =	ssyncadd.s32 $0xFFFFFFFF  }
0x96: {  	s18 =	sld [smem:$0x13];
	(tm) =	ssettm $0x1  }
0x97: {  	s5 =	sld [smem:$0x3FFB];
	_ =	sdelay $0x3  }
0x98: {  	_ =	strace s5  }
0x99: {  	s5 =	sld [smem:$0x3FFC];
	_ =	sdelay $0x3  }
0x9a: {  	_ =	strace s5  }
0x9b: {  	s5 =	sld [smem:$0x3FFD];
	_ =	sdelay $0x3  }
0x9c: {  	_ =	strace s5  }
0x9d: {  	_ =	strace $0x8FFFFFFF  }
0x9e: {  	s19 =	sld [smem:$0x3FDB];
	_ =	sdelay $0x1  }
0x9f: {  	s6 =	simm.s32 $_scs_section_size  }
0xa0: {  	s7 =	simm.s32 $_size__tile_overlayer_lowered;
	s8 =	simm.s32 $_tile_overlayer_lowered  }
0xa1: {  	s22 =	simm.s32 $0x1BFF;
	s21 =	sshll.u32 s8, $0x1;
	s5 =	sadd.s32 s6, s19  }
0xa2: {  	s9 =	simm.s32 $0x0;
	s20 =	sshll.u32 s7, $0x1;
	s7 =	sadd.s32 s21, s5  }
0xa3: {  	[timem:s9], [sflag:s22] =	dma.local [hbm:s7], s20  }
0xa4: {  	_ =	swait.ge [sflag:s22], s20  }
0xa5: {  	s6 =	ssub.s32 $0x0, s20;
	[sflag:s22] =	ssyncset.done $0x0  }
0xa6: {  	[sflag:s22] =	ssyncadd.s32 s6;
	_ =	sdelay $0x1  }
0xa7: {  	s23 =	simm.s32 $0x1B8B  }
0xa8: {  	_ =	swait.ge [sflag:s23], $0x1  }
0xa9: {  	[sflag:s23] =	ssyncset.done $0x0  }
0xaa: {  	s25 =	simm.s32 $0x1B8E;
	s24 =	sld [smem:$0x3FFE];
	[sflag:s23] =	ssyncadd.s32 $0xFFFFFFFF  }
0xab: {  	s26 =	simm.s32 $execute0_lowered;
	[smem:$0x3FD2] =	sst s25  }
0xac: {  	s7 =	sshll.u32 s26, $0x1;
	_ =	strace $0x80000049;
	[dreg:$0x1] =	wrdreg $0xFFFFFFFF  }
0xad: {  	s28 =	simm.s32 $_size_execute0_lowered;
	s5 =	sadd.s32 s5, s7;
	[dreg:$0x0] =	wrdreg $0x0  }
0xae: {  	s7 =	sshll.u32 s28, $0x1;
	[dreg:$0x2] =	wrdreg s5  }
0xaf: {  	[dreg:$0x3] =	wrdreg s7  }
0xb0: {  	[dreg:$0x4] =	wrdreg $0xC0  }
0xb1: {  	_ =	task [dreg:s9], $0x5FFFF  }
0xb2: {  	[dreg:$0x1] =	wrdreg $0xFFFFFFFF  }
0xb3: {  	[dreg:$0x0] =	wrdreg $0x60  }
0xb4: {  	[dreg:$0x2] =	wrdreg s24  }
0xb5: {  	[dreg:$0x3] =	wrdreg s17  }
0xb6: {  	[dreg:$0x4] =	wrdreg s16  }
0xb7: {  	[dreg:$0x5] =	wrdreg s18  }
0xb8: {  	[dreg:$0x6] =	wrdreg $0xB4000  }
0xb9: {  	[dreg:$0x7] =	wrdreg $0x9  }
0xba: {  	_ =	task.clear_ibuf [dreg:s9], $0x8FFFF;
	_ =	strace $0x90000049  }
0xbb: {  	s29 =	simm.s32 $0x9;
	_ =	strace $0x8000004B  }
0xbc: {  	_ =	swait.ge [sflag:s29], $0x1  }
0xbd: {  	[sflag:s29] =	ssyncadd.s32 $0xFFFFFFFF  }
0xbe: {  	_ =	strace $0x9000004B  }
0xbf: {  	_ =	sfence  }
0xc0: {  	s30 =	sld [smem:$0x0];
	_ =	sdelay $0x2  }
0xc1: {  	s31 =	sshll.u32 s1, $0xD;
	s1 =	sshrl.u32 s1, $0x2  }
0xc2: {  	s3 =	sand.u32 $0x4000, s31;
	s1 =	sadd.s32 s1, s30  }
0xc3: {  	s0 =	sor.u32 s3, s0;
	s1 =	sshll.u32 s1, $0x11  }
0xc4: {  	s0 =	sor.u32 s1, s0  }
0xc5: {  	s0 =	sadd.s32 $0x8F2B, s0  }
0xc6: {  	[sflag:s0] =	ssyncadd.remote.s32 $0x1  }
0xc7: {  	_ =	sfence.sel $0xFFFF  }
0xc8: {  	[dreg:$0x0] =	wrdreg $0xFFFFFFFF;
	(pc) =	sbr.abs _section_cstart, $3  }
0xc9: {  	[dreg:$0x1] =	wrdreg $0xFFFFFFFF  }
0xca: {  	_ =	task.clear_ibuf [dreg:s9], $0x2FFFF;
	_ =	strace $0x9FFFFFFF  }
0xcb: {  	(tm) =	ssettm $0x7FFFFFFF  }
tec
execute0_lowered:
.L_overlay_start_1:
0x0: {  	(tag) =	ssettag $0x1  }
0x1: {  	s0 =	rddreg [dreg:$0x0]  }
0x2: {  	s1 =	rddreg [dreg:$0x1]  }
0x3: {  	s11 =	rddreg [dreg:$0x2]  }
0x4: {  	s3 =	rddreg [dreg:$0x4]  }
0x5: {  	s5 =	srdreg.scid;
	s2 =	stileid.u32;
	s4 =	simm.s32 $0x0  }
0x6: {  	s14 =	simm.s32 $0x5;
	s16 =	simm.s32 $0x50;
	s17 =	simm.s32 $0x1400  }
0x7: {  	s18 =	simm.s32 $0x3C00;
	s19 =	simm.s32 $0x1;
	s20 =	simm.s32 $0x6400  }
0x8: {  	s21 =	simm.s32 $0x2;
	s22 =	simm.s32 $0x8C00;
	s23 =	simm.s32 $0x3  }
0x9: {  	s24 =	simm.s32 $0x4;
	s6 =	sand.u32 $0x1, s5;
	s7 =	smul.u32 $0x13880, s2  }
0xa: {  	[smem:$0x7FF] =	sst s4;
	s26 =	smul.u32 $0x2800, s2;
	s28 =	sshll.u32 s2, $0x6  }
0xb: {  	s8 =	smul.u32 $0x138800, s6;
	s5 =	sshll.u32 s6, $0x4;
	_ =	strace $0x8000004A  }
0xc: {  	s10 =	ssub.s32 $0x2, s6;
	s12 =	smul.u32 $0x28000, s6;
	s6 =	sor.u32 $0x1C05, s28  }
0xd: {  	s9 =	sor.u32 s2, s5;
	s5 =	sadd.s32 $0xDE00, s0;
	s25 =	sshrl.u32 s10, $0x1  }
0xe: {  	s13 =	sadd.s32 s7, s3;
	s8 =	sadd.s32 s7, s8;
	s9 =	smul.u32 $0x2800, s9  }
0xf: {  	s10 =	ssub.s32 s10, s25;
	s12 =	sadd.s32 s26, s12;
	s13 =	sshrl.u32 s13, $0x3  }
.Ltmp0:
0x10: {  	s25 =	simm.s32 $0x0;
	s8 =	sshrl.u32 s8, $0x3;
	(pc) =	sbr.rel .LBB2_1-.Ltmp0, $4  }
0x11: {  	s12 =	sor.u32 $0x500, s12;
	s10 =	smax.u32 s10, $0x1;
	s9 =	sshrl.u32 s9, $0x3  }
0x12: {  	s0 =	sadd.s32 s8, s0;
	s31 =	sshrl.u32 s12, $0x3;
	s29 =	sadd.s32 s1, s9  }
0x13: {  	s30 =	sadd.s32 s11, s9;
	s9 =	sadd.s32 $0x35E00, s0;
	[dreg:$0x6] =	wrdreg s29  }
0x14: {  	s11 =	sadd.s32 s31, s11;
	s12 =	sadd.s32 s31, s1;
	[dreg:$0x7] =	wrdreg s30  }
.LBB2_3:
0x15: {  	_ =	swait.ge [sflag:s21], $0x2800  }
0x16: {  	[sflag:s21] =	ssyncset.done $0x0  }
0x17: {  	[sflag:s21] =	ssyncadd.s32 $0xFFFFD800  }
0x18: {  	_ =	swait.ge [sflag:s24], $0x2800  }
0x19: {  	[sflag:s24] =	ssyncset.done $0x0  }
0x1a: {  	s0 =	sadd.s32 $0xA00, s1;
	[sflag:s24] =	ssyncadd.s32 $0xFFFFD800  }
0x1b: {  	[spmem:s3] =	stream.indirect.scatter.add.f32 [tilespmem:s22], [sflag:$0x4], $0x80, s0, s16, $0xb8;
	[tilespmem:$0x1EC80] =	vst v63  }
.LBB2_5:
0x1c: {  	_ =	swait.ge [sflag:s23], $0x2800  }
0x1d: {  	[sflag:s23] =	ssyncset.done $0x0  }
0x1e: {  	[sflag:s23] =	ssyncadd.s32 $0xFFFFD800  }
0x1f: {  	_ =	swait.ge [sflag:s24], $0x2800  }
0x20: {  	s25 =	sadd.s32 $0x1, s25;
	[sflag:s24] =	ssyncset.done $0x0  }
0x21: {  	p0 =	sne.s32 s25, s10;
	[sflag:s24] =	ssyncadd.s32 $0xFFFFD800  }
.Ltmp1:
0x22: {  	[bflag:$0x0] =	sbarrier.arrive $0xFFFF;
	(pc) =	sbr.rel @!p0 .LBB2_6-.Ltmp1, $4  }
0x23: {  	[hbm:s9], [sflag:s6] =	dma.local [spmem:s13], $0x2710  }
0x24: {  	_ =	swait.ge [sflag:s14], $0x2710  }
0x25: {  	[sflag:s14] =	ssyncset.done $0x0  }
0x26: {  	[sflag:s14] =	ssyncadd.s32 $0xFFFFD8F0  }
.LBB2_1:
0x27: {  	s0 =	rddreg [dreg:$0x3]  }
0x28: {  	[spmem:s13], [sflag:s6] =	dma.local [hbm:s0], $0x2710  }
0x29: {  	_ =	swait.ge [sflag:s14], $0x2710  }
0x2a: {  	[sflag:s14] =	ssyncset.done $0x0  }
0x2b: {  	s29 =	rddreg [dreg:$0x6];
	[sflag:s14] =	ssyncadd.s32 $0xFFFFD8F0  }
0x2c: {  	[tilespmem:s4], [sflag:$0x5] =	stream.linear.gather [hbm4b:s29+s4], $0x500, $0x38;
	[tilespmem:$0x1EC80] =	vst v63  }
0x2d: {  	_ =	swait.ge [sflag:s14], $0x500  }
0x2e: {  	[sflag:s14] =	ssyncset.done $0x0  }
0x2f: {  	s1 =	simm.s32 $0xA00;
	s31 =	rddreg [dreg:$0x7];
	[sflag:s14] =	ssyncadd.s32 $0xFFFFFB00  }
0x30: {  	[tilespmem:s1], [sflag:$0x5] =	stream.linear.gather [hbm4b:s31+s4], $0x500, $0x38;
	[tilespmem:$0x1EC80] =	vst v63  }
0x31: {  	_ =	swait.ge [sflag:s14], $0x500  }
0x32: {  	[sflag:s14] =	ssyncset.done $0x0  }
0x33: {  	[sflag:s14] =	ssyncadd.s32 $0xFFFFFB00  }
0x34: {  	[bflag:$0x0] =	sbarrier.arrive $0xFFFF  }
0x35: {  	[tilespmem:s17], [sflag:$0x1] =	stream.indirect.gather [hbm4b:s5+s16], $0x80, s4, s16, $0xb8;
	[tilespmem:$0x1EC80] =	vst v63  }
0x36: {  	s26 =	smov.u32 s12;
	s28 =	smov.u32 s11;
	s30 =	simm.s32 $0x0  }
0x37: {  	[tilespmem:s18], [sflag:$0x2] =	stream.indirect.gather [hbm4b:s5+s16], $0x80, s16, s16, $0xb8;
	[tilespmem:$0x1EC80] =	vst v63  }
.LBB2_2:
0x38: {  	_ =	swait.ge [sflag:s19], $0x2800  }
0x39: {  	p0 =	seq.s32 s30, $0x0;
	[sflag:s19] =	ssyncset.done $0x0  }
0x3a: {  	s1 =	sand.u32 $0x1, s30;
	s0 =	simm.s32 @!p0 $0x3;
	[sflag:s19] =	ssyncadd.s32 $0xFFFFD800  }
0x3b: {  	s31 =	simm.s32 $0x500;
	p1 =	seq.s32 s1, $0x1;
	_ =	swait.ge @!p0 [sflag:s0], $0x2800  }
0x3c: {  	s31 =	simm.s32 @!p1 $0x0;
	[sflag:s0] =	ssyncset.done @!p0 $0x0  }
0x3d: {  	s2 =	sor.u32 $0xA00, s31;
	[sflag:s0] =	ssyncadd.s32 @!p0 $0xFFFFD800  }
0x3e: {  	[spmem:s3] =	stream.indirect.scatter.add.f32 [tilespmem:s17], [sflag:$0x3], $0x80, s2, s16, $0xb8;
	[tilespmem:$0x1EC80] =	vst v63  }
0x3f: {  	s1 =	sor.u32 $0xA0, s31  }
0x40: {  	[tilespmem:s20], [sflag:$0x1] =	stream.indirect.gather [hbm4b:s5+s16], $0x80, s1, s16, $0xb8;
	[tilespmem:$0x1EC80] =	vst v63  }
0x41: {  	_ =	swait.ge [sflag:s21], $0x2800  }
0x42: {  	[sflag:s21] =	ssyncset.done $0x0  }
0x43: {  	s0 =	simm.s32 @!p0 $0x4;
	[sflag:s21] =	ssyncadd.s32 $0xFFFFD800  }
0x44: {  	s29 =	smov.u32 s30;
	_ =	swait.ge @!p0 [sflag:s0], $0x2800  }
0x45: {  	s30 =	sadd.s32 $0x1, s30;
	s7 =	sadd.s32 $0xA50, s31;
	[sflag:s0] =	ssyncset.done @!p0 $0x0  }
0x46: {  	[sflag:s0] =	ssyncadd.s32 @!p0 $0xFFFFD800;
	s0 =	sand.u32 $0x1, s30;
	p0 =	seq.s32 s29, $0x7  }
0x47: {  	[spmem:s3] =	stream.indirect.scatter.add.f32 [tilespmem:s18], [sflag:$0x4], $0x80, s7, s16, $0xb8;
	[tilespmem:$0x1EC80] =	vst v63  }
0x48: {  	s2 =	sor.u32 $0xF0, s31;
	s15 =	smul.u32 @!p0 $0x500, s0  }
0x49: {  	[tilespmem:s22], [sflag:$0x2] =	stream.indirect.gather [hbm4b:s5+s16], $0x80, s2, s16, $0xb8;
	[tilespmem:$0x1EC80] =	vst v63  }
0x4a: {  	s7 =	simm.s32 @!p0 $0x0;
	s8 =	simm.s32 @!p0 $0x5  }
0x4b: {  	[tilespmem:s15], [sflag:$0x5] =	stream.linear.gather @!p0 [hbm4b:s26+s7], $0x500, $0x38;
	[tilespmem:$0x1EC80] =	vst v63  }
0x4c: {  	_ =	swait.ge @!p0 [sflag:s8], $0x500  }
0x4d: {  	[sflag:s8] =	ssyncset.done @!p0 $0x0  }
0x4e: {  	s15 =	sadd.s32 @!p0 $0xA00, s15;
	[sflag:s8] =	ssyncadd.s32 @!p0 $0xFFFFFB00  }
0x4f: {  	[tilespmem:s15], [sflag:$0x5] =	stream.linear.gather @!p0 [hbm4b:s28+s7], $0x500, $0x38;
	[tilespmem:$0x1EC80] =	vst v63  }
0x50: {  	_ =	swait.ge @!p0 [sflag:s8], $0x500  }
0x51: {  	[sflag:s8] =	ssyncset.done @!p0 $0x0  }
0x52: {  	[sflag:s8] =	ssyncadd.s32 @!p0 $0xFFFFFB00  }
0x53: {  	_ =	swait.ge [sflag:s19], $0x2800  }
0x54: {  	[sflag:s19] =	ssyncset.done $0x0  }
0x55: {  	[sflag:s19] =	ssyncadd.s32 $0xFFFFD800  }
0x56: {  	_ =	swait.ge [sflag:s23], $0x2800  }
0x57: {  	[sflag:s23] =	ssyncset.done $0x0  }
0x58: {  	s1 =	sadd.s32 $0xA00, s1;
	[sflag:s23] =	ssyncadd.s32 $0xFFFFD800  }
0x59: {  	[spmem:s3] =	stream.indirect.scatter.add.f32 [tilespmem:s20], [sflag:$0x3], $0x80, s1, s16, $0xb8;
	[tilespmem:$0x1EC80] =	vst v63  }
0x5a: {  	s8 =	sadd.s32 $0x140, s31  }
0x5b: {  	[tilespmem:s17], [sflag:$0x1] =	stream.indirect.gather [hbm4b:s5+s16], $0x80, s8, s16, $0xb8;
	[tilespmem:$0x1EC80] =	vst v63  }
0x5c: {  	_ =	swait.ge [sflag:s21], $0x2800  }
0x5d: {  	[sflag:s21] =	ssyncset.done $0x0  }
0x5e: {  	[sflag:s21] =	ssyncadd.s32 $0xFFFFD800  }
0x5f: {  	_ =	swait.ge [sflag:s24], $0x2800  }
0x60: {  	[sflag:s24] =	ssyncset.done $0x0  }
0x61: {  	s15 =	sadd.s32 $0xA00, s2;
	[sflag:s24] =	ssyncadd.s32 $0xFFFFD800  }
0x62: {  	[spmem:s3] =	stream.indirect.scatter.add.f32 [tilespmem:s22], [sflag:$0x4], $0x80, s15, s16, $0xb8;
	[tilespmem:$0x1EC80] =	vst v63  }
0x63: {  	s2 =	sadd.s32 $0x190, s31  }
0x64: {  	[tilespmem:s18], [sflag:$0x2] =	stream.indirect.gather [hbm4b:s5+s16], $0x80, s2, s16, $0xb8;
	[tilespmem:$0x1EC80] =	vst v63  }
0x65: {  	_ =	swait.ge [sflag:s19], $0x2800  }
0x66: {  	[sflag:s19] =	ssyncset.done $0x0  }
0x67: {  	[sflag:s19] =	ssyncadd.s32 $0xFFFFD800  }
0x68: {  	_ =	swait.ge [sflag:s23], $0x2800  }
0x69: {  	[sflag:s23] =	ssyncset.done $0x0  }
0x6a: {  	s7 =	sadd.s32 $0xB40, s31;
	[sflag:s23] =	ssyncadd.s32 $0xFFFFD800  }
0x6b: {  	[spmem:s3] =	stream.indirect.scatter.add.f32 [tilespmem:s17], [sflag:$0x3], $0x80, s7, s16, $0xb8;
	[tilespmem:$0x1EC80] =	vst v63  }
0x6c: {  	s8 =	sadd.s32 $0x1E0, s31  }
0x6d: {  	[tilespmem:s20], [sflag:$0x1] =	stream.indirect.gather [hbm4b:s5+s16], $0x80, s8, s16, $0xb8;
	[tilespmem:$0x1EC80] =	vst v63  }
0x6e: {  	_ =	swait.ge [sflag:s21], $0x2800  }
0x6f: {  	[sflag:s21] =	ssyncset.done $0x0  }
0x70: {  	[sflag:s21] =	ssyncadd.s32 $0xFFFFD800  }
0x71: {  	_ =	swait.ge [sflag:s24], $0x2800  }
0x72: {  	[sflag:s24] =	ssyncset.done $0x0  }
0x73: {  	s15 =	sadd.s32 $0xB90, s31;
	[sflag:s24] =	ssyncadd.s32 $0xFFFFD800  }
0x74: {  	[spmem:s3] =	stream.indirect.scatter.add.f32 [tilespmem:s18], [sflag:$0x4], $0x80, s15, s16, $0xb8;
	[tilespmem:$0x1EC80] =	vst v63  }
0x75: {  	s2 =	sor.u32 $0x230, s31  }
0x76: {  	[tilespmem:s22], [sflag:$0x2] =	stream.indirect.gather [hbm4b:s5+s16], $0x80, s2, s16, $0xb8;
	[tilespmem:$0x1EC80] =	vst v63  }
0x77: {  	_ =	swait.ge [sflag:s19], $0x2800  }
0x78: {  	[sflag:s19] =	ssyncset.done $0x0  }
0x79: {  	[sflag:s19] =	ssyncadd.s32 $0xFFFFD800  }
0x7a: {  	_ =	swait.ge [sflag:s23], $0x2800  }
0x7b: {  	[sflag:s23] =	ssyncset.done $0x0  }
0x7c: {  	s7 =	sadd.s32 $0xBE0, s31;
	[sflag:s23] =	ssyncadd.s32 $0xFFFFD800  }
0x7d: {  	[spmem:s3] =	stream.indirect.scatter.add.f32 [tilespmem:s20], [sflag:$0x3], $0x80, s7, s16, $0xb8;
	[tilespmem:$0x1EC80] =	vst v63  }
0x7e: {  	s8 =	sor.u32 $0x280, s31  }
0x7f: {  	[tilespmem:s17], [sflag:$0x1] =	stream.indirect.gather [hbm4b:s5+s16], $0x80, s8, s16, $0xb8;
	[tilespmem:$0x1EC80] =	vst v63  }
0x80: {  	_ =	swait.ge [sflag:s21], $0x2800  }
0x81: {  	[sflag:s21] =	ssyncset.done $0x0  }
0x82: {  	[sflag:s21] =	ssyncadd.s32 $0xFFFFD800  }
0x83: {  	_ =	swait.ge [sflag:s24], $0x2800  }
0x84: {  	[sflag:s24] =	ssyncset.done $0x0  }
0x85: {  	s15 =	sadd.s32 $0xC30, s31;
	[sflag:s24] =	ssyncadd.s32 $0xFFFFD800  }
0x86: {  	[spmem:s3] =	stream.indirect.scatter.add.f32 [tilespmem:s22], [sflag:$0x4], $0x80, s15, s16, $0xb8;
	[tilespmem:$0x1EC80] =	vst v63  }
0x87: {  	s2 =	sor.u32 $0x2D0, s31  }
0x88: {  	[tilespmem:s18], [sflag:$0x2] =	stream.indirect.gather [hbm4b:s5+s16], $0x80, s2, s16, $0xb8;
	[tilespmem:$0x1EC80] =	vst v63  }
0x89: {  	_ =	swait.ge [sflag:s19], $0x2800  }
0x8a: {  	[sflag:s19] =	ssyncset.done $0x0  }
0x8b: {  	[sflag:s19] =	ssyncadd.s32 $0xFFFFD800  }
0x8c: {  	_ =	swait.ge [sflag:s23], $0x2800  }
0x8d: {  	[sflag:s23] =	ssyncset.done $0x0  }
0x8e: {  	s7 =	sadd.s32 $0xC80, s31;
	[sflag:s23] =	ssyncadd.s32 $0xFFFFD800  }
0x8f: {  	[spmem:s3] =	stream.indirect.scatter.add.f32 [tilespmem:s17], [sflag:$0x3], $0x80, s7, s16, $0xb8;
	[tilespmem:$0x1EC80] =	vst v63  }
0x90: {  	s8 =	sadd.s32 $0x320, s31  }
0x91: {  	[tilespmem:s20], [sflag:$0x1] =	stream.indirect.gather [hbm4b:s5+s16], $0x80, s8, s16, $0xb8;
	[tilespmem:$0x1EC80] =	vst v63  }
0x92: {  	_ =	swait.ge [sflag:s21], $0x2800  }
0x93: {  	[sflag:s21] =	ssyncset.done $0x0  }
0x94: {  	[sflag:s21] =	ssyncadd.s32 $0xFFFFD800  }
0x95: {  	_ =	swait.ge [sflag:s24], $0x2800  }
0x96: {  	[sflag:s24] =	ssyncset.done $0x0  }
0x97: {  	s15 =	sadd.s32 $0xCD0, s31;
	[sflag:s24] =	ssyncadd.s32 $0xFFFFD800  }
0x98: {  	[spmem:s3] =	stream.indirect.scatter.add.f32 [tilespmem:s18], [sflag:$0x4], $0x80, s15, s16, $0xb8;
	[tilespmem:$0x1EC80] =	vst v63  }
0x99: {  	s2 =	sadd.s32 $0x370, s31  }
0x9a: {  	[tilespmem:s22], [sflag:$0x2] =	stream.indirect.gather [hbm4b:s5+s16], $0x80, s2, s16, $0xb8;
	[tilespmem:$0x1EC80] =	vst v63  }
0x9b: {  	_ =	swait.ge [sflag:s19], $0x2800  }
0x9c: {  	[sflag:s19] =	ssyncset.done $0x0  }
0x9d: {  	[sflag:s19] =	ssyncadd.s32 $0xFFFFD800  }
0x9e: {  	_ =	swait.ge [sflag:s23], $0x2800  }
0x9f: {  	[sflag:s23] =	ssyncset.done $0x0  }
0xa0: {  	s7 =	sadd.s32 $0xD20, s31;
	[sflag:s23] =	ssyncadd.s32 $0xFFFFD800  }
0xa1: {  	[spmem:s3] =	stream.indirect.scatter.add.f32 [tilespmem:s20], [sflag:$0x3], $0x80, s7, s16, $0xb8;
	[tilespmem:$0x1EC80] =	vst v63  }
0xa2: {  	s8 =	sadd.s32 $0x3C0, s31  }
0xa3: {  	[tilespmem:s17], [sflag:$0x1] =	stream.indirect.gather [hbm4b:s5+s16], $0x80, s8, s16, $0xb8;
	[tilespmem:$0x1EC80] =	vst v63  }
0xa4: {  	_ =	swait.ge [sflag:s21], $0x2800  }
0xa5: {  	[sflag:s21] =	ssyncset.done $0x0  }
0xa6: {  	[sflag:s21] =	ssyncadd.s32 $0xFFFFD800  }
0xa7: {  	_ =	swait.ge [sflag:s24], $0x2800  }
0xa8: {  	[sflag:s24] =	ssyncset.done $0x0  }
0xa9: {  	s15 =	sadd.s32 $0xD70, s31;
	[sflag:s24] =	ssyncadd.s32 $0xFFFFD800  }
0xaa: {  	[spmem:s3] =	stream.indirect.scatter.add.f32 [tilespmem:s22], [sflag:$0x4], $0x80, s15, s16, $0xb8;
	[tilespmem:$0x1EC80] =	vst v63  }
0xab: {  	s2 =	sadd.s32 $0x410, s31  }
0xac: {  	[tilespmem:s18], [sflag:$0x2] =	stream.indirect.gather [hbm4b:s5+s16], $0x80, s2, s16, $0xb8;
	[tilespmem:$0x1EC80] =	vst v63  }
0xad: {  	_ =	swait.ge [sflag:s19], $0x2800  }
0xae: {  	[sflag:s19] =	ssyncset.done $0x0  }
0xaf: {  	[sflag:s19] =	ssyncadd.s32 $0xFFFFD800  }
0xb0: {  	_ =	swait.ge [sflag:s23], $0x2800  }
0xb1: {  	[sflag:s23] =	ssyncset.done $0x0  }
0xb2: {  	s7 =	sadd.s32 $0xDC0, s31;
	[sflag:s23] =	ssyncadd.s32 $0xFFFFD800  }
0xb3: {  	[spmem:s3] =	stream.indirect.scatter.add.f32 [tilespmem:s17], [sflag:$0x3], $0x80, s7, s16, $0xb8;
	[tilespmem:$0x1EC80] =	vst v63  }
0xb4: {  	s8 =	sadd.s32 $0x460, s31  }
0xb5: {  	[tilespmem:s20], [sflag:$0x1] =	stream.indirect.gather [hbm4b:s5+s16], $0x80, s8, s16, $0xb8;
	[tilespmem:$0x1EC80] =	vst v63  }
0xb6: {  	_ =	swait.ge [sflag:s21], $0x2800  }
0xb7: {  	[sflag:s21] =	ssyncset.done $0x0  }
0xb8: {  	[sflag:s21] =	ssyncadd.s32 $0xFFFFD800  }
0xb9: {  	_ =	swait.ge [sflag:s24], $0x2800  }
0xba: {  	[sflag:s24] =	ssyncset.done $0x0  }
0xbb: {  	s15 =	sadd.s32 $0xE10, s31;
	[sflag:s24] =	ssyncadd.s32 $0xFFFFD800  }
0xbc: {  	[spmem:s3] =	stream.indirect.scatter.add.f32 [tilespmem:s18], [sflag:$0x4], $0x80, s15, s16, $0xb8;
	[tilespmem:$0x1EC80] =	vst v63  }
0xbd: {  	s1 =	sadd.s32 $0x4B0, s31  }
0xbe: {  	[tilespmem:s22], [sflag:$0x2] =	stream.indirect.gather [hbm4b:s5+s16], $0x80, s1, s16, $0xb8;
	[tilespmem:$0x1EC80] =	vst v63  }
0xbf: {  	_ =	swait.ge [sflag:s19], $0x2800  }
0xc0: {  	p0 =	sne.s32 s29, $0x7;
	[sflag:s19] =	ssyncset.done $0x0  }
.Ltmp2:
0xc1: {  	[sflag:s19] =	ssyncadd.s32 $0xFFFFD800;
	(pc) =	sbr.rel @!p0 .LBB2_3-.Ltmp2, $4  }
0xc2: {  	_ =	swait.ge [sflag:s23], $0x2800  }
0xc3: {  	[sflag:s23] =	ssyncset.done $0x0  }
0xc4: {  	s31 =	sadd.s32 $0xE60, s31;
	[sflag:s23] =	ssyncadd.s32 $0xFFFFD800  }
0xc5: {  	[spmem:s3] =	stream.indirect.scatter.add.f32 [tilespmem:s20], [sflag:$0x3], $0x80, s31, s16, $0xb8;
	[tilespmem:$0x1EC80] =	vst v63  }
0xc6: {  	s0 =	smul.u32 $0x1400, s0;
	_ =	sdelay $0x1  }
0xc7: {  	s0 =	sshrl.u32 s0, $0x2  }
0xc8: {  	[tilespmem:s17], [sflag:$0x1] =	stream.indirect.gather [hbm4b:s5+s16], $0x80, s0, s16, $0xb8;
	[tilespmem:$0x1EC80] =	vst v63  }
0xc9: {  	_ =	swait.ge [sflag:s21], $0x2800  }
0xca: {  	[sflag:s21] =	ssyncset.done $0x0  }
0xcb: {  	[sflag:s21] =	ssyncadd.s32 $0xFFFFD800  }
0xcc: {  	p0 =	sne.s32 s30, $0x8;
	_ =	swait.ge [sflag:s24], $0x2800  }
.Ltmp3:
0xcd: {  	[sflag:s24] =	ssyncset.done $0x0;
	(pc) =	sbr.rel @p0 .LBB2_2-.Ltmp3, $4  }
.Ltmp4:
0xce: {  	s1 =	sadd.s32 $0xA00, s1;
	[sflag:s24] =	ssyncadd.s32 $0xFFFFD800;
	(pc) =	sbr.rel @!p0 .LBB2_5-.Ltmp4, $4  }
0xcf: {  	[spmem:s3] =	stream.indirect.scatter.add.f32 [tilespmem:s22], [sflag:$0x4], $0x80, s1, s16, $0xb8;
	[tilespmem:$0x1EC80] =	vst v63  }
0xd0: {  	s28 =	sadd.s32 $0xA0, s28;
	s26 =	sadd.s32 $0xA0, s26;
	s0 =	sor.u32 $0x50, s0  }
0xd1: {  	[tilespmem:s18], [sflag:$0x2] =	stream.indirect.gather [hbm4b:s5+s16], $0x80, s0, s16, $0xb8;
	[tilespmem:$0x1EC80] =	vst v63  }
0xd2: {  	_ = 	snop  }
.LBB2_6:
0xd3: {  	_ =	sfence.sel $0x180000  }
0xd4: {  	[bflag:$0x0] =	sbarrier.arrive $0xFFFF  }
0xd5: {  	_ =	strace $0x9000004A  }
0xd6: {  	s0 =	stileid.u32;
	[bflag:$0x2] =	sbarrier.arrive $0xFFFF  }
0xd7: {  	p0 =	sne.s32 s0, $0x0;
	s0 =	rddreg [dreg:$0x5]  }
0xd8: {  	s0 =	sadd.s32 @!p0 $0x100000, s0  }
0xd9: {  	[sflag:s0] =	ssyncadd.tile.s32 @!p0 $0x1;
	_ =	shalt  }
.Lfunc_end2:
_tile_overlayer_lowered:
.L_overlay_start_2:
0xda: {  	(tag) =	ssettag $0x2  }
0xdb: {  	s0 =	rddreg [dreg:$0x0];
	s2 =	stileid.u32  }
0xdc: {  	s1 =	rddreg [dreg:$0x1];
	p0 =	sne.s32 s2, $0x0  }
0xdd: {  	s3 =	rddreg [dreg:$0x2];
	[bflag:$0x3] =	sbarrier.arrive $0xFFFF;
	s2 =	simm.s32 @!p0 $0x1C05  }
0xde: {  	[timem:s3], [sflag:s2] =	dma.local @!p0 [hbm:s0], s1  }
0xdf: {  	s0 =	simm.s32 @!p0 $0x5  }
0xe0: {  	_ =	swait.ge @!p0 [sflag:s0], s1  }
0xe1: {  	s1 =	ssub.s32 @!p0 $0x0, s1;
	[sflag:s0] =	ssyncset.done @!p0 $0x0  }
0xe2: {  	[sflag:s0] =	ssyncadd.s32 @!p0 s1  }
0xe3: {  	[bflag:$0x3] =	sbarrier.arrive $0xFFFF  }
0xe4: {  	_ =	shalt  }

</sc_bundles>
